<compile_context>
chip_gen: v7x
topology: tpu7x:2x2x1
jax: 0.10.2.dev20260603
libtpu: 0.0.44.dev20260713+nightly
codegen_flags: <defaults>
</compile_context>

<pallas_src>
import jax
import jax.numpy as jnp
from jax import lax
from jax.experimental import pallas as pl
from jax.experimental.pallas import tpu as pltpu
from jax.experimental.pallas import tpu_sc as plsc

NUM_ROWS = 1000001
D = 64
HD = D // 2
BATCH = 4096
SEQ = 200
TOTAL = BATCH * SEQ
QB = BATCH // 4

_BLK = 4096
TROWS = 245 * _BLK

NC = 2
NS = 16
NW = NC * NS
GSEQ = SEQ // 2
LPW = GSEQ // 4
CH = 128
SUBS = 4
CHUNKS = LPW * SUBS

_RND = 0x8000
_HIMASK = 0xFFFF0000



def _project_body(xt_ref, w_ref, sl_ref, sh_ref, o_ref):
    xt = xt_ref[...]
    w = w_ref[...]
    acc = lax.dot_general(xt, w, (((0,), (1,)), ((), ())),
                          preferred_element_type=jnp.float32)
    lo = lax.dot_general(acc, sl_ref[...], (((1,), (0,)), ((), ())),
                         preferred_element_type=jnp.float32)
    hi = lax.dot_general(acc, sh_ref[...], (((1,), (0,)), ((), ())),
                         preferred_element_type=jnp.float32)
    lou = pltpu.bitcast(lo, jnp.uint32)
    hiu = pltpu.bitcast(hi, jnp.uint32)
    packed = (((lou + jnp.uint32(_RND)) & jnp.uint32(_HIMASK))
              | ((hiu + jnp.uint32(_RND)) >> 16))
    pf = pltpu.bitcast(packed, jnp.float32)
    o_ref[...] = jnp.concatenate(
        [pf[0 * QB:1 * QB], pf[1 * QB:2 * QB],
         pf[2 * QB:3 * QB], pf[3 * QB:4 * QB]], axis=1)


def _project(pca_t, W, sel_lo, sel_hi):
    return pl.pallas_call(
        _project_body,
        grid=(TROWS // _BLK,),
        in_specs=[
            pl.BlockSpec((D, _BLK), lambda i: (0, i)),
            pl.BlockSpec((D, D), lambda i: (0, 0)),
            pl.BlockSpec((D, HD), lambda i: (0, 0)),
            pl.BlockSpec((D, HD), lambda i: (0, 0)),
        ],
        out_specs=pl.BlockSpec((QB, 128), lambda i: (i, 0)),
        out_shape=jax.ShapeDtypeStruct((TROWS // 4, 128), jnp.float32),
    )(pca_t, W, sel_lo, sel_hi)




def _finish_body(p_ref, eye_ref, b_ref, o_ref):
    p = p_ref[...]
    pu = pltpu.bitcast(p, jnp.uint32)
    ef = pltpu.bitcast(pu & jnp.uint32(_HIMASK), jnp.float32)
    of = pltpu.bitcast(pu << 16, jnp.float32)
    eye = eye_ref[...]
    acc_e = lax.dot_general(eye, ef, (((1,), (1,)), ((), ())),
                            preferred_element_type=jnp.float32)
    acc_o = lax.dot_general(eye, of, (((1,), (1,)), ((), ())),
                            preferred_element_type=jnp.float32)
    b2 = b_ref[...]
    for j in range(4):
        o_ref[0, 0:HD, j * QB:(j + 1) * QB] = (
            acc_e[HD * j:HD * (j + 1)] + b2[0:HD])
        o_ref[0, HD:D, j * QB:(j + 1) * QB] = (
            acc_o[HD * j:HD * (j + 1)] + b2[HD:D])


def _finish_half0(pe_p, eye, b2d):
    return pl.pallas_call(
        _finish_body,
        grid=(GSEQ,),
        in_specs=[
            pl.BlockSpec((QB, 128), lambda i: (i, 0)),
            pl.BlockSpec((128, 128), lambda i: (0, 0)),
            pl.BlockSpec((D, 1), lambda i: (0, 0)),
        ],
        out_specs=pl.BlockSpec((1, D, BATCH), lambda i: (i, 0, 0)),
        out_shape=jax.ShapeDtypeStruct((SEQ, D, BATCH), jnp.float32),
    )(pe_p, eye, b2d)


def _finish_body1(prev_ref, p_ref, eye_ref, b_ref, o_ref):
    _finish_body(p_ref, eye_ref, b_ref, o_ref)


def _finish_half1(prev, pe_p, eye, b2d):
    return pl.pallas_call(
        _finish_body1,
        grid=(GSEQ,),
        in_specs=[
            pl.BlockSpec((1, 8, 128), lambda i: (0, 0, 0)),
            pl.BlockSpec((QB, 128), lambda i: (i, 0)),
            pl.BlockSpec((128, 128), lambda i: (0, 0)),
            pl.BlockSpec((D, 1), lambda i: (0, 0)),
        ],
        out_specs=pl.BlockSpec((1, D, BATCH), lambda i: (i + GSEQ, 0, 0)),
        out_shape=jax.ShapeDtypeStruct((SEQ, D, BATCH), jnp.float32),
        input_output_aliases={0: 0},
    )(prev, pe_p, eye, b2d)



NB = 6


def _gather_body(g, table_hbm, nodes_hbm, out_hbm, idx_v, rows_v, sems):
    wid = lax.axis_index("s") * NC + lax.axis_index("c")
    wl = wid // 8
    wc = wid - 8 * wl
    l0 = g * GSEQ + wl * LPW

    def chunk_info(k):
        l = l0 + k // SUBS
        sub = lax.rem(k, SUBS)
        return l, sub

    def issue_idx(k):
        s = lax.rem(k, NB)
        l, sub = chunk_info(k)
        for j in range(4):
            pltpu.async_copy(
                nodes_hbm.at[l, pl.ds(j * QB + wc * 128 + sub * 32, 32)],
                idx_v.at[s, pl.ds(j * 32, 32)], sems.at[s])

    def wait_idx_and_remap_and_gather(k):
        s = lax.rem(k, NB)
        l, sub = chunk_info(k)
        for j in range(4):
            pltpu.make_async_copy(
                nodes_hbm.at[l, pl.ds(j * QB + wc * 128 + sub * 32, 32)],
                idx_v.at[s, pl.ds(j * 32, 32)], sems.at[s]).wait()
        for v in range(8):
            x = idx_v[s, pl.ds(v * 16, 16)]
            y = ((x & (-_BLK)) | ((x & (QB - 1)) << 2) | ((x >> 10) & 3))
            idx_v[s, pl.ds(v * 16, 16)] = y
        pltpu.async_copy(table_hbm.at[idx_v.at[s]], rows_v.at[s], sems.at[s])

    def out_rows(k):
        l, sub = chunk_info(k)
        return pl.ds((l - g * GSEQ) * BATCH + wc * 512 + sub * CH, CH)

    def wait_gather_issue_store(k):
        s = lax.rem(k, NB)
        pltpu.make_async_copy(table_hbm.at[idx_v.at[s]], rows_v.at[s],
                              sems.at[s]).wait()
        pltpu.async_copy(rows_v.at[s], out_hbm.at[out_rows(k)], sems.at[s])

    def wait_store(k):
        s = lax.rem(k, NB)
        pltpu.make_async_copy(rows_v.at[s], out_hbm.at[out_rows(k)],
                              sems.at[s]).wait()

    def body(j0, _):
        ka = j0
        kb = j0 - 2
        kc = j0 - 4

        @pl.when(ka < CHUNKS)
        def _():
            @pl.when(ka >= NB)
            def _():
                wait_store(ka - NB)
            issue_idx(ka)

        @pl.when(jnp.logical_and(kb >= 0, kb < CHUNKS))
        def _():
            wait_idx_and_remap_and_gather(kb)

        @pl.when(kc >= 0)
        def _():
            wait_gather_issue_store(kc)

        return 0

    lax.fori_loop(0, CHUNKS + 4, body, 0)
    for m in range(CHUNKS - NB, CHUNKS):
        wait_store(m)


def _gather(table_flat, nodes_t, g):
    import functools
    mesh = plsc.VectorSubcoreMesh(core_axis_name="c", subcore_axis_name="s")
    k = pl.kernel(
        functools.partial(_gather_body, g),
        out_type=jax.ShapeDtypeStruct((TOTAL // 2, HD), jnp.float32),
        mesh=mesh,
        compiler_params=pltpu.CompilerParams(use_tc_tiling_on_sc=False),
        scratch_types=[
            pltpu.VMEM((NB, CH), jnp.int32),
            pltpu.VMEM((NB, CH, HD), jnp.float32),
            pltpu.SemaphoreType.DMA((NB,)),
        ],
    )
    return k(table_flat, nodes_t)


def kernel(nodes, pca_matrix, W, b):
    nt = nodes.T.astype(jnp.int32)
    eye = jnp.eye(D, dtype=jnp.float32)
    table_p = _project(pca_matrix.T, W, eye[:, :HD], eye[:, HD:])
    table_flat = table_p.reshape(TROWS, HD)
    eye128 = jnp.eye(128, dtype=jnp.float32)
    b2d = b.reshape(D, 1)
    pe_a = _gather(table_flat, nt, 0).reshape(TOTAL // 8, 128)
    pe_b = _gather(table_flat, nt, 1).reshape(TOTAL // 8, 128)
    out3 = _finish_half0(pe_a, eye128, b2d)
    out3 = _finish_half1(out3, pe_b, eye128, b2d)
    return jnp.transpose(out3, (2, 0, 1))

# --- scband reference (transcript-rebuilt; emitter-appended) ---
"""Pipeline reference for scband-position-encoding-27092653703924 (READ-ONLY COPY).

The authoritative reference and input builder live on the scoring server;
editing this copy changes nothing except your own understanding.
"""

import jax, jax.numpy as jnp
import numpy as np

NUM_NODES = 1000000  # node_cnt; table has NUM_NODES+1 rows (row 0 = padding)
PCA_DIM = 64
POSITION_DIM = 64
BATCH = 4096
SEQ = 200


def setup_inputs(seed: int = 0) -> dict:
    key = jax.random.key(seed)
    k1, k2, k3, k4 = jax.random.split(key, 4)
    nodes = jax.random.randint(k1, (BATCH, SEQ), 0, NUM_NODES + 1, dtype=jnp.int64 if jax.config.jax_enable_x64 else jnp.int32)
    # pca_matrix buffer: [node_cnt+1, pca_dim], row 0 zeros, normalized by std (as in init_dist_matrix)
    pca_matrix = jax.random.normal(k2, (NUM_NODES + 1, PCA_DIM), dtype=jnp.float32)
    pca_matrix = pca_matrix.at[0].set(0.0)
    pca_matrix = pca_matrix / jnp.std(pca_matrix)
    # nn.Linear(pca_dim, position_dim): weight [out, in], bias [out]
    bound = 1.0 / np.sqrt(PCA_DIM)
    W = jax.random.uniform(k3, (POSITION_DIM, PCA_DIM), minval=-bound, maxval=bound, dtype=jnp.float32)
    b = jax.random.uniform(k4, (POSITION_DIM,), minval=-bound, maxval=bound, dtype=jnp.float32)
    return {"nodes": nodes, "pca_matrix": pca_matrix, "W": W, "b": b}


def reference(nodes, pca_matrix, W, b):
    # pe = self.pca_matrix[nodes_flat].reshape(B, L, -1)
    nodes_flat = nodes.reshape(-1)
    pe = jnp.take(pca_matrix, nodes_flat, axis=0).reshape(nodes.shape[0], nodes.shape[1], -1).astype(jnp.float32)
    # out = self.dropout(self.embedding(pe)); dropout is identity in eval mode
    out = pe @ W.T + b
    return out

if __name__ == "__main__":
    import jax
    _d = setup_inputs()
    print(jax.jit(kernel)(*tuple(_d.values())))

</pallas_src>

<mosaic_0001>
#map = affine_map<(d0, d1) -> (0, 0)>
module attributes {stable_mosaic.version = 14 : i64} {
  func.func @_gather_body(%arg0: i32, %arg1: i32, %arg2: memref<1003520x32xf32, #tpu.memory_space<hbm>>, %arg3: memref<200x4096xi32, #tpu.memory_space<hbm>>, %arg4: memref<409600x32xf32, #tpu.memory_space<hbm>>, %arg5: memref<6x128xi32, #tpu.memory_space<vmem>>, %arg6: memref<6x128x32xf32, #tpu.memory_space<vmem>>, %arg7: memref<6x!tpu.dma_semaphore, #tpu.memory_space<semaphore_mem>>) attributes {dimension_semantics = [#tpu.dimension_semantics<core_parallel>, #tpu.dimension_semantics<subcore_parallel>], iteration_bounds = array<i64: 2, 16>, scalar_prefetch = 0 : i64, scratch_operands = 3 : i64, tpu.core_type = #tpu.core_type<sc_vector_subcore>, window_params = [{transform_indices = #map}, {transform_indices = #map}, {transform_indices = #map}]} {
    %mul3A = arith.constant 2 : i32
    %mul3A_0 = arith.muli %arg1, %mul3A : i32
    %add3A = arith.addi %mul3A_0, %arg0 : i32
    %jit3A = arith.constant 8 : i32
    %div3A = arith.divsi %add3A, %jit3A : i32
    %sign3A = arith.constant 0 : i32
    %sign3A_1 = arith.cmpi sgt, %add3A, %sign3A : i32
    %sign3A_2 = arith.extui %sign3A_1 : i1 to i32
    %sign3A_3 = arith.constant 0 : i32
    %sign3A_4 = arith.cmpi slt, %add3A, %sign3A_3 : i32
    %sign3A_5 = arith.extui %sign3A_4 : i1 to i32
    %sign3A_6 = arith.subi %sign3A_2, %sign3A_5 : i32
    %sign3A_7 = arith.constant 0 : i32
    %sign3A_8 = arith.cmpi sgt, %jit3A, %sign3A_7 : i32
    %sign3A_9 = arith.extui %sign3A_8 : i1 to i32
    %sign3A_10 = arith.constant 0 : i32
    %sign3A_11 = arith.cmpi slt, %jit3A, %sign3A_10 : i32
    %sign3A_12 = arith.extui %sign3A_11 : i1 to i32
    %sign3A_13 = arith.subi %sign3A_9, %sign3A_12 : i32
    %ne3A = arith.cmpi ne, %sign3A_6, %sign3A_13 : i32
    %rem3A = arith.remsi %add3A, %jit3A : i32
    %ne3A_14 = arith.constant 0 : i32
    %ne3A_15 = arith.cmpi ne, %rem3A, %ne3A_14 : i32
    %and3A = arith.andi %ne3A, %ne3A_15 : i1
    %sub3A = arith.constant 1 : i32
    %sub3A_16 = arith.subi %div3A, %sub3A : i32
    %select_n3A = arith.select %and3A, %sub3A_16, %div3A : i32
    %mul3A_17 = arith.constant 8 : i32
    %mul3A_18 = arith.muli %mul3A_17, %select_n3A : i32
    %sub3A_19 = arith.subi %add3A, %mul3A_18 : i32
    %mul3A_20 = arith.constant 25 : i32
    %mul3A_21 = arith.muli %select_n3A, %mul3A_20 : i32
    %add3A_22 = arith.constant 0 : i32
    %add3A_23 = arith.addi %add3A_22, %mul3A_21 : i32
    %scan3A = arith.constant 0 : i32
    %scan3A_24 = arith.constant 0 : i32
    %scan3A_25 = arith.constant 104 : i32
    %scan3A_26 = arith.addi %scan3A_24, %scan3A_25 : i32
    %scan3A_27 = arith.constant 1 : i32
    %scan3A_28 = scf.for %scan3A_221 = %scan3A_24 to %scan3A_26 step %scan3A_27 iter_args(%scan3A_222 = %scan3A) -> (i32)  : i32 {
      %sub3A_223 = arith.constant 2 : i32
      %sub3A_224 = arith.subi %scan3A_221, %sub3A_223 : i32
      %sub3A_225 = arith.constant 4 : i32
      %sub3A_226 = arith.subi %scan3A_221, %sub3A_225 : i32
      %lt3A = arith.constant 100 : i32
      %lt3A_227 = arith.cmpi slt, %scan3A_221, %lt3A : i32
      %convert_element_type3A = arith.extui %lt3A_227 : i1 to i32
      %cond3A = arith.constant 0 : i32
      %cond3A_228 = arith.cmpi ne, %convert_element_type3A, %cond3A : i32
      scf.if %cond3A_228 {
        %ge3A_242 = arith.constant 6 : i32
        %ge3A_243 = arith.cmpi sge, %scan3A_221, %ge3A_242 : i32
        %convert_element_type3A_244 = arith.extui %ge3A_243 : i1 to i32
        %cond3A_245 = arith.constant 0 : i32
        %cond3A_246 = arith.cmpi ne, %convert_element_type3A_244, %cond3A_245 : i32
        scf.if %cond3A_246 {
          %sub3A_351 = arith.constant 6 : i32
          %sub3A_352 = arith.subi %scan3A_221, %sub3A_351 : i32
          %rem3A_353 = arith.constant 6 : i32
          %rem3A_354 = arith.remsi %sub3A_352, %rem3A_353 : i32
          %jit3A_355 = arith.constant 4 : i32
          %div3A_356 = arith.divsi %sub3A_352, %jit3A_355 : i32
          %sign3A_357 = arith.constant 0 : i32
          %sign3A_358 = arith.cmpi sgt, %sub3A_352, %sign3A_357 : i32
          %sign3A_359 = arith.extui %sign3A_358 : i1 to i32
          %sign3A_360 = arith.constant 0 : i32
          %sign3A_361 = arith.cmpi slt, %sub3A_352, %sign3A_360 : i32
          %sign3A_362 = arith.extui %sign3A_361 : i1 to i32
          %sign3A_363 = arith.subi %sign3A_359, %sign3A_362 : i32
          %sign3A_364 = arith.constant 0 : i32
          %sign3A_365 = arith.cmpi sgt, %jit3A_355, %sign3A_364 : i32
          %sign3A_366 = arith.extui %sign3A_365 : i1 to i32
          %sign3A_367 = arith.constant 0 : i32
          %sign3A_368 = arith.cmpi slt, %jit3A_355, %sign3A_367 : i32
          %sign3A_369 = arith.extui %sign3A_368 : i1 to i32
          %sign3A_370 = arith.subi %sign3A_366, %sign3A_369 : i32
          %ne3A_371 = arith.cmpi ne, %sign3A_363, %sign3A_370 : i32
          %rem3A_372 = arith.remsi %sub3A_352, %jit3A_355 : i32
          %ne3A_373 = arith.constant 0 : i32
          %ne3A_374 = arith.cmpi ne, %rem3A_372, %ne3A_373 : i32
          %and3A_375 = arith.andi %ne3A_371, %ne3A_374 : i1
          %sub3A_376 = arith.constant 1 : i32
          %sub3A_377 = arith.subi %div3A_356, %sub3A_376 : i32
          %select_n3A_378 = arith.select %and3A_375, %sub3A_377, %div3A_356 : i32
          %add3A_379 = arith.addi %add3A_23, %select_n3A_378 : i32
          %rem3A_380 = arith.constant 4 : i32
          %rem3A_381 = arith.remsi %sub3A_352, %rem3A_380 : i32
          %sub3A_382 = arith.constant 0 : i32
          %sub3A_383 = arith.subi %add3A_379, %sub3A_382 : i32
          %mul3A_384 = arith.constant 4096 : i32
          %mul3A_385 = arith.muli %sub3A_383, %mul3A_384 : i32
          %mul3A_386 = arith.constant 512 : i32
          %mul3A_387 = arith.muli %sub3A_19, %mul3A_386 : i32
          %add3A_388 = arith.addi %mul3A_385, %mul3A_387 : i32
          %mul3A_389 = arith.constant 128 : i32
          %mul3A_390 = arith.muli %rem3A_381, %mul3A_389 : i32
          %add3A_391 = arith.addi %add3A_388, %mul3A_390 : i32
          %dma_wait3A_392 = arith.constant 0 : i32
          %dma_wait3A_393 = arith.constant 0 : i32
          %dma_wait3A_394 = tpu.memref_slice %arg6[%rem3A_354, %dma_wait3A_392, %dma_wait3A_393] : memref<6x128x32xf32, #tpu.memory_space<vmem>> -> memref<1x128x32xf32, #tpu.memory_space<vmem>>
          %dma_wait3A_395 = tpu.memref_squeeze %dma_wait3A_394 : memref<1x128x32xf32, #tpu.memory_space<vmem>> -> memref<128x32xf32, #tpu.memory_space<vmem>>
          %dma_wait3A_396 = arith.constant 0 : i32
          %dma_wait3A_397 = tpu.memref_slice %arg4[%add3A_391, %dma_wait3A_396] : memref<409600x32xf32, #tpu.memory_space<hbm>> -> memref<128x32xf32, #tpu.memory_space<hbm>>
          %dma_wait3A_398 = tpu.memref_slice %arg7[%rem3A_354] : memref<6x!tpu.dma_semaphore, #tpu.memory_space<semaphore_mem>> -> memref<1x!tpu.dma_semaphore, #tpu.memory_space<semaphore_mem>>
          %dma_wait3A_399 = tpu.memref_squeeze %dma_wait3A_398 : memref<1x!tpu.dma_semaphore, #tpu.memory_space<semaphore_mem>> -> memref<!tpu.dma_semaphore, #tpu.memory_space<semaphore_mem>>
          %dma_wait3A_400 = arith.constant 0 : i32
          %dma_wait3A_401 = tpu.memref_slice %arg4[%add3A_391, %dma_wait3A_400] : memref<409600x32xf32, #tpu.memory_space<hbm>> -> memref<128x32xf32, #tpu.memory_space<hbm>>
          %dma_wait3A_402 = arith.constant 0 : i32
          %dma_wait3A_403 = arith.constant 0 : i32
          %dma_wait3A_404 = tpu.memref_slice %arg6[%rem3A_354, %dma_wait3A_402, %dma_wait3A_403] : memref<6x128x32xf32, #tpu.memory_space<vmem>> -> memref<1x128x32xf32, #tpu.memory_space<vmem>>
          %dma_wait3A_405 = tpu.memref_squeeze %dma_wait3A_404 : memref<1x128x32xf32, #tpu.memory_space<vmem>> -> memref<128x32xf32, #tpu.memory_space<vmem>>
          tpu.wait_dma2 semaphore(%dma_wait3A_399 : memref<!tpu.dma_semaphore, #tpu.memory_space<semaphore_mem>>) src(%dma_wait3A_405 : memref<128x32xf32, #tpu.memory_space<vmem>>) dst(%dma_wait3A_401 : memref<128x32xf32, #tpu.memory_space<hbm>>)
        } else {
        }
        %rem3A_247 = arith.constant 6 : i32
        %rem3A_248 = arith.remsi %scan3A_221, %rem3A_247 : i32
        %jit3A_249 = arith.constant 4 : i32
        %div3A_250 = arith.divsi %scan3A_221, %jit3A_249 : i32
        %sign3A_251 = arith.constant 0 : i32
        %sign3A_252 = arith.cmpi sgt, %scan3A_221, %sign3A_251 : i32
        %sign3A_253 = arith.extui %sign3A_252 : i1 to i32
        %sign3A_254 = arith.constant 0 : i32
        %sign3A_255 = arith.cmpi slt, %scan3A_221, %sign3A_254 : i32
        %sign3A_256 = arith.extui %sign3A_255 : i1 to i32
        %sign3A_257 = arith.subi %sign3A_253, %sign3A_256 : i32
        %sign3A_258 = arith.constant 0 : i32
        %sign3A_259 = arith.cmpi sgt, %jit3A_249, %sign3A_258 : i32
        %sign3A_260 = arith.extui %sign3A_259 : i1 to i32
        %sign3A_261 = arith.constant 0 : i32
        %sign3A_262 = arith.cmpi slt, %jit3A_249, %sign3A_261 : i32
        %sign3A_263 = arith.extui %sign3A_262 : i1 to i32
        %sign3A_264 = arith.subi %sign3A_260, %sign3A_263 : i32
        %ne3A_265 = arith.cmpi ne, %sign3A_257, %sign3A_264 : i32
        %rem3A_266 = arith.remsi %scan3A_221, %jit3A_249 : i32
        %ne3A_267 = arith.constant 0 : i32
        %ne3A_268 = arith.cmpi ne, %rem3A_266, %ne3A_267 : i32
        %and3A_269 = arith.andi %ne3A_265, %ne3A_268 : i1
        %sub3A_270 = arith.constant 1 : i32
        %sub3A_271 = arith.subi %div3A_250, %sub3A_270 : i32
        %select_n3A_272 = arith.select %and3A_269, %sub3A_271, %div3A_250 : i32
        %add3A_273 = arith.addi %add3A_23, %select_n3A_272 : i32
        %rem3A_274 = arith.constant 4 : i32
        %rem3A_275 = arith.remsi %scan3A_221, %rem3A_274 : i32
        %mul3A_276 = arith.constant 128 : i32
        %mul3A_277 = arith.muli %sub3A_19, %mul3A_276 : i32
        %add3A_278 = arith.constant 0 : i32
        %add3A_279 = arith.addi %add3A_278, %mul3A_277 : i32
        %mul3A_280 = arith.constant 32 : i32
        %mul3A_281 = arith.muli %rem3A_275, %mul3A_280 : i32
        %add3A_282 = arith.addi %add3A_279, %mul3A_281 : i32
        %dma_start3A = arith.constant 0 : i32
        %dma_start3A_283 = tpu.memref_slice %arg5[%rem3A_248, %dma_start3A] : memref<6x128xi32, #tpu.memory_space<vmem>> -> memref<1x32xi32, #tpu.memory_space<vmem>>
        %dma_start3A_284 = tpu.memref_squeeze %dma_start3A_283 : memref<1x32xi32, #tpu.memory_space<vmem>> -> memref<32xi32, #tpu.memory_space<vmem>>
        %dma_start3A_285 = tpu.memref_slice %arg3[%add3A_273, %add3A_282] : memref<200x4096xi32, #tpu.memory_space<hbm>> -> memref<1x32xi32, #tpu.memory_space<hbm>>
        %dma_start3A_286 = tpu.memref_squeeze %dma_start3A_285 : memref<1x32xi32, #tpu.memory_space<hbm>> -> memref<32xi32, #tpu.memory_space<hbm>>
        %dma_start3A_287 = tpu.memref_slice %arg7[%rem3A_248] : memref<6x!tpu.dma_semaphore, #tpu.memory_space<semaphore_mem>> -> memref<1x!tpu.dma_semaphore, #tpu.memory_space<semaphore_mem>>
        %dma_start3A_288 = tpu.memref_squeeze %dma_start3A_287 : memref<1x!tpu.dma_semaphore, #tpu.memory_space<semaphore_mem>> -> memref<!tpu.dma_semaphore, #tpu.memory_space<semaphore_mem>>
        %dma_start3A_289 = arith.constant 0 : i32
        %dma_start3A_290 = tpu.memref_slice %arg5[%rem3A_248, %dma_start3A_289] : memref<6x128xi32, #tpu.memory_space<vmem>> -> memref<1x32xi32, #tpu.memory_space<vmem>>
        %dma_start3A_291 = tpu.memref_squeeze %dma_start3A_290 : memref<1x32xi32, #tpu.memory_space<vmem>> -> memref<32xi32, #tpu.memory_space<vmem>>
        %dma_start3A_292 = tpu.memref_slice %arg3[%add3A_273, %add3A_282] : memref<200x4096xi32, #tpu.memory_space<hbm>> -> memref<1x32xi32, #tpu.memory_space<hbm>>
        %dma_start3A_293 = tpu.memref_squeeze %dma_start3A_292 : memref<1x32xi32, #tpu.memory_space<hbm>> -> memref<32xi32, #tpu.memory_space<hbm>>
        tpu.enqueue_dma source(%dma_start3A_293 : memref<32xi32, #tpu.memory_space<hbm>>) target(%dma_start3A_291 : memref<32xi32, #tpu.memory_space<vmem>>) target_semaphore(%dma_start3A_288 : memref<!tpu.dma_semaphore, #tpu.memory_space<semaphore_mem>>)
        %mul3A_294 = arith.constant 128 : i32
        %mul3A_295 = arith.muli %sub3A_19, %mul3A_294 : i32
        %add3A_296 = arith.constant 1024 : i32
        %add3A_297 = arith.addi %add3A_296, %mul3A_295 : i32
        %mul3A_298 = arith.constant 32 : i32
        %mul3A_299 = arith.muli %rem3A_275, %mul3A_298 : i32
        %add3A_300 = arith.addi %add3A_297, %mul3A_299 : i32
        %dma_start3A_301 = arith.constant 32 : i32
        %dma_start3A_302 = tpu.memref_slice %arg5[%rem3A_248, %dma_start3A_301] : memref<6x128xi32, #tpu.memory_space<vmem>> -> memref<1x32xi32, #tpu.memory_space<vmem>>
        %dma_start3A_303 = tpu.memref_squeeze %dma_start3A_302 : memref<1x32xi32, #tpu.memory_space<vmem>> -> memref<32xi32, #tpu.memory_space<vmem>>
        %dma_start3A_304 = tpu.memref_slice %arg3[%add3A_273, %add3A_300] : memref<200x4096xi32, #tpu.memory_space<hbm>> -> memref<1x32xi32, #tpu.memory_space<hbm>>
        %dma_start3A_305 = tpu.memref_squeeze %dma_start3A_304 : memref<1x32xi32, #tpu.memory_space<hbm>> -> memref<32xi32, #tpu.memory_space<hbm>>
        %dma_start3A_306 = tpu.memref_slice %arg7[%rem3A_248] : memref<6x!tpu.dma_semaphore, #tpu.memory_space<semaphore_mem>> -> memref<1x!tpu.dma_semaphore, #tpu.memory_space<semaphore_mem>>
        %dma_start3A_307 = tpu.memref_squeeze %dma_start3A_306 : memref<1x!tpu.dma_semaphore, #tpu.memory_space<semaphore_mem>> -> memref<!tpu.dma_semaphore, #tpu.memory_space<semaphore_mem>>
        %dma_start3A_308 = arith.constant 32 : i32
        %dma_start3A_309 = tpu.memref_slice %arg5[%rem3A_248, %dma_start3A_308] : memref<6x128xi32, #tpu.memory_space<vmem>> -> memref<1x32xi32, #tpu.memory_space<vmem>>
        %dma_start3A_310 = tpu.memref_squeeze %dma_start3A_309 : memref<1x32xi32, #tpu.memory_space<vmem>> -> memref<32xi32, #tpu.memory_space<vmem>>
        %dma_start3A_311 = tpu.memref_slice %arg3[%add3A_273, %add3A_300] : memref<200x4096xi32, #tpu.memory_space<hbm>> -> memref<1x32xi32, #tpu.memory_space<hbm>>
        %dma_start3A_312 = tpu.memref_squeeze %dma_start3A_311 : memref<1x32xi32, #tpu.memory_space<hbm>> -> memref<32xi32, #tpu.memory_space<hbm>>
        tpu.enqueue_dma source(%dma_start3A_312 : memref<32xi32, #tpu.memory_space<hbm>>) target(%dma_start3A_310 : memref<32xi32, #tpu.memory_space<vmem>>) target_semaphore(%dma_start3A_307 : memref<!tpu.dma_semaphore, #tpu.memory_space<semaphore_mem>>)
        %mul3A_313 = arith.constant 128 : i32
        %mul3A_314 = arith.muli %sub3A_19, %mul3A_313 : i32
        %add3A_315 = arith.constant 2048 : i32
        %add3A_316 = arith.addi %add3A_315, %mul3A_314 : i32
        %mul3A_317 = arith.constant 32 : i32
        %mul3A_318 = arith.muli %rem3A_275, %mul3A_317 : i32
        %add3A_319 = arith.addi %add3A_316, %mul3A_318 : i32
        %dma_start3A_320 = arith.constant 64 : i32
        %dma_start3A_321 = tpu.memref_slice %arg5[%rem3A_248, %dma_start3A_320] : memref<6x128xi32, #tpu.memory_space<vmem>> -> memref<1x32xi32, #tpu.memory_space<vmem>>
        %dma_start3A_322 = tpu.memref_squeeze %dma_start3A_321 : memref<1x32xi32, #tpu.memory_space<vmem>> -> memref<32xi32, #tpu.memory_space<vmem>>
        %dma_start3A_323 = tpu.memref_slice %arg3[%add3A_273, %add3A_319] : memref<200x4096xi32, #tpu.memory_space<hbm>> -> memref<1x32xi32, #tpu.memory_space<hbm>>
        %dma_start3A_324 = tpu.memref_squeeze %dma_start3A_323 : memref<1x32xi32, #tpu.memory_space<hbm>> -> memref<32xi32, #tpu.memory_space<hbm>>
        %dma_start3A_325 = tpu.memref_slice %arg7[%rem3A_248] : memref<6x!tpu.dma_semaphore, #tpu.memory_space<semaphore_mem>> -> memref<1x!tpu.dma_semaphore, #tpu.memory_space<semaphore_mem>>
        %dma_start3A_326 = tpu.memref_squeeze %dma_start3A_325 : memref<1x!tpu.dma_semaphore, #tpu.memory_space<semaphore_mem>> -> memref<!tpu.dma_semaphore, #tpu.memory_space<semaphore_mem>>
        %dma_start3A_327 = arith.constant 64 : i32
        %dma_start3A_328 = tpu.memref_slice %arg5[%rem3A_248, %dma_start3A_327] : memref<6x128xi32, #tpu.memory_space<vmem>> -> memref<1x32xi32, #tpu.memory_space<vmem>>
        %dma_start3A_329 = tpu.memref_squeeze %dma_start3A_328 : memref<1x32xi32, #tpu.memory_space<vmem>> -> memref<32xi32, #tpu.memory_space<vmem>>
        %dma_start3A_330 = tpu.memref_slice %arg3[%add3A_273, %add3A_319] : memref<200x4096xi32, #tpu.memory_space<hbm>> -> memref<1x32xi32, #tpu.memory_space<hbm>>
        %dma_start3A_331 = tpu.memref_squeeze %dma_start3A_330 : memref<1x32xi32, #tpu.memory_space<hbm>> -> memref<32xi32, #tpu.memory_space<hbm>>
        tpu.enqueue_dma source(%dma_start3A_331 : memref<32xi32, #tpu.memory_space<hbm>>) target(%dma_start3A_329 : memref<32xi32, #tpu.memory_space<vmem>>) target_semaphore(%dma_start3A_326 : memref<!tpu.dma_semaphore, #tpu.memory_space<semaphore_mem>>)
        %mul3A_332 = arith.constant 128 : i32
        %mul3A_333 = arith.muli %sub3A_19, %mul3A_332 : i32
        %add3A_334 = arith.constant 3072 : i32
        %add3A_335 = arith.addi %add3A_334, %mul3A_333 : i32
        %mul3A_336 = arith.constant 32 : i32
        %mul3A_337 = arith.muli %rem3A_275, %mul3A_336 : i32
        %add3A_338 = arith.addi %add3A_335, %mul3A_337 : i32
        %dma_start3A_339 = arith.constant 96 : i32
        %dma_start3A_340 = tpu.memref_slice %arg5[%rem3A_248, %dma_start3A_339] : memref<6x128xi32, #tpu.memory_space<vmem>> -> memref<1x32xi32, #tpu.memory_space<vmem>>
        %dma_start3A_341 = tpu.memref_squeeze %dma_start3A_340 : memref<1x32xi32, #tpu.memory_space<vmem>> -> memref<32xi32, #tpu.memory_space<vmem>>
        %dma_start3A_342 = tpu.memref_slice %arg3[%add3A_273, %add3A_338] : memref<200x4096xi32, #tpu.memory_space<hbm>> -> memref<1x32xi32, #tpu.memory_space<hbm>>
        %dma_start3A_343 = tpu.memref_squeeze %dma_start3A_342 : memref<1x32xi32, #tpu.memory_space<hbm>> -> memref<32xi32, #tpu.memory_space<hbm>>
        %dma_start3A_344 = tpu.memref_slice %arg7[%rem3A_248] : memref<6x!tpu.dma_semaphore, #tpu.memory_space<semaphore_mem>> -> memref<1x!tpu.dma_semaphore, #tpu.memory_space<semaphore_mem>>
        %dma_start3A_345 = tpu.memref_squeeze %dma_start3A_344 : memref<1x!tpu.dma_semaphore, #tpu.memory_space<semaphore_mem>> -> memref<!tpu.dma_semaphore, #tpu.memory_space<semaphore_mem>>
        %dma_start3A_346 = arith.constant 96 : i32
        %dma_start3A_347 = tpu.memref_slice %arg5[%rem3A_248, %dma_start3A_346] : memref<6x128xi32, #tpu.memory_space<vmem>> -> memref<1x32xi32, #tpu.memory_space<vmem>>
        %dma_start3A_348 = tpu.memref_squeeze %dma_start3A_347 : memref<1x32xi32, #tpu.memory_space<vmem>> -> memref<32xi32, #tpu.memory_space<vmem>>
        %dma_start3A_349 = tpu.memref_slice %arg3[%add3A_273, %add3A_338] : memref<200x4096xi32, #tpu.memory_space<hbm>> -> memref<1x32xi32, #tpu.memory_space<hbm>>
        %dma_start3A_350 = tpu.memref_squeeze %dma_start3A_349 : memref<1x32xi32, #tpu.memory_space<hbm>> -> memref<32xi32, #tpu.memory_space<hbm>>
        tpu.enqueue_dma source(%dma_start3A_350 : memref<32xi32, #tpu.memory_space<hbm>>) target(%dma_start3A_348 : memref<32xi32, #tpu.memory_space<vmem>>) target_semaphore(%dma_start3A_345 : memref<!tpu.dma_semaphore, #tpu.memory_space<semaphore_mem>>)
      } else {
      }
      %ge3A = arith.constant 0 : i32
      %ge3A_229 = arith.cmpi sge, %sub3A_224, %ge3A : i32
      %lt3A_230 = arith.constant 100 : i32
      %lt3A_231 = arith.cmpi slt, %sub3A_224, %lt3A_230 : i32
      %and3A_232 = arith.andi %ge3A_229, %lt3A_231 : i1
      %convert_element_type3A_233 = arith.extui %and3A_232 : i1 to i32
      %cond3A_234 = arith.constant 0 : i32
      %cond3A_235 = arith.cmpi ne, %convert_element_type3A_233, %cond3A_234 : i32
      scf.if %cond3A_235 {
        %rem3A_242 = arith.constant 6 : i32
        %rem3A_243 = arith.remsi %sub3A_224, %rem3A_242 : i32
        %jit3A_244 = arith.constant 4 : i32
        %div3A_245 = arith.divsi %sub3A_224, %jit3A_244 : i32
        %sign3A_246 = arith.constant 0 : i32
        %sign3A_247 = arith.cmpi sgt, %sub3A_224, %sign3A_246 : i32
        %sign3A_248 = arith.extui %sign3A_247 : i1 to i32
        %sign3A_249 = arith.constant 0 : i32
        %sign3A_250 = arith.cmpi slt, %sub3A_224, %sign3A_249 : i32
        %sign3A_251 = arith.extui %sign3A_250 : i1 to i32
        %sign3A_252 = arith.subi %sign3A_248, %sign3A_251 : i32
        %sign3A_253 = arith.constant 0 : i32
        %sign3A_254 = arith.cmpi sgt, %jit3A_244, %sign3A_253 : i32
        %sign3A_255 = arith.extui %sign3A_254 : i1 to i32
        %sign3A_256 = arith.constant 0 : i32
        %sign3A_257 = arith.cmpi slt, %jit3A_244, %sign3A_256 : i32
        %sign3A_258 = arith.extui %sign3A_257 : i1 to i32
        %sign3A_259 = arith.subi %sign3A_255, %sign3A_258 : i32
        %ne3A_260 = arith.cmpi ne, %sign3A_252, %sign3A_259 : i32
        %rem3A_261 = arith.remsi %sub3A_224, %jit3A_244 : i32
        %ne3A_262 = arith.constant 0 : i32
        %ne3A_263 = arith.cmpi ne, %rem3A_261, %ne3A_262 : i32
        %and3A_264 = arith.andi %ne3A_260, %ne3A_263 : i1
        %sub3A_265 = arith.constant 1 : i32
        %sub3A_266 = arith.subi %div3A_245, %sub3A_265 : i32
        %select_n3A_267 = arith.select %and3A_264, %sub3A_266, %div3A_245 : i32
        %add3A_268 = arith.addi %add3A_23, %select_n3A_267 : i32
        %rem3A_269 = arith.constant 4 : i32
        %rem3A_270 = arith.remsi %sub3A_224, %rem3A_269 : i32
        %mul3A_271 = arith.constant 128 : i32
        %mul3A_272 = arith.muli %sub3A_19, %mul3A_271 : i32
        %add3A_273 = arith.constant 0 : i32
        %add3A_274 = arith.addi %add3A_273, %mul3A_272 : i32
        %mul3A_275 = arith.constant 32 : i32
        %mul3A_276 = arith.muli %rem3A_270, %mul3A_275 : i32
        %add3A_277 = arith.addi %add3A_274, %mul3A_276 : i32
        %dma_wait3A_278 = arith.constant 0 : i32
        %dma_wait3A_279 = tpu.memref_slice %arg5[%rem3A_243, %dma_wait3A_278] : memref<6x128xi32, #tpu.memory_space<vmem>> -> memref<1x32xi32, #tpu.memory_space<vmem>>
        %dma_wait3A_280 = tpu.memref_squeeze %dma_wait3A_279 : memref<1x32xi32, #tpu.memory_space<vmem>> -> memref<32xi32, #tpu.memory_space<vmem>>
        %dma_wait3A_281 = tpu.memref_slice %arg3[%add3A_268, %add3A_277] : memref<200x4096xi32, #tpu.memory_space<hbm>> -> memref<1x32xi32, #tpu.memory_space<hbm>>
        %dma_wait3A_282 = tpu.memref_squeeze %dma_wait3A_281 : memref<1x32xi32, #tpu.memory_space<hbm>> -> memref<32xi32, #tpu.memory_space<hbm>>
        %dma_wait3A_283 = tpu.memref_slice %arg7[%rem3A_243] : memref<6x!tpu.dma_semaphore, #tpu.memory_space<semaphore_mem>> -> memref<1x!tpu.dma_semaphore, #tpu.memory_space<semaphore_mem>>
        %dma_wait3A_284 = tpu.memref_squeeze %dma_wait3A_283 : memref<1x!tpu.dma_semaphore, #tpu.memory_space<semaphore_mem>> -> memref<!tpu.dma_semaphore, #tpu.memory_space<semaphore_mem>>
        %dma_wait3A_285 = arith.constant 0 : i32
        %dma_wait3A_286 = tpu.memref_slice %arg5[%rem3A_243, %dma_wait3A_285] : memref<6x128xi32, #tpu.memory_space<vmem>> -> memref<1x32xi32, #tpu.memory_space<vmem>>
        %dma_wait3A_287 = tpu.memref_squeeze %dma_wait3A_286 : memref<1x32xi32, #tpu.memory_space<vmem>> -> memref<32xi32, #tpu.memory_space<vmem>>
        %dma_wait3A_288 = tpu.memref_slice %arg3[%add3A_268, %add3A_277] : memref<200x4096xi32, #tpu.memory_space<hbm>> -> memref<1x32xi32, #tpu.memory_space<hbm>>
        %dma_wait3A_289 = tpu.memref_squeeze %dma_wait3A_288 : memref<1x32xi32, #tpu.memory_space<hbm>> -> memref<32xi32, #tpu.memory_space<hbm>>
        tpu.wait_dma2 semaphore(%dma_wait3A_284 : memref<!tpu.dma_semaphore, #tpu.memory_space<semaphore_mem>>) src(%dma_wait3A_289 : memref<32xi32, #tpu.memory_space<hbm>>) dst(%dma_wait3A_287 : memref<32xi32, #tpu.memory_space<vmem>>)
        %mul3A_290 = arith.constant 128 : i32
        %mul3A_291 = arith.muli %sub3A_19, %mul3A_290 : i32
        %add3A_292 = arith.constant 1024 : i32
        %add3A_293 = arith.addi %add3A_292, %mul3A_291 : i32
        %mul3A_294 = arith.constant 32 : i32
        %mul3A_295 = arith.muli %rem3A_270, %mul3A_294 : i32
        %add3A_296 = arith.addi %add3A_293, %mul3A_295 : i32
        %dma_wait3A_297 = arith.constant 32 : i32
        %dma_wait3A_298 = tpu.memref_slice %arg5[%rem3A_243, %dma_wait3A_297] : memref<6x128xi32, #tpu.memory_space<vmem>> -> memref<1x32xi32, #tpu.memory_space<vmem>>
        %dma_wait3A_299 = tpu.memref_squeeze %dma_wait3A_298 : memref<1x32xi32, #tpu.memory_space<vmem>> -> memref<32xi32, #tpu.memory_space<vmem>>
        %dma_wait3A_300 = tpu.memref_slice %arg3[%add3A_268, %add3A_296] : memref<200x4096xi32, #tpu.memory_space<hbm>> -> memref<1x32xi32, #tpu.memory_space<hbm>>
        %dma_wait3A_301 = tpu.memref_squeeze %dma_wait3A_300 : memref<1x32xi32, #tpu.memory_space<hbm>> -> memref<32xi32, #tpu.memory_space<hbm>>
        %dma_wait3A_302 = tpu.memref_slice %arg7[%rem3A_243] : memref<6x!tpu.dma_semaphore, #tpu.memory_space<semaphore_mem>> -> memref<1x!tpu.dma_semaphore, #tpu.memory_space<semaphore_mem>>
        %dma_wait3A_303 = tpu.memref_squeeze %dma_wait3A_302 : memref<1x!tpu.dma_semaphore, #tpu.memory_space<semaphore_mem>> -> memref<!tpu.dma_semaphore, #tpu.memory_space<semaphore_mem>>
        %dma_wait3A_304 = arith.constant 32 : i32
        %dma_wait3A_305 = tpu.memref_slice %arg5[%rem3A_243, %dma_wait3A_304] : memref<6x128xi32, #tpu.memory_space<vmem>> -> memref<1x32xi32, #tpu.memory_space<vmem>>
        %dma_wait3A_306 = tpu.memref_squeeze %dma_wait3A_305 : memref<1x32xi32, #tpu.memory_space<vmem>> -> memref<32xi32, #tpu.memory_space<vmem>>
        %dma_wait3A_307 = tpu.memref_slice %arg3[%add3A_268, %add3A_296] : memref<200x4096xi32, #tpu.memory_space<hbm>> -> memref<1x32xi32, #tpu.memory_space<hbm>>
        %dma_wait3A_308 = tpu.memref_squeeze %dma_wait3A_307 : memref<1x32xi32, #tpu.memory_space<hbm>> -> memref<32xi32, #tpu.memory_space<hbm>>
        tpu.wait_dma2 semaphore(%dma_wait3A_303 : memref<!tpu.dma_semaphore, #tpu.memory_space<semaphore_mem>>) src(%dma_wait3A_308 : memref<32xi32, #tpu.memory_space<hbm>>) dst(%dma_wait3A_306 : memref<32xi32, #tpu.memory_space<vmem>>)
        %mul3A_309 = arith.constant 128 : i32
        %mul3A_310 = arith.muli %sub3A_19, %mul3A_309 : i32
        %add3A_311 = arith.constant 2048 : i32
        %add3A_312 = arith.addi %add3A_311, %mul3A_310 : i32
        %mul3A_313 = arith.constant 32 : i32
        %mul3A_314 = arith.muli %rem3A_270, %mul3A_313 : i32
        %add3A_315 = arith.addi %add3A_312, %mul3A_314 : i32
        %dma_wait3A_316 = arith.constant 64 : i32
        %dma_wait3A_317 = tpu.memref_slice %arg5[%rem3A_243, %dma_wait3A_316] : memref<6x128xi32, #tpu.memory_space<vmem>> -> memref<1x32xi32, #tpu.memory_space<vmem>>
        %dma_wait3A_318 = tpu.memref_squeeze %dma_wait3A_317 : memref<1x32xi32, #tpu.memory_space<vmem>> -> memref<32xi32, #tpu.memory_space<vmem>>
        %dma_wait3A_319 = tpu.memref_slice %arg3[%add3A_268, %add3A_315] : memref<200x4096xi32, #tpu.memory_space<hbm>> -> memref<1x32xi32, #tpu.memory_space<hbm>>
        %dma_wait3A_320 = tpu.memref_squeeze %dma_wait3A_319 : memref<1x32xi32, #tpu.memory_space<hbm>> -> memref<32xi32, #tpu.memory_space<hbm>>
        %dma_wait3A_321 = tpu.memref_slice %arg7[%rem3A_243] : memref<6x!tpu.dma_semaphore, #tpu.memory_space<semaphore_mem>> -> memref<1x!tpu.dma_semaphore, #tpu.memory_space<semaphore_mem>>
        %dma_wait3A_322 = tpu.memref_squeeze %dma_wait3A_321 : memref<1x!tpu.dma_semaphore, #tpu.memory_space<semaphore_mem>> -> memref<!tpu.dma_semaphore, #tpu.memory_space<semaphore_mem>>
        %dma_wait3A_323 = arith.constant 64 : i32
        %dma_wait3A_324 = tpu.memref_slice %arg5[%rem3A_243, %dma_wait3A_323] : memref<6x128xi32, #tpu.memory_space<vmem>> -> memref<1x32xi32, #tpu.memory_space<vmem>>
        %dma_wait3A_325 = tpu.memref_squeeze %dma_wait3A_324 : memref<1x32xi32, #tpu.memory_space<vmem>> -> memref<32xi32, #tpu.memory_space<vmem>>
        %dma_wait3A_326 = tpu.memref_slice %arg3[%add3A_268, %add3A_315] : memref<200x4096xi32, #tpu.memory_space<hbm>> -> memref<1x32xi32, #tpu.memory_space<hbm>>
        %dma_wait3A_327 = tpu.memref_squeeze %dma_wait3A_326 : memref<1x32xi32, #tpu.memory_space<hbm>> -> memref<32xi32, #tpu.memory_space<hbm>>
        tpu.wait_dma2 semaphore(%dma_wait3A_322 : memref<!tpu.dma_semaphore, #tpu.memory_space<semaphore_mem>>) src(%dma_wait3A_327 : memref<32xi32, #tpu.memory_space<hbm>>) dst(%dma_wait3A_325 : memref<32xi32, #tpu.memory_space<vmem>>)
        %mul3A_328 = arith.constant 128 : i32
        %mul3A_329 = arith.muli %sub3A_19, %mul3A_328 : i32
        %add3A_330 = arith.constant 3072 : i32
        %add3A_331 = arith.addi %add3A_330, %mul3A_329 : i32
        %mul3A_332 = arith.constant 32 : i32
        %mul3A_333 = arith.muli %rem3A_270, %mul3A_332 : i32
        %add3A_334 = arith.addi %add3A_331, %mul3A_333 : i32
        %dma_wait3A_335 = arith.constant 96 : i32
        %dma_wait3A_336 = tpu.memref_slice %arg5[%rem3A_243, %dma_wait3A_335] : memref<6x128xi32, #tpu.memory_space<vmem>> -> memref<1x32xi32, #tpu.memory_space<vmem>>
        %dma_wait3A_337 = tpu.memref_squeeze %dma_wait3A_336 : memref<1x32xi32, #tpu.memory_space<vmem>> -> memref<32xi32, #tpu.memory_space<vmem>>
        %dma_wait3A_338 = tpu.memref_slice %arg3[%add3A_268, %add3A_334] : memref<200x4096xi32, #tpu.memory_space<hbm>> -> memref<1x32xi32, #tpu.memory_space<hbm>>
        %dma_wait3A_339 = tpu.memref_squeeze %dma_wait3A_338 : memref<1x32xi32, #tpu.memory_space<hbm>> -> memref<32xi32, #tpu.memory_space<hbm>>
        %dma_wait3A_340 = tpu.memref_slice %arg7[%rem3A_243] : memref<6x!tpu.dma_semaphore, #tpu.memory_space<semaphore_mem>> -> memref<1x!tpu.dma_semaphore, #tpu.memory_space<semaphore_mem>>
        %dma_wait3A_341 = tpu.memref_squeeze %dma_wait3A_340 : memref<1x!tpu.dma_semaphore, #tpu.memory_space<semaphore_mem>> -> memref<!tpu.dma_semaphore, #tpu.memory_space<semaphore_mem>>
        %dma_wait3A_342 = arith.constant 96 : i32
        %dma_wait3A_343 = tpu.memref_slice %arg5[%rem3A_243, %dma_wait3A_342] : memref<6x128xi32, #tpu.memory_space<vmem>> -> memref<1x32xi32, #tpu.memory_space<vmem>>
        %dma_wait3A_344 = tpu.memref_squeeze %dma_wait3A_343 : memref<1x32xi32, #tpu.memory_space<vmem>> -> memref<32xi32, #tpu.memory_space<vmem>>
        %dma_wait3A_345 = tpu.memref_slice %arg3[%add3A_268, %add3A_334] : memref<200x4096xi32, #tpu.memory_space<hbm>> -> memref<1x32xi32, #tpu.memory_space<hbm>>
        %dma_wait3A_346 = tpu.memref_squeeze %dma_wait3A_345 : memref<1x32xi32, #tpu.memory_space<hbm>> -> memref<32xi32, #tpu.memory_space<hbm>>
        tpu.wait_dma2 semaphore(%dma_wait3A_341 : memref<!tpu.dma_semaphore, #tpu.memory_space<semaphore_mem>>) src(%dma_wait3A_346 : memref<32xi32, #tpu.memory_space<hbm>>) dst(%dma_wait3A_344 : memref<32xi32, #tpu.memory_space<vmem>>)
        %get3A = arith.index_cast %rem3A_243 : i32 to index
        %get3A_347 = arith.constant 0 : index
        %get3A_348 = tpu.vector_load %arg5[%get3A, %get3A_347] {strides = array<i32>} : memref<6x128xi32, #tpu.memory_space<vmem>>, vector<1x16xi32>,
        %get3A_349 = vector.shape_cast %get3A_348 : vector<1x16xi32> to vector<16xi32>
        %and3A_350 = arith.constant -4096 : i32
        %and3A_351 = vector.broadcast %and3A_350 : i32 to vector<16xi32>
        %and3A_352 = arith.andi %get3A_349, %and3A_351 : vector<16xi32>
        %and3A_353 = arith.constant 1023 : i32
        %and3A_354 = vector.broadcast %and3A_353 : i32 to vector<16xi32>
        %and3A_355 = arith.andi %get3A_349, %and3A_354 : vector<16xi32>
        %shift_left3A = arith.constant 2 : i32
        %shift_left3A_356 = vector.broadcast %shift_left3A : i32 to vector<16xi32>
        %shift_left3A_357 = arith.shli %and3A_355, %shift_left3A_356 : vector<16xi32>
        %or3A = arith.ori %and3A_352, %shift_left3A_357 : vector<16xi32>
        %shift_right_arithmetic3A = arith.constant 10 : i32
        %shift_right_arithmetic3A_358 = vector.broadcast %shift_right_arithmetic3A : i32 to vector<16xi32>
        %shift_right_arithmetic3A_359 = arith.shrsi %get3A_349, %shift_right_arithmetic3A_358 : vector<16xi32>
        %and3A_360 = arith.constant 3 : i32
        %and3A_361 = vector.broadcast %and3A_360 : i32 to vector<16xi32>
        %and3A_362 = arith.andi %shift_right_arithmetic3A_359, %and3A_361 : vector<16xi32>
        %or3A_363 = arith.ori %or3A, %and3A_362 : vector<16xi32>
        %swap3A = arith.index_cast %rem3A_243 : i32 to index
        %swap3A_364 = arith.constant 0 : index
        %swap3A_365 = tpu.vector_load %arg5[%swap3A, %swap3A_364] {strides = array<i32>} : memref<6x128xi32, #tpu.memory_space<vmem>>, vector<1x16xi32>,
        %swap3A_366 = vector.shape_cast %swap3A_365 : vector<1x16xi32> to vector<16xi32>
        %swap3A_367 = vector.shape_cast %or3A_363 : vector<16xi32> to vector<1x16xi32>
        tpu.vector_store %arg5[%swap3A, %swap3A_364], %swap3A_367 {strides = array<i32>} : memref<6x128xi32, #tpu.memory_space<vmem>>, vector<1x16xi32>,
        %get3A_368 = arith.index_cast %rem3A_243 : i32 to index
        %get3A_369 = arith.constant 16 : index
        %get3A_370 = tpu.vector_load %arg5[%get3A_368, %get3A_369] {strides = array<i32>} : memref<6x128xi32, #tpu.memory_space<vmem>>, vector<1x16xi32>,
        %get3A_371 = vector.shape_cast %get3A_370 : vector<1x16xi32> to vector<16xi32>
        %and3A_372 = arith.constant -4096 : i32
        %and3A_373 = vector.broadcast %and3A_372 : i32 to vector<16xi32>
        %and3A_374 = arith.andi %get3A_371, %and3A_373 : vector<16xi32>
        %and3A_375 = arith.constant 1023 : i32
        %and3A_376 = vector.broadcast %and3A_375 : i32 to vector<16xi32>
        %and3A_377 = arith.andi %get3A_371, %and3A_376 : vector<16xi32>
        %shift_left3A_378 = arith.constant 2 : i32
        %shift_left3A_379 = vector.broadcast %shift_left3A_378 : i32 to vector<16xi32>
        %shift_left3A_380 = arith.shli %and3A_377, %shift_left3A_379 : vector<16xi32>
        %or3A_381 = arith.ori %and3A_374, %shift_left3A_380 : vector<16xi32>
        %shift_right_arithmetic3A_382 = arith.constant 10 : i32
        %shift_right_arithmetic3A_383 = vector.broadcast %shift_right_arithmetic3A_382 : i32 to vector<16xi32>
        %shift_right_arithmetic3A_384 = arith.shrsi %get3A_371, %shift_right_arithmetic3A_383 : vector<16xi32>
        %and3A_385 = arith.constant 3 : i32
        %and3A_386 = vector.broadcast %and3A_385 : i32 to vector<16xi32>
        %and3A_387 = arith.andi %shift_right_arithmetic3A_384, %and3A_386 : vector<16xi32>
        %or3A_388 = arith.ori %or3A_381, %and3A_387 : vector<16xi32>
        %swap3A_389 = arith.index_cast %rem3A_243 : i32 to index
        %swap3A_390 = arith.constant 16 : index
        %swap3A_391 = tpu.vector_load %arg5[%swap3A_389, %swap3A_390] {strides = array<i32>} : memref<6x128xi32, #tpu.memory_space<vmem>>, vector<1x16xi32>,
        %swap3A_392 = vector.shape_cast %swap3A_391 : vector<1x16xi32> to vector<16xi32>
        %swap3A_393 = vector.shape_cast %or3A_388 : vector<16xi32> to vector<1x16xi32>
        tpu.vector_store %arg5[%swap3A_389, %swap3A_390], %swap3A_393 {strides = array<i32>} : memref<6x128xi32, #tpu.memory_space<vmem>>, vector<1x16xi32>,
        %get3A_394 = arith.index_cast %rem3A_243 : i32 to index
        %get3A_395 = arith.constant 32 : index
        %get3A_396 = tpu.vector_load %arg5[%get3A_394, %get3A_395] {strides = array<i32>} : memref<6x128xi32, #tpu.memory_space<vmem>>, vector<1x16xi32>,
        %get3A_397 = vector.shape_cast %get3A_396 : vector<1x16xi32> to vector<16xi32>
        %and3A_398 = arith.constant -4096 : i32
        %and3A_399 = vector.broadcast %and3A_398 : i32 to vector<16xi32>
        %and3A_400 = arith.andi %get3A_397, %and3A_399 : vector<16xi32>
        %and3A_401 = arith.constant 1023 : i32
        %and3A_402 = vector.broadcast %and3A_401 : i32 to vector<16xi32>
        %and3A_403 = arith.andi %get3A_397, %and3A_402 : vector<16xi32>
        %shift_left3A_404 = arith.constant 2 : i32
        %shift_left3A_405 = vector.broadcast %shift_left3A_404 : i32 to vector<16xi32>
        %shift_left3A_406 = arith.shli %and3A_403, %shift_left3A_405 : vector<16xi32>
        %or3A_407 = arith.ori %and3A_400, %shift_left3A_406 : vector<16xi32>
        %shift_right_arithmetic3A_408 = arith.constant 10 : i32
        %shift_right_arithmetic3A_409 = vector.broadcast %shift_right_arithmetic3A_408 : i32 to vector<16xi32>
        %shift_right_arithmetic3A_410 = arith.shrsi %get3A_397, %shift_right_arithmetic3A_409 : vector<16xi32>
        %and3A_411 = arith.constant 3 : i32
        %and3A_412 = vector.broadcast %and3A_411 : i32 to vector<16xi32>
        %and3A_413 = arith.andi %shift_right_arithmetic3A_410, %and3A_412 : vector<16xi32>
        %or3A_414 = arith.ori %or3A_407, %and3A_413 : vector<16xi32>
        %swap3A_415 = arith.index_cast %rem3A_243 : i32 to index
        %swap3A_416 = arith.constant 32 : index
        %swap3A_417 = tpu.vector_load %arg5[%swap3A_415, %swap3A_416] {strides = array<i32>} : memref<6x128xi32, #tpu.memory_space<vmem>>, vector<1x16xi32>,
        %swap3A_418 = vector.shape_cast %swap3A_417 : vector<1x16xi32> to vector<16xi32>
        %swap3A_419 = vector.shape_cast %or3A_414 : vector<16xi32> to vector<1x16xi32>
        tpu.vector_store %arg5[%swap3A_415, %swap3A_416], %swap3A_419 {strides = array<i32>} : memref<6x128xi32, #tpu.memory_space<vmem>>, vector<1x16xi32>,
        %get3A_420 = arith.index_cast %rem3A_243 : i32 to index
        %get3A_421 = arith.constant 48 : index
        %get3A_422 = tpu.vector_load %arg5[%get3A_420, %get3A_421] {strides = array<i32>} : memref<6x128xi32, #tpu.memory_space<vmem>>, vector<1x16xi32>,
        %get3A_423 = vector.shape_cast %get3A_422 : vector<1x16xi32> to vector<16xi32>
        %and3A_424 = arith.constant -4096 : i32
        %and3A_425 = vector.broadcast %and3A_424 : i32 to vector<16xi32>
        %and3A_426 = arith.andi %get3A_423, %and3A_425 : vector<16xi32>
        %and3A_427 = arith.constant 1023 : i32
        %and3A_428 = vector.broadcast %and3A_427 : i32 to vector<16xi32>
        %and3A_429 = arith.andi %get3A_423, %and3A_428 : vector<16xi32>
        %shift_left3A_430 = arith.constant 2 : i32
        %shift_left3A_431 = vector.broadcast %shift_left3A_430 : i32 to vector<16xi32>
        %shift_left3A_432 = arith.shli %and3A_429, %shift_left3A_431 : vector<16xi32>
        %or3A_433 = arith.ori %and3A_426, %shift_left3A_432 : vector<16xi32>
        %shift_right_arithmetic3A_434 = arith.constant 10 : i32
        %shift_right_arithmetic3A_435 = vector.broadcast %shift_right_arithmetic3A_434 : i32 to vector<16xi32>
        %shift_right_arithmetic3A_436 = arith.shrsi %get3A_423, %shift_right_arithmetic3A_435 : vector<16xi32>
        %and3A_437 = arith.constant 3 : i32
        %and3A_438 = vector.broadcast %and3A_437 : i32 to vector<16xi32>
        %and3A_439 = arith.andi %shift_right_arithmetic3A_436, %and3A_438 : vector<16xi32>
        %or3A_440 = arith.ori %or3A_433, %and3A_439 : vector<16xi32>
        %swap3A_441 = arith.index_cast %rem3A_243 : i32 to index
        %swap3A_442 = arith.constant 48 : index
        %swap3A_443 = tpu.vector_load %arg5[%swap3A_441, %swap3A_442] {strides = array<i32>} : memref<6x128xi32, #tpu.memory_space<vmem>>, vector<1x16xi32>,
        %swap3A_444 = vector.shape_cast %swap3A_443 : vector<1x16xi32> to vector<16xi32>
        %swap3A_445 = vector.shape_cast %or3A_440 : vector<16xi32> to vector<1x16xi32>
        tpu.vector_store %arg5[%swap3A_441, %swap3A_442], %swap3A_445 {strides = array<i32>} : memref<6x128xi32, #tpu.memory_space<vmem>>, vector<1x16xi32>,
        %get3A_446 = arith.index_cast %rem3A_243 : i32 to index
        %get3A_447 = arith.constant 64 : index
        %get3A_448 = tpu.vector_load %arg5[%get3A_446, %get3A_447] {strides = array<i32>} : memref<6x128xi32, #tpu.memory_space<vmem>>, vector<1x16xi32>,
        %get3A_449 = vector.shape_cast %get3A_448 : vector<1x16xi32> to vector<16xi32>
        %and3A_450 = arith.constant -4096 : i32
        %and3A_451 = vector.broadcast %and3A_450 : i32 to vector<16xi32>
        %and3A_452 = arith.andi %get3A_449, %and3A_451 : vector<16xi32>
        %and3A_453 = arith.constant 1023 : i32
        %and3A_454 = vector.broadcast %and3A_453 : i32 to vector<16xi32>
        %and3A_455 = arith.andi %get3A_449, %and3A_454 : vector<16xi32>
        %shift_left3A_456 = arith.constant 2 : i32
        %shift_left3A_457 = vector.broadcast %shift_left3A_456 : i32 to vector<16xi32>
        %shift_left3A_458 = arith.shli %and3A_455, %shift_left3A_457 : vector<16xi32>
        %or3A_459 = arith.ori %and3A_452, %shift_left3A_458 : vector<16xi32>
        %shift_right_arithmetic3A_460 = arith.constant 10 : i32
        %shift_right_arithmetic3A_461 = vector.broadcast %shift_right_arithmetic3A_460 : i32 to vector<16xi32>
        %shift_right_arithmetic3A_462 = arith.shrsi %get3A_449, %shift_right_arithmetic3A_461 : vector<16xi32>
        %and3A_463 = arith.constant 3 : i32
        %and3A_464 = vector.broadcast %and3A_463 : i32 to vector<16xi32>
        %and3A_465 = arith.andi %shift_right_arithmetic3A_462, %and3A_464 : vector<16xi32>
        %or3A_466 = arith.ori %or3A_459, %and3A_465 : vector<16xi32>
        %swap3A_467 = arith.index_cast %rem3A_243 : i32 to index
        %swap3A_468 = arith.constant 64 : index
        %swap3A_469 = tpu.vector_load %arg5[%swap3A_467, %swap3A_468] {strides = array<i32>} : memref<6x128xi32, #tpu.memory_space<vmem>>, vector<1x16xi32>,
        %swap3A_470 = vector.shape_cast %swap3A_469 : vector<1x16xi32> to vector<16xi32>
        %swap3A_471 = vector.shape_cast %or3A_466 : vector<16xi32> to vector<1x16xi32>
        tpu.vector_store %arg5[%swap3A_467, %swap3A_468], %swap3A_471 {strides = array<i32>} : memref<6x128xi32, #tpu.memory_space<vmem>>, vector<1x16xi32>,
        %get3A_472 = arith.index_cast %rem3A_243 : i32 to index
        %get3A_473 = arith.constant 80 : index
        %get3A_474 = tpu.vector_load %arg5[%get3A_472, %get3A_473] {strides = array<i32>} : memref<6x128xi32, #tpu.memory_space<vmem>>, vector<1x16xi32>,
        %get3A_475 = vector.shape_cast %get3A_474 : vector<1x16xi32> to vector<16xi32>
        %and3A_476 = arith.constant -4096 : i32
        %and3A_477 = vector.broadcast %and3A_476 : i32 to vector<16xi32>
        %and3A_478 = arith.andi %get3A_475, %and3A_477 : vector<16xi32>
        %and3A_479 = arith.constant 1023 : i32
        %and3A_480 = vector.broadcast %and3A_479 : i32 to vector<16xi32>
        %and3A_481 = arith.andi %get3A_475, %and3A_480 : vector<16xi32>
        %shift_left3A_482 = arith.constant 2 : i32
        %shift_left3A_483 = vector.broadcast %shift_left3A_482 : i32 to vector<16xi32>
        %shift_left3A_484 = arith.shli %and3A_481, %shift_left3A_483 : vector<16xi32>
        %or3A_485 = arith.ori %and3A_478, %shift_left3A_484 : vector<16xi32>
        %shift_right_arithmetic3A_486 = arith.constant 10 : i32
        %shift_right_arithmetic3A_487 = vector.broadcast %shift_right_arithmetic3A_486 : i32 to vector<16xi32>
        %shift_right_arithmetic3A_488 = arith.shrsi %get3A_475, %shift_right_arithmetic3A_487 : vector<16xi32>
        %and3A_489 = arith.constant 3 : i32
        %and3A_490 = vector.broadcast %and3A_489 : i32 to vector<16xi32>
        %and3A_491 = arith.andi %shift_right_arithmetic3A_488, %and3A_490 : vector<16xi32>
        %or3A_492 = arith.ori %or3A_485, %and3A_491 : vector<16xi32>
        %swap3A_493 = arith.index_cast %rem3A_243 : i32 to index
        %swap3A_494 = arith.constant 80 : index
        %swap3A_495 = tpu.vector_load %arg5[%swap3A_493, %swap3A_494] {strides = array<i32>} : memref<6x128xi32, #tpu.memory_space<vmem>>, vector<1x16xi32>,
        %swap3A_496 = vector.shape_cast %swap3A_495 : vector<1x16xi32> to vector<16xi32>
        %swap3A_497 = vector.shape_cast %or3A_492 : vector<16xi32> to vector<1x16xi32>
        tpu.vector_store %arg5[%swap3A_493, %swap3A_494], %swap3A_497 {strides = array<i32>} : memref<6x128xi32, #tpu.memory_space<vmem>>, vector<1x16xi32>,
        %get3A_498 = arith.index_cast %rem3A_243 : i32 to index
        %get3A_499 = arith.constant 96 : index
        %get3A_500 = tpu.vector_load %arg5[%get3A_498, %get3A_499] {strides = array<i32>} : memref<6x128xi32, #tpu.memory_space<vmem>>, vector<1x16xi32>,
        %get3A_501 = vector.shape_cast %get3A_500 : vector<1x16xi32> to vector<16xi32>
        %and3A_502 = arith.constant -4096 : i32
        %and3A_503 = vector.broadcast %and3A_502 : i32 to vector<16xi32>
        %and3A_504 = arith.andi %get3A_501, %and3A_503 : vector<16xi32>
        %and3A_505 = arith.constant 1023 : i32
        %and3A_506 = vector.broadcast %and3A_505 : i32 to vector<16xi32>
        %and3A_507 = arith.andi %get3A_501, %and3A_506 : vector<16xi32>
        %shift_left3A_508 = arith.constant 2 : i32
        %shift_left3A_509 = vector.broadcast %shift_left3A_508 : i32 to vector<16xi32>
        %shift_left3A_510 = arith.shli %and3A_507, %shift_left3A_509 : vector<16xi32>
        %or3A_511 = arith.ori %and3A_504, %shift_left3A_510 : vector<16xi32>
        %shift_right_arithmetic3A_512 = arith.constant 10 : i32
        %shift_right_arithmetic3A_513 = vector.broadcast %shift_right_arithmetic3A_512 : i32 to vector<16xi32>
        %shift_right_arithmetic3A_514 = arith.shrsi %get3A_501, %shift_right_arithmetic3A_513 : vector<16xi32>
        %and3A_515 = arith.constant 3 : i32
        %and3A_516 = vector.broadcast %and3A_515 : i32 to vector<16xi32>
        %and3A_517 = arith.andi %shift_right_arithmetic3A_514, %and3A_516 : vector<16xi32>
        %or3A_518 = arith.ori %or3A_511, %and3A_517 : vector<16xi32>
        %swap3A_519 = arith.index_cast %rem3A_243 : i32 to index
        %swap3A_520 = arith.constant 96 : index
        %swap3A_521 = tpu.vector_load %arg5[%swap3A_519, %swap3A_520] {strides = array<i32>} : memref<6x128xi32, #tpu.memory_space<vmem>>, vector<1x16xi32>,
        %swap3A_522 = vector.shape_cast %swap3A_521 : vector<1x16xi32> to vector<16xi32>
        %swap3A_523 = vector.shape_cast %or3A_518 : vector<16xi32> to vector<1x16xi32>
        tpu.vector_store %arg5[%swap3A_519, %swap3A_520], %swap3A_523 {strides = array<i32>} : memref<6x128xi32, #tpu.memory_space<vmem>>, vector<1x16xi32>,
        %get3A_524 = arith.index_cast %rem3A_243 : i32 to index
        %get3A_525 = arith.constant 112 : index
        %get3A_526 = tpu.vector_load %arg5[%get3A_524, %get3A_525] {strides = array<i32>} : memref<6x128xi32, #tpu.memory_space<vmem>>, vector<1x16xi32>,
        %get3A_527 = vector.shape_cast %get3A_526 : vector<1x16xi32> to vector<16xi32>
        %and3A_528 = arith.constant -4096 : i32
        %and3A_529 = vector.broadcast %and3A_528 : i32 to vector<16xi32>
        %and3A_530 = arith.andi %get3A_527, %and3A_529 : vector<16xi32>
        %and3A_531 = arith.constant 1023 : i32
        %and3A_532 = vector.broadcast %and3A_531 : i32 to vector<16xi32>
        %and3A_533 = arith.andi %get3A_527, %and3A_532 : vector<16xi32>
        %shift_left3A_534 = arith.constant 2 : i32
        %shift_left3A_535 = vector.broadcast %shift_left3A_534 : i32 to vector<16xi32>
        %shift_left3A_536 = arith.shli %and3A_533, %shift_left3A_535 : vector<16xi32>
        %or3A_537 = arith.ori %and3A_530, %shift_left3A_536 : vector<16xi32>
        %shift_right_arithmetic3A_538 = arith.constant 10 : i32
        %shift_right_arithmetic3A_539 = vector.broadcast %shift_right_arithmetic3A_538 : i32 to vector<16xi32>
        %shift_right_arithmetic3A_540 = arith.shrsi %get3A_527, %shift_right_arithmetic3A_539 : vector<16xi32>
        %and3A_541 = arith.constant 3 : i32
        %and3A_542 = vector.broadcast %and3A_541 : i32 to vector<16xi32>
        %and3A_543 = arith.andi %shift_right_arithmetic3A_540, %and3A_542 : vector<16xi32>
        %or3A_544 = arith.ori %or3A_537, %and3A_543 : vector<16xi32>
        %swap3A_545 = arith.index_cast %rem3A_243 : i32 to index
        %swap3A_546 = arith.constant 112 : index
        %swap3A_547 = tpu.vector_load %arg5[%swap3A_545, %swap3A_546] {strides = array<i32>} : memref<6x128xi32, #tpu.memory_space<vmem>>, vector<1x16xi32>,
        %swap3A_548 = vector.shape_cast %swap3A_547 : vector<1x16xi32> to vector<16xi32>
        %swap3A_549 = vector.shape_cast %or3A_544 : vector<16xi32> to vector<1x16xi32>
        tpu.vector_store %arg5[%swap3A_545, %swap3A_546], %swap3A_549 {strides = array<i32>} : memref<6x128xi32, #tpu.memory_space<vmem>>, vector<1x16xi32>,
        %dma_start3A = arith.constant 0 : i32
        %dma_start3A_550 = arith.constant 0 : i32
        %dma_start3A_551 = tpu.memref_slice %arg6[%rem3A_243, %dma_start3A, %dma_start3A_550] : memref<6x128x32xf32, #tpu.memory_space<vmem>> -> memref<1x128x32xf32, #tpu.memory_space<vmem>>
        %dma_start3A_552 = tpu.memref_squeeze %dma_start3A_551 : memref<1x128x32xf32, #tpu.memory_space<vmem>> -> memref<128x32xf32, #tpu.memory_space<vmem>>
        %dma_start3A_553 = arith.constant 0 : i32
        %dma_start3A_554 = tpu.memref_slice %arg5[%rem3A_243, %dma_start3A_553] : memref<6x128xi32, #tpu.memory_space<vmem>> -> memref<1x128xi32, #tpu.memory_space<vmem>>
        %dma_start3A_555 = tpu.memref_squeeze %dma_start3A_554 : memref<1x128xi32, #tpu.memory_space<vmem>> -> memref<128xi32, #tpu.memory_space<vmem>>
        %dma_start3A_556 = arith.constant 0 : i32
        %dma_start3A_557 = arith.constant 0 : i32
        %dma_start3A_558 = tpu.memref_slice %arg2[%dma_start3A_556, %dma_start3A_557] : memref<1003520x32xf32, #tpu.memory_space<hbm>> -> memref<1003520x32xf32, #tpu.memory_space<hbm>>
        %dma_start3A_559 = tpu.memref_slice %arg7[%rem3A_243] : memref<6x!tpu.dma_semaphore, #tpu.memory_space<semaphore_mem>> -> memref<1x!tpu.dma_semaphore, #tpu.memory_space<semaphore_mem>>
        %dma_start3A_560 = tpu.memref_squeeze %dma_start3A_559 : memref<1x!tpu.dma_semaphore, #tpu.memory_space<semaphore_mem>> -> memref<!tpu.dma_semaphore, #tpu.memory_space<semaphore_mem>>
        tpu.enqueue_indirect_dma source(%dma_start3A_558 : memref<1003520x32xf32, #tpu.memory_space<hbm>>) target(%dma_start3A_552 : memref<128x32xf32, #tpu.memory_space<vmem>>) offsets(%dma_start3A_555 : memref<128xi32, #tpu.memory_space<vmem>>) semaphore(%dma_start3A_560 : memref<!tpu.dma_semaphore, #tpu.memory_space<semaphore_mem>>)
      } else {
      }
      %ge3A_236 = arith.constant 0 : i32
      %ge3A_237 = arith.cmpi sge, %sub3A_226, %ge3A_236 : i32
      %convert_element_type3A_238 = arith.extui %ge3A_237 : i1 to i32
      %cond3A_239 = arith.constant 0 : i32
      %cond3A_240 = arith.cmpi ne, %convert_element_type3A_238, %cond3A_239 : i32
      scf.if %cond3A_240 {
        %rem3A_242 = arith.constant 6 : i32
        %rem3A_243 = arith.remsi %sub3A_226, %rem3A_242 : i32
        %dma_wait3A_244 = arith.constant 0 : i32
        %dma_wait3A_245 = arith.constant 0 : i32
        %dma_wait3A_246 = tpu.memref_slice %arg6[%rem3A_243, %dma_wait3A_244, %dma_wait3A_245] : memref<6x128x32xf32, #tpu.memory_space<vmem>> -> memref<1x128x32xf32, #tpu.memory_space<vmem>>
        %dma_wait3A_247 = tpu.memref_squeeze %dma_wait3A_246 : memref<1x128x32xf32, #tpu.memory_space<vmem>> -> memref<128x32xf32, #tpu.memory_space<vmem>>
        %dma_wait3A_248 = arith.constant 0 : i32
        %dma_wait3A_249 = tpu.memref_slice %arg5[%rem3A_243, %dma_wait3A_248] : memref<6x128xi32, #tpu.memory_space<vmem>> -> memref<1x128xi32, #tpu.memory_space<vmem>>
        %dma_wait3A_250 = tpu.memref_squeeze %dma_wait3A_249 : memref<1x128xi32, #tpu.memory_space<vmem>> -> memref<128xi32, #tpu.memory_space<vmem>>
        %dma_wait3A_251 = arith.constant 0 : i32
        %dma_wait3A_252 = arith.constant 0 : i32
        %dma_wait3A_253 = tpu.memref_slice %arg2[%dma_wait3A_251, %dma_wait3A_252] : memref<1003520x32xf32, #tpu.memory_space<hbm>> -> memref<1003520x32xf32, #tpu.memory_space<hbm>>
        %dma_wait3A_254 = tpu.memref_slice %arg7[%rem3A_243] : memref<6x!tpu.dma_semaphore, #tpu.memory_space<semaphore_mem>> -> memref<1x!tpu.dma_semaphore, #tpu.memory_space<semaphore_mem>>
        %dma_wait3A_255 = tpu.memref_squeeze %dma_wait3A_254 : memref<1x!tpu.dma_semaphore, #tpu.memory_space<semaphore_mem>> -> memref<!tpu.dma_semaphore, #tpu.memory_space<semaphore_mem>>
        tpu.wait_indirect_dma semaphore(%dma_wait3A_255 : memref<!tpu.dma_semaphore, #tpu.memory_space<semaphore_mem>>) src(%dma_wait3A_253 : memref<1003520x32xf32, #tpu.memory_space<hbm>>) dst(%dma_wait3A_247 : memref<128x32xf32, #tpu.memory_space<vmem>>)
        %jit3A_256 = arith.constant 4 : i32
        %div3A_257 = arith.divsi %sub3A_226, %jit3A_256 : i32
        %sign3A_258 = arith.constant 0 : i32
        %sign3A_259 = arith.cmpi sgt, %sub3A_226, %sign3A_258 : i32
        %sign3A_260 = arith.extui %sign3A_259 : i1 to i32
        %sign3A_261 = arith.constant 0 : i32
        %sign3A_262 = arith.cmpi slt, %sub3A_226, %sign3A_261 : i32
        %sign3A_263 = arith.extui %sign3A_262 : i1 to i32
        %sign3A_264 = arith.subi %sign3A_260, %sign3A_263 : i32
        %sign3A_265 = arith.constant 0 : i32
        %sign3A_266 = arith.cmpi sgt, %jit3A_256, %sign3A_265 : i32
        %sign3A_267 = arith.extui %sign3A_266 : i1 to i32
        %sign3A_268 = arith.constant 0 : i32
        %sign3A_269 = arith.cmpi slt, %jit3A_256, %sign3A_268 : i32
        %sign3A_270 = arith.extui %sign3A_269 : i1 to i32
        %sign3A_271 = arith.subi %sign3A_267, %sign3A_270 : i32
        %ne3A_272 = arith.cmpi ne, %sign3A_264, %sign3A_271 : i32
        %rem3A_273 = arith.remsi %sub3A_226, %jit3A_256 : i32
        %ne3A_274 = arith.constant 0 : i32
        %ne3A_275 = arith.cmpi ne, %rem3A_273, %ne3A_274 : i32
        %and3A_276 = arith.andi %ne3A_272, %ne3A_275 : i1
        %sub3A_277 = arith.constant 1 : i32
        %sub3A_278 = arith.subi %div3A_257, %sub3A_277 : i32
        %select_n3A_279 = arith.select %and3A_276, %sub3A_278, %div3A_257 : i32
        %add3A_280 = arith.addi %add3A_23, %select_n3A_279 : i32
        %rem3A_281 = arith.constant 4 : i32
        %rem3A_282 = arith.remsi %sub3A_226, %rem3A_281 : i32
        %sub3A_283 = arith.constant 0 : i32
        %sub3A_284 = arith.subi %add3A_280, %sub3A_283 : i32
        %mul3A_285 = arith.constant 4096 : i32
        %mul3A_286 = arith.muli %sub3A_284, %mul3A_285 : i32
        %mul3A_287 = arith.constant 512 : i32
        %mul3A_288 = arith.muli %sub3A_19, %mul3A_287 : i32
        %add3A_289 = arith.addi %mul3A_286, %mul3A_288 : i32
        %mul3A_290 = arith.constant 128 : i32
        %mul3A_291 = arith.muli %rem3A_282, %mul3A_290 : i32
        %add3A_292 = arith.addi %add3A_289, %mul3A_291 : i32
        %dma_start3A = arith.constant 0 : i32
        %dma_start3A_293 = arith.constant 0 : i32
        %dma_start3A_294 = tpu.memref_slice %arg6[%rem3A_243, %dma_start3A, %dma_start3A_293] : memref<6x128x32xf32, #tpu.memory_space<vmem>> -> memref<1x128x32xf32, #tpu.memory_space<vmem>>
        %dma_start3A_295 = tpu.memref_squeeze %dma_start3A_294 : memref<1x128x32xf32, #tpu.memory_space<vmem>> -> memref<128x32xf32, #tpu.memory_space<vmem>>
        %dma_start3A_296 = arith.constant 0 : i32
        %dma_start3A_297 = tpu.memref_slice %arg4[%add3A_292, %dma_start3A_296] : memref<409600x32xf32, #tpu.memory_space<hbm>> -> memref<128x32xf32, #tpu.memory_space<hbm>>
        %dma_start3A_298 = tpu.memref_slice %arg7[%rem3A_243] : memref<6x!tpu.dma_semaphore, #tpu.memory_space<semaphore_mem>> -> memref<1x!tpu.dma_semaphore, #tpu.memory_space<semaphore_mem>>
        %dma_start3A_299 = tpu.memref_squeeze %dma_start3A_298 : memref<1x!tpu.dma_semaphore, #tpu.memory_space<semaphore_mem>> -> memref<!tpu.dma_semaphore, #tpu.memory_space<semaphore_mem>>
        %dma_start3A_300 = arith.constant 0 : i32
        %dma_start3A_301 = tpu.memref_slice %arg4[%add3A_292, %dma_start3A_300] : memref<409600x32xf32, #tpu.memory_space<hbm>> -> memref<128x32xf32, #tpu.memory_space<hbm>>
        %dma_start3A_302 = arith.constant 0 : i32
        %dma_start3A_303 = arith.constant 0 : i32
        %dma_start3A_304 = tpu.memref_slice %arg6[%rem3A_243, %dma_start3A_302, %dma_start3A_303] : memref<6x128x32xf32, #tpu.memory_space<vmem>> -> memref<1x128x32xf32, #tpu.memory_space<vmem>>
        %dma_start3A_305 = tpu.memref_squeeze %dma_start3A_304 : memref<1x128x32xf32, #tpu.memory_space<vmem>> -> memref<128x32xf32, #tpu.memory_space<vmem>>
        tpu.enqueue_dma source(%dma_start3A_305 : memref<128x32xf32, #tpu.memory_space<vmem>>) target(%dma_start3A_301 : memref<128x32xf32, #tpu.memory_space<hbm>>) target_semaphore(%dma_start3A_299 : memref<!tpu.dma_semaphore, #tpu.memory_space<semaphore_mem>>)
      } else {
      }
      %scan3A_241 = arith.constant 0 : i32
      scf.yield %scan3A_241 : i32
    }
    %scan3A_29 = arith.constant 104 : i32
    %rem3A_30 = arith.constant 94 : i32
    %rem3A_31 = arith.constant 6 : i32
    %rem3A_32 = arith.remsi %rem3A_30, %rem3A_31 : i32
    %add3A_33 = arith.constant 23 : i32
    %add3A_34 = arith.addi %add3A_23, %add3A_33 : i32
    %rem3A_35 = arith.constant 94 : i32
    %rem3A_36 = arith.constant 4 : i32
    %rem3A_37 = arith.remsi %rem3A_35, %rem3A_36 : i32
    %sub3A_38 = arith.constant 0 : i32
    %sub3A_39 = arith.subi %add3A_34, %sub3A_38 : i32
    %mul3A_40 = arith.constant 4096 : i32
    %mul3A_41 = arith.muli %sub3A_39, %mul3A_40 : i32
    %mul3A_42 = arith.constant 512 : i32
    %mul3A_43 = arith.muli %sub3A_19, %mul3A_42 : i32
    %add3A_44 = arith.addi %mul3A_41, %mul3A_43 : i32
    %mul3A_45 = arith.constant 128 : i32
    %mul3A_46 = arith.muli %rem3A_37, %mul3A_45 : i32
    %add3A_47 = arith.addi %add3A_44, %mul3A_46 : i32
    %dma_wait3A = arith.constant 0 : i32
    %dma_wait3A_48 = arith.constant 0 : i32
    %dma_wait3A_49 = tpu.memref_slice %arg6[%rem3A_32, %dma_wait3A, %dma_wait3A_48] : memref<6x128x32xf32, #tpu.memory_space<vmem>> -> memref<1x128x32xf32, #tpu.memory_space<vmem>>
    %dma_wait3A_50 = tpu.memref_squeeze %dma_wait3A_49 : memref<1x128x32xf32, #tpu.memory_space<vmem>> -> memref<128x32xf32, #tpu.memory_space<vmem>>
    %dma_wait3A_51 = arith.constant 0 : i32
    %dma_wait3A_52 = tpu.memref_slice %arg4[%add3A_47, %dma_wait3A_51] : memref<409600x32xf32, #tpu.memory_space<hbm>> -> memref<128x32xf32, #tpu.memory_space<hbm>>
    %dma_wait3A_53 = tpu.memref_slice %arg7[%rem3A_32] : memref<6x!tpu.dma_semaphore, #tpu.memory_space<semaphore_mem>> -> memref<1x!tpu.dma_semaphore, #tpu.memory_space<semaphore_mem>>
    %dma_wait3A_54 = tpu.memref_squeeze %dma_wait3A_53 : memref<1x!tpu.dma_semaphore, #tpu.memory_space<semaphore_mem>> -> memref<!tpu.dma_semaphore, #tpu.memory_space<semaphore_mem>>
    %dma_wait3A_55 = arith.constant 0 : i32
    %dma_wait3A_56 = tpu.memref_slice %arg4[%add3A_47, %dma_wait3A_55] : memref<409600x32xf32, #tpu.memory_space<hbm>> -> memref<128x32xf32, #tpu.memory_space<hbm>>
    %dma_wait3A_57 = arith.constant 0 : i32
    %dma_wait3A_58 = arith.constant 0 : i32
    %dma_wait3A_59 = tpu.memref_slice %arg6[%rem3A_32, %dma_wait3A_57, %dma_wait3A_58] : memref<6x128x32xf32, #tpu.memory_space<vmem>> -> memref<1x128x32xf32, #tpu.memory_space<vmem>>
    %dma_wait3A_60 = tpu.memref_squeeze %dma_wait3A_59 : memref<1x128x32xf32, #tpu.memory_space<vmem>> -> memref<128x32xf32, #tpu.memory_space<vmem>>
    tpu.wait_dma2 semaphore(%dma_wait3A_54 : memref<!tpu.dma_semaphore, #tpu.memory_space<semaphore_mem>>) src(%dma_wait3A_60 : memref<128x32xf32, #tpu.memory_space<vmem>>) dst(%dma_wait3A_56 : memref<128x32xf32, #tpu.memory_space<hbm>>)
    %rem3A_61 = arith.constant 95 : i32
    %rem3A_62 = arith.constant 6 : i32
    %rem3A_63 = arith.remsi %rem3A_61, %rem3A_62 : i32
    %add3A_64 = arith.constant 23 : i32
    %add3A_65 = arith.addi %add3A_23, %add3A_64 : i32
    %rem3A_66 = arith.constant 95 : i32
    %rem3A_67 = arith.constant 4 : i32
    %rem3A_68 = arith.remsi %rem3A_66, %rem3A_67 : i32
    %sub3A_69 = arith.constant 0 : i32
    %sub3A_70 = arith.subi %add3A_65, %sub3A_69 : i32
    %mul3A_71 = arith.constant 4096 : i32
    %mul3A_72 = arith.muli %sub3A_70, %mul3A_71 : i32
    %mul3A_73 = arith.constant 512 : i32
    %mul3A_74 = arith.muli %sub3A_19, %mul3A_73 : i32
    %add3A_75 = arith.addi %mul3A_72, %mul3A_74 : i32
    %mul3A_76 = arith.constant 128 : i32
    %mul3A_77 = arith.muli %rem3A_68, %mul3A_76 : i32
    %add3A_78 = arith.addi %add3A_75, %mul3A_77 : i32
    %dma_wait3A_79 = arith.constant 0 : i32
    %dma_wait3A_80 = arith.constant 0 : i32
    %dma_wait3A_81 = tpu.memref_slice %arg6[%rem3A_63, %dma_wait3A_79, %dma_wait3A_80] : memref<6x128x32xf32, #tpu.memory_space<vmem>> -> memref<1x128x32xf32, #tpu.memory_space<vmem>>
    %dma_wait3A_82 = tpu.memref_squeeze %dma_wait3A_81 : memref<1x128x32xf32, #tpu.memory_space<vmem>> -> memref<128x32xf32, #tpu.memory_space<vmem>>
    %dma_wait3A_83 = arith.constant 0 : i32
    %dma_wait3A_84 = tpu.memref_slice %arg4[%add3A_78, %dma_wait3A_83] : memref<409600x32xf32, #tpu.memory_space<hbm>> -> memref<128x32xf32, #tpu.memory_space<hbm>>
    %dma_wait3A_85 = tpu.memref_slice %arg7[%rem3A_63] : memref<6x!tpu.dma_semaphore, #tpu.memory_space<semaphore_mem>> -> memref<1x!tpu.dma_semaphore, #tpu.memory_space<semaphore_mem>>
    %dma_wait3A_86 = tpu.memref_squeeze %dma_wait3A_85 : memref<1x!tpu.dma_semaphore, #tpu.memory_space<semaphore_mem>> -> memref<!tpu.dma_semaphore, #tpu.memory_space<semaphore_mem>>
    %dma_wait3A_87 = arith.constant 0 : i32
    %dma_wait3A_88 = tpu.memref_slice %arg4[%add3A_78, %dma_wait3A_87] : memref<409600x32xf32, #tpu.memory_space<hbm>> -> memref<128x32xf32, #tpu.memory_space<hbm>>
    %dma_wait3A_89 = arith.constant 0 : i32
    %dma_wait3A_90 = arith.constant 0 : i32
    %dma_wait3A_91 = tpu.memref_slice %arg6[%rem3A_63, %dma_wait3A_89, %dma_wait3A_90] : memref<6x128x32xf32, #tpu.memory_space<vmem>> -> memref<1x128x32xf32, #tpu.memory_space<vmem>>
    %dma_wait3A_92 = tpu.memref_squeeze %dma_wait3A_91 : memref<1x128x32xf32, #tpu.memory_space<vmem>> -> memref<128x32xf32, #tpu.memory_space<vmem>>
    tpu.wait_dma2 semaphore(%dma_wait3A_86 : memref<!tpu.dma_semaphore, #tpu.memory_space<semaphore_mem>>) src(%dma_wait3A_92 : memref<128x32xf32, #tpu.memory_space<vmem>>) dst(%dma_wait3A_88 : memref<128x32xf32, #tpu.memory_space<hbm>>)
    %rem3A_93 = arith.constant 96 : i32
    %rem3A_94 = arith.constant 6 : i32
    %rem3A_95 = arith.remsi %rem3A_93, %rem3A_94 : i32
    %add3A_96 = arith.constant 24 : i32
    %add3A_97 = arith.addi %add3A_23, %add3A_96 : i32
    %rem3A_98 = arith.constant 96 : i32
    %rem3A_99 = arith.constant 4 : i32
    %rem3A_100 = arith.remsi %rem3A_98, %rem3A_99 : i32
    %sub3A_101 = arith.constant 0 : i32
    %sub3A_102 = arith.subi %add3A_97, %sub3A_101 : i32
    %mul3A_103 = arith.constant 4096 : i32
    %mul3A_104 = arith.muli %sub3A_102, %mul3A_103 : i32
    %mul3A_105 = arith.constant 512 : i32
    %mul3A_106 = arith.muli %sub3A_19, %mul3A_105 : i32
    %add3A_107 = arith.addi %mul3A_104, %mul3A_106 : i32
    %mul3A_108 = arith.constant 128 : i32
    %mul3A_109 = arith.muli %rem3A_100, %mul3A_108 : i32
    %add3A_110 = arith.addi %add3A_107, %mul3A_109 : i32
    %dma_wait3A_111 = arith.constant 0 : i32
    %dma_wait3A_112 = arith.constant 0 : i32
    %dma_wait3A_113 = tpu.memref_slice %arg6[%rem3A_95, %dma_wait3A_111, %dma_wait3A_112] : memref<6x128x32xf32, #tpu.memory_space<vmem>> -> memref<1x128x32xf32, #tpu.memory_space<vmem>>
    %dma_wait3A_114 = tpu.memref_squeeze %dma_wait3A_113 : memref<1x128x32xf32, #tpu.memory_space<vmem>> -> memref<128x32xf32, #tpu.memory_space<vmem>>
    %dma_wait3A_115 = arith.constant 0 : i32
    %dma_wait3A_116 = tpu.memref_slice %arg4[%add3A_110, %dma_wait3A_115] : memref<409600x32xf32, #tpu.memory_space<hbm>> -> memref<128x32xf32, #tpu.memory_space<hbm>>
    %dma_wait3A_117 = tpu.memref_slice %arg7[%rem3A_95] : memref<6x!tpu.dma_semaphore, #tpu.memory_space<semaphore_mem>> -> memref<1x!tpu.dma_semaphore, #tpu.memory_space<semaphore_mem>>
    %dma_wait3A_118 = tpu.memref_squeeze %dma_wait3A_117 : memref<1x!tpu.dma_semaphore, #tpu.memory_space<semaphore_mem>> -> memref<!tpu.dma_semaphore, #tpu.memory_space<semaphore_mem>>
    %dma_wait3A_119 = arith.constant 0 : i32
    %dma_wait3A_120 = tpu.memref_slice %arg4[%add3A_110, %dma_wait3A_119] : memref<409600x32xf32, #tpu.memory_space<hbm>> -> memref<128x32xf32, #tpu.memory_space<hbm>>
    %dma_wait3A_121 = arith.constant 0 : i32
    %dma_wait3A_122 = arith.constant 0 : i32
    %dma_wait3A_123 = tpu.memref_slice %arg6[%rem3A_95, %dma_wait3A_121, %dma_wait3A_122] : memref<6x128x32xf32, #tpu.memory_space<vmem>> -> memref<1x128x32xf32, #tpu.memory_space<vmem>>
    %dma_wait3A_124 = tpu.memref_squeeze %dma_wait3A_123 : memref<1x128x32xf32, #tpu.memory_space<vmem>> -> memref<128x32xf32, #tpu.memory_space<vmem>>
    tpu.wait_dma2 semaphore(%dma_wait3A_118 : memref<!tpu.dma_semaphore, #tpu.memory_space<semaphore_mem>>) src(%dma_wait3A_124 : memref<128x32xf32, #tpu.memory_space<vmem>>) dst(%dma_wait3A_120 : memref<128x32xf32, #tpu.memory_space<hbm>>)
    %rem3A_125 = arith.constant 97 : i32
    %rem3A_126 = arith.constant 6 : i32
    %rem3A_127 = arith.remsi %rem3A_125, %rem3A_126 : i32
    %add3A_128 = arith.constant 24 : i32
    %add3A_129 = arith.addi %add3A_23, %add3A_128 : i32
    %rem3A_130 = arith.constant 97 : i32
    %rem3A_131 = arith.constant 4 : i32
    %rem3A_132 = arith.remsi %rem3A_130, %rem3A_131 : i32
    %sub3A_133 = arith.constant 0 : i32
    %sub3A_134 = arith.subi %add3A_129, %sub3A_133 : i32
    %mul3A_135 = arith.constant 4096 : i32
    %mul3A_136 = arith.muli %sub3A_134, %mul3A_135 : i32
    %mul3A_137 = arith.constant 512 : i32
    %mul3A_138 = arith.muli %sub3A_19, %mul3A_137 : i32
    %add3A_139 = arith.addi %mul3A_136, %mul3A_138 : i32
    %mul3A_140 = arith.constant 128 : i32
    %mul3A_141 = arith.muli %rem3A_132, %mul3A_140 : i32
    %add3A_142 = arith.addi %add3A_139, %mul3A_141 : i32
    %dma_wait3A_143 = arith.constant 0 : i32
    %dma_wait3A_144 = arith.constant 0 : i32
    %dma_wait3A_145 = tpu.memref_slice %arg6[%rem3A_127, %dma_wait3A_143, %dma_wait3A_144] : memref<6x128x32xf32, #tpu.memory_space<vmem>> -> memref<1x128x32xf32, #tpu.memory_space<vmem>>
    %dma_wait3A_146 = tpu.memref_squeeze %dma_wait3A_145 : memref<1x128x32xf32, #tpu.memory_space<vmem>> -> memref<128x32xf32, #tpu.memory_space<vmem>>
    %dma_wait3A_147 = arith.constant 0 : i32
    %dma_wait3A_148 = tpu.memref_slice %arg4[%add3A_142, %dma_wait3A_147] : memref<409600x32xf32, #tpu.memory_space<hbm>> -> memref<128x32xf32, #tpu.memory_space<hbm>>
    %dma_wait3A_149 = tpu.memref_slice %arg7[%rem3A_127] : memref<6x!tpu.dma_semaphore, #tpu.memory_space<semaphore_mem>> -> memref<1x!tpu.dma_semaphore, #tpu.memory_space<semaphore_mem>>
    %dma_wait3A_150 = tpu.memref_squeeze %dma_wait3A_149 : memref<1x!tpu.dma_semaphore, #tpu.memory_space<semaphore_mem>> -> memref<!tpu.dma_semaphore, #tpu.memory_space<semaphore_mem>>
    %dma_wait3A_151 = arith.constant 0 : i32
    %dma_wait3A_152 = tpu.memref_slice %arg4[%add3A_142, %dma_wait3A_151] : memref<409600x32xf32, #tpu.memory_space<hbm>> -> memref<128x32xf32, #tpu.memory_space<hbm>>
    %dma_wait3A_153 = arith.constant 0 : i32
    %dma_wait3A_154 = arith.constant 0 : i32
    %dma_wait3A_155 = tpu.memref_slice %arg6[%rem3A_127, %dma_wait3A_153, %dma_wait3A_154] : memref<6x128x32xf32, #tpu.memory_space<vmem>> -> memref<1x128x32xf32, #tpu.memory_space<vmem>>
    %dma_wait3A_156 = tpu.memref_squeeze %dma_wait3A_155 : memref<1x128x32xf32, #tpu.memory_space<vmem>> -> memref<128x32xf32, #tpu.memory_space<vmem>>
    tpu.wait_dma2 semaphore(%dma_wait3A_150 : memref<!tpu.dma_semaphore, #tpu.memory_space<semaphore_mem>>) src(%dma_wait3A_156 : memref<128x32xf32, #tpu.memory_space<vmem>>) dst(%dma_wait3A_152 : memref<128x32xf32, #tpu.memory_space<hbm>>)
    %rem3A_157 = arith.constant 98 : i32
    %rem3A_158 = arith.constant 6 : i32
    %rem3A_159 = arith.remsi %rem3A_157, %rem3A_158 : i32
    %add3A_160 = arith.constant 24 : i32
    %add3A_161 = arith.addi %add3A_23, %add3A_160 : i32
    %rem3A_162 = arith.constant 98 : i32
    %rem3A_163 = arith.constant 4 : i32
    %rem3A_164 = arith.remsi %rem3A_162, %rem3A_163 : i32
    %sub3A_165 = arith.constant 0 : i32
    %sub3A_166 = arith.subi %add3A_161, %sub3A_165 : i32
    %mul3A_167 = arith.constant 4096 : i32
    %mul3A_168 = arith.muli %sub3A_166, %mul3A_167 : i32
    %mul3A_169 = arith.constant 512 : i32
    %mul3A_170 = arith.muli %sub3A_19, %mul3A_169 : i32
    %add3A_171 = arith.addi %mul3A_168, %mul3A_170 : i32
    %mul3A_172 = arith.constant 128 : i32
    %mul3A_173 = arith.muli %rem3A_164, %mul3A_172 : i32
    %add3A_174 = arith.addi %add3A_171, %mul3A_173 : i32
    %dma_wait3A_175 = arith.constant 0 : i32
    %dma_wait3A_176 = arith.constant 0 : i32
    %dma_wait3A_177 = tpu.memref_slice %arg6[%rem3A_159, %dma_wait3A_175, %dma_wait3A_176] : memref<6x128x32xf32, #tpu.memory_space<vmem>> -> memref<1x128x32xf32, #tpu.memory_space<vmem>>
    %dma_wait3A_178 = tpu.memref_squeeze %dma_wait3A_177 : memref<1x128x32xf32, #tpu.memory_space<vmem>> -> memref<128x32xf32, #tpu.memory_space<vmem>>
    %dma_wait3A_179 = arith.constant 0 : i32
    %dma_wait3A_180 = tpu.memref_slice %arg4[%add3A_174, %dma_wait3A_179] : memref<409600x32xf32, #tpu.memory_space<hbm>> -> memref<128x32xf32, #tpu.memory_space<hbm>>
    %dma_wait3A_181 = tpu.memref_slice %arg7[%rem3A_159] : memref<6x!tpu.dma_semaphore, #tpu.memory_space<semaphore_mem>> -> memref<1x!tpu.dma_semaphore, #tpu.memory_space<semaphore_mem>>
    %dma_wait3A_182 = tpu.memref_squeeze %dma_wait3A_181 : memref<1x!tpu.dma_semaphore, #tpu.memory_space<semaphore_mem>> -> memref<!tpu.dma_semaphore, #tpu.memory_space<semaphore_mem>>
    %dma_wait3A_183 = arith.constant 0 : i32
    %dma_wait3A_184 = tpu.memref_slice %arg4[%add3A_174, %dma_wait3A_183] : memref<409600x32xf32, #tpu.memory_space<hbm>> -> memref<128x32xf32, #tpu.memory_space<hbm>>
    %dma_wait3A_185 = arith.constant 0 : i32
    %dma_wait3A_186 = arith.constant 0 : i32
    %dma_wait3A_187 = tpu.memref_slice %arg6[%rem3A_159, %dma_wait3A_185, %dma_wait3A_186] : memref<6x128x32xf32, #tpu.memory_space<vmem>> -> memref<1x128x32xf32, #tpu.memory_space<vmem>>
    %dma_wait3A_188 = tpu.memref_squeeze %dma_wait3A_187 : memref<1x128x32xf32, #tpu.memory_space<vmem>> -> memref<128x32xf32, #tpu.memory_space<vmem>>
    tpu.wait_dma2 semaphore(%dma_wait3A_182 : memref<!tpu.dma_semaphore, #tpu.memory_space<semaphore_mem>>) src(%dma_wait3A_188 : memref<128x32xf32, #tpu.memory_space<vmem>>) dst(%dma_wait3A_184 : memref<128x32xf32, #tpu.memory_space<hbm>>)
    %rem3A_189 = arith.constant 99 : i32
    %rem3A_190 = arith.constant 6 : i32
    %rem3A_191 = arith.remsi %rem3A_189, %rem3A_190 : i32
    %add3A_192 = arith.constant 24 : i32
    %add3A_193 = arith.addi %add3A_23, %add3A_192 : i32
    %rem3A_194 = arith.constant 99 : i32
    %rem3A_195 = arith.constant 4 : i32
    %rem3A_196 = arith.remsi %rem3A_194, %rem3A_195 : i32
    %sub3A_197 = arith.constant 0 : i32
    %sub3A_198 = arith.subi %add3A_193, %sub3A_197 : i32
    %mul3A_199 = arith.constant 4096 : i32
    %mul3A_200 = arith.muli %sub3A_198, %mul3A_199 : i32
    %mul3A_201 = arith.constant 512 : i32
    %mul3A_202 = arith.muli %sub3A_19, %mul3A_201 : i32
    %add3A_203 = arith.addi %mul3A_200, %mul3A_202 : i32
    %mul3A_204 = arith.constant 128 : i32
    %mul3A_205 = arith.muli %rem3A_196, %mul3A_204 : i32
    %add3A_206 = arith.addi %add3A_203, %mul3A_205 : i32
    %dma_wait3A_207 = arith.constant 0 : i32
    %dma_wait3A_208 = arith.constant 0 : i32
    %dma_wait3A_209 = tpu.memref_slice %arg6[%rem3A_191, %dma_wait3A_207, %dma_wait3A_208] : memref<6x128x32xf32, #tpu.memory_space<vmem>> -> memref<1x128x32xf32, #tpu.memory_space<vmem>>
    %dma_wait3A_210 = tpu.memref_squeeze %dma_wait3A_209 : memref<1x128x32xf32, #tpu.memory_space<vmem>> -> memref<128x32xf32, #tpu.memory_space<vmem>>
    %dma_wait3A_211 = arith.constant 0 : i32
    %dma_wait3A_212 = tpu.memref_slice %arg4[%add3A_206, %dma_wait3A_211] : memref<409600x32xf32, #tpu.memory_space<hbm>> -> memref<128x32xf32, #tpu.memory_space<hbm>>
    %dma_wait3A_213 = tpu.memref_slice %arg7[%rem3A_191] : memref<6x!tpu.dma_semaphore, #tpu.memory_space<semaphore_mem>> -> memref<1x!tpu.dma_semaphore, #tpu.memory_space<semaphore_mem>>
    %dma_wait3A_214 = tpu.memref_squeeze %dma_wait3A_213 : memref<1x!tpu.dma_semaphore, #tpu.memory_space<semaphore_mem>> -> memref<!tpu.dma_semaphore, #tpu.memory_space<semaphore_mem>>
    %dma_wait3A_215 = arith.constant 0 : i32
    %dma_wait3A_216 = tpu.memref_slice %arg4[%add3A_206, %dma_wait3A_215] : memref<409600x32xf32, #tpu.memory_space<hbm>> -> memref<128x32xf32, #tpu.memory_space<hbm>>
    %dma_wait3A_217 = arith.constant 0 : i32
    %dma_wait3A_218 = arith.constant 0 : i32
    %dma_wait3A_219 = tpu.memref_slice %arg6[%rem3A_191, %dma_wait3A_217, %dma_wait3A_218] : memref<6x128x32xf32, #tpu.memory_space<vmem>> -> memref<1x128x32xf32, #tpu.memory_space<vmem>>
    %dma_wait3A_220 = tpu.memref_squeeze %dma_wait3A_219 : memref<1x128x32xf32, #tpu.memory_space<vmem>> -> memref<128x32xf32, #tpu.memory_space<vmem>>
    tpu.wait_dma2 semaphore(%dma_wait3A_214 : memref<!tpu.dma_semaphore, #tpu.memory_space<semaphore_mem>>) src(%dma_wait3A_220 : memref<128x32xf32, #tpu.memory_space<vmem>>) dst(%dma_wait3A_216 : memref<128x32xf32, #tpu.memory_space<hbm>>)
    return
  }
}

#map = affine_map<(d0, d1) -> (0, 0)>
module attributes {stable_mosaic.version = 14 : i64} {
  func.func @_gather_body(%arg0: i32, %arg1: i32, %arg2: memref<1003520x32xf32, #tpu.memory_space<hbm>>, %arg3: memref<200x4096xi32, #tpu.memory_space<hbm>>, %arg4: memref<409600x32xf32, #tpu.memory_space<hbm>>, %arg5: memref<6x128xi32, #tpu.memory_space<vmem>>, %arg6: memref<6x128x32xf32, #tpu.memory_space<vmem>>, %arg7: memref<6x!tpu.dma_semaphore, #tpu.memory_space<semaphore_mem>>) attributes {dimension_semantics = [#tpu.dimension_semantics<core_parallel>, #tpu.dimension_semantics<subcore_parallel>], iteration_bounds = array<i64: 2, 16>, scalar_prefetch = 0 : i64, scratch_operands = 3 : i64, tpu.core_type = #tpu.core_type<sc_vector_subcore>, window_params = [{transform_indices = #map}, {transform_indices = #map}, {transform_indices = #map}]} {
    %mul3A = arith.constant 2 : i32
    %mul3A_0 = arith.muli %arg1, %mul3A : i32
    %add3A = arith.addi %mul3A_0, %arg0 : i32
    %jit3A = arith.constant 8 : i32
    %div3A = arith.divsi %add3A, %jit3A : i32
    %sign3A = arith.constant 0 : i32
    %sign3A_1 = arith.cmpi sgt, %add3A, %sign3A : i32
    %sign3A_2 = arith.extui %sign3A_1 : i1 to i32
    %sign3A_3 = arith.constant 0 : i32
    %sign3A_4 = arith.cmpi slt, %add3A, %sign3A_3 : i32
    %sign3A_5 = arith.extui %sign3A_4 : i1 to i32
    %sign3A_6 = arith.subi %sign3A_2, %sign3A_5 : i32
    %sign3A_7 = arith.constant 0 : i32
    %sign3A_8 = arith.cmpi sgt, %jit3A, %sign3A_7 : i32
    %sign3A_9 = arith.extui %sign3A_8 : i1 to i32
    %sign3A_10 = arith.constant 0 : i32
    %sign3A_11 = arith.cmpi slt, %jit3A, %sign3A_10 : i32
    %sign3A_12 = arith.extui %sign3A_11 : i1 to i32
    %sign3A_13 = arith.subi %sign3A_9, %sign3A_12 : i32
    %ne3A = arith.cmpi ne, %sign3A_6, %sign3A_13 : i32
    %rem3A = arith.remsi %add3A, %jit3A : i32
    %ne3A_14 = arith.constant 0 : i32
    %ne3A_15 = arith.cmpi ne, %rem3A, %ne3A_14 : i32
    %and3A = arith.andi %ne3A, %ne3A_15 : i1
    %sub3A = arith.constant 1 : i32
    %sub3A_16 = arith.subi %div3A, %sub3A : i32
    %select_n3A = arith.select %and3A, %sub3A_16, %div3A : i32
    %mul3A_17 = arith.constant 8 : i32
    %mul3A_18 = arith.muli %mul3A_17, %select_n3A : i32
    %sub3A_19 = arith.subi %add3A, %mul3A_18 : i32
    %mul3A_20 = arith.constant 25 : i32
    %mul3A_21 = arith.muli %select_n3A, %mul3A_20 : i32
    %add3A_22 = arith.constant 100 : i32
    %add3A_23 = arith.addi %add3A_22, %mul3A_21 : i32
    %scan3A = arith.constant 0 : i32
    %scan3A_24 = arith.constant 0 : i32
    %scan3A_25 = arith.constant 104 : i32
    %scan3A_26 = arith.addi %scan3A_24, %scan3A_25 : i32
    %scan3A_27 = arith.constant 1 : i32
    %scan3A_28 = scf.for %scan3A_221 = %scan3A_24 to %scan3A_26 step %scan3A_27 iter_args(%scan3A_222 = %scan3A) -> (i32)  : i32 {
      %sub3A_223 = arith.constant 2 : i32
      %sub3A_224 = arith.subi %scan3A_221, %sub3A_223 : i32
      %sub3A_225 = arith.constant 4 : i32
      %sub3A_226 = arith.subi %scan3A_221, %sub3A_225 : i32
      %lt3A = arith.constant 100 : i32
      %lt3A_227 = arith.cmpi slt, %scan3A_221, %lt3A : i32
      %convert_element_type3A = arith.extui %lt3A_227 : i1 to i32
      %cond3A = arith.constant 0 : i32
      %cond3A_228 = arith.cmpi ne, %convert_element_type3A, %cond3A : i32
      scf.if %cond3A_228 {
        %ge3A_242 = arith.constant 6 : i32
        %ge3A_243 = arith.cmpi sge, %scan3A_221, %ge3A_242 : i32
        %convert_element_type3A_244 = arith.extui %ge3A_243 : i1 to i32
        %cond3A_245 = arith.constant 0 : i32
        %cond3A_246 = arith.cmpi ne, %convert_element_type3A_244, %cond3A_245 : i32
        scf.if %cond3A_246 {
          %sub3A_351 = arith.constant 6 : i32
          %sub3A_352 = arith.subi %scan3A_221, %sub3A_351 : i32
          %rem3A_353 = arith.constant 6 : i32
          %rem3A_354 = arith.remsi %sub3A_352, %rem3A_353 : i32
          %jit3A_355 = arith.constant 4 : i32
          %div3A_356 = arith.divsi %sub3A_352, %jit3A_355 : i32
          %sign3A_357 = arith.constant 0 : i32
          %sign3A_358 = arith.cmpi sgt, %sub3A_352, %sign3A_357 : i32
          %sign3A_359 = arith.extui %sign3A_358 : i1 to i32
          %sign3A_360 = arith.constant 0 : i32
          %sign3A_361 = arith.cmpi slt, %sub3A_352, %sign3A_360 : i32
          %sign3A_362 = arith.extui %sign3A_361 : i1 to i32
          %sign3A_363 = arith.subi %sign3A_359, %sign3A_362 : i32
          %sign3A_364 = arith.constant 0 : i32
          %sign3A_365 = arith.cmpi sgt, %jit3A_355, %sign3A_364 : i32
          %sign3A_366 = arith.extui %sign3A_365 : i1 to i32
          %sign3A_367 = arith.constant 0 : i32
          %sign3A_368 = arith.cmpi slt, %jit3A_355, %sign3A_367 : i32
          %sign3A_369 = arith.extui %sign3A_368 : i1 to i32
          %sign3A_370 = arith.subi %sign3A_366, %sign3A_369 : i32
          %ne3A_371 = arith.cmpi ne, %sign3A_363, %sign3A_370 : i32
          %rem3A_372 = arith.remsi %sub3A_352, %jit3A_355 : i32
          %ne3A_373 = arith.constant 0 : i32
          %ne3A_374 = arith.cmpi ne, %rem3A_372, %ne3A_373 : i32
          %and3A_375 = arith.andi %ne3A_371, %ne3A_374 : i1
          %sub3A_376 = arith.constant 1 : i32
          %sub3A_377 = arith.subi %div3A_356, %sub3A_376 : i32
          %select_n3A_378 = arith.select %and3A_375, %sub3A_377, %div3A_356 : i32
          %add3A_379 = arith.addi %add3A_23, %select_n3A_378 : i32
          %rem3A_380 = arith.constant 4 : i32
          %rem3A_381 = arith.remsi %sub3A_352, %rem3A_380 : i32
          %sub3A_382 = arith.constant 100 : i32
          %sub3A_383 = arith.subi %add3A_379, %sub3A_382 : i32
          %mul3A_384 = arith.constant 4096 : i32
          %mul3A_385 = arith.muli %sub3A_383, %mul3A_384 : i32
          %mul3A_386 = arith.constant 512 : i32
          %mul3A_387 = arith.muli %sub3A_19, %mul3A_386 : i32
          %add3A_388 = arith.addi %mul3A_385, %mul3A_387 : i32
          %mul3A_389 = arith.constant 128 : i32
          %mul3A_390 = arith.muli %rem3A_381, %mul3A_389 : i32
          %add3A_391 = arith.addi %add3A_388, %mul3A_390 : i32
          %dma_wait3A_392 = arith.constant 0 : i32
          %dma_wait3A_393 = arith.constant 0 : i32
          %dma_wait3A_394 = tpu.memref_slice %arg6[%rem3A_354, %dma_wait3A_392, %dma_wait3A_393] : memref<6x128x32xf32, #tpu.memory_space<vmem>> -> memref<1x128x32xf32, #tpu.memory_space<vmem>>
          %dma_wait3A_395 = tpu.memref_squeeze %dma_wait3A_394 : memref<1x128x32xf32, #tpu.memory_space<vmem>> -> memref<128x32xf32, #tpu.memory_space<vmem>>
          %dma_wait3A_396 = arith.constant 0 : i32
          %dma_wait3A_397 = tpu.memref_slice %arg4[%add3A_391, %dma_wait3A_396] : memref<409600x32xf32, #tpu.memory_space<hbm>> -> memref<128x32xf32, #tpu.memory_space<hbm>>
          %dma_wait3A_398 = tpu.memref_slice %arg7[%rem3A_354] : memref<6x!tpu.dma_semaphore, #tpu.memory_space<semaphore_mem>> -> memref<1x!tpu.dma_semaphore, #tpu.memory_space<semaphore_mem>>
          %dma_wait3A_399 = tpu.memref_squeeze %dma_wait3A_398 : memref<1x!tpu.dma_semaphore, #tpu.memory_space<semaphore_mem>> -> memref<!tpu.dma_semaphore, #tpu.memory_space<semaphore_mem>>
          %dma_wait3A_400 = arith.constant 0 : i32
          %dma_wait3A_401 = tpu.memref_slice %arg4[%add3A_391, %dma_wait3A_400] : memref<409600x32xf32, #tpu.memory_space<hbm>> -> memref<128x32xf32, #tpu.memory_space<hbm>>
          %dma_wait3A_402 = arith.constant 0 : i32
          %dma_wait3A_403 = arith.constant 0 : i32
          %dma_wait3A_404 = tpu.memref_slice %arg6[%rem3A_354, %dma_wait3A_402, %dma_wait3A_403] : memref<6x128x32xf32, #tpu.memory_space<vmem>> -> memref<1x128x32xf32, #tpu.memory_space<vmem>>
          %dma_wait3A_405 = tpu.memref_squeeze %dma_wait3A_404 : memref<1x128x32xf32, #tpu.memory_space<vmem>> -> memref<128x32xf32, #tpu.memory_space<vmem>>
          tpu.wait_dma2 semaphore(%dma_wait3A_399 : memref<!tpu.dma_semaphore, #tpu.memory_space<semaphore_mem>>) src(%dma_wait3A_405 : memref<128x32xf32, #tpu.memory_space<vmem>>) dst(%dma_wait3A_401 : memref<128x32xf32, #tpu.memory_space<hbm>>)
        } else {
        }
        %rem3A_247 = arith.constant 6 : i32
        %rem3A_248 = arith.remsi %scan3A_221, %rem3A_247 : i32
        %jit3A_249 = arith.constant 4 : i32
        %div3A_250 = arith.divsi %scan3A_221, %jit3A_249 : i32
        %sign3A_251 = arith.constant 0 : i32
        %sign3A_252 = arith.cmpi sgt, %scan3A_221, %sign3A_251 : i32
        %sign3A_253 = arith.extui %sign3A_252 : i1 to i32
        %sign3A_254 = arith.constant 0 : i32
        %sign3A_255 = arith.cmpi slt, %scan3A_221, %sign3A_254 : i32
        %sign3A_256 = arith.extui %sign3A_255 : i1 to i32
        %sign3A_257 = arith.subi %sign3A_253, %sign3A_256 : i32
        %sign3A_258 = arith.constant 0 : i32
        %sign3A_259 = arith.cmpi sgt, %jit3A_249, %sign3A_258 : i32
        %sign3A_260 = arith.extui %sign3A_259 : i1 to i32
        %sign3A_261 = arith.constant 0 : i32
        %sign3A_262 = arith.cmpi slt, %jit3A_249, %sign3A_261 : i32
        %sign3A_263 = arith.extui %sign3A_262 : i1 to i32
        %sign3A_264 = arith.subi %sign3A_260, %sign3A_263 : i32
        %ne3A_265 = arith.cmpi ne, %sign3A_257, %sign3A_264 : i32
        %rem3A_266 = arith.remsi %scan3A_221, %jit3A_249 : i32
        %ne3A_267 = arith.constant 0 : i32
        %ne3A_268 = arith.cmpi ne, %rem3A_266, %ne3A_267 : i32
        %and3A_269 = arith.andi %ne3A_265, %ne3A_268 : i1
        %sub3A_270 = arith.constant 1 : i32
        %sub3A_271 = arith.subi %div3A_250, %sub3A_270 : i32
        %select_n3A_272 = arith.select %and3A_269, %sub3A_271, %div3A_250 : i32
        %add3A_273 = arith.addi %add3A_23, %select_n3A_272 : i32
        %rem3A_274 = arith.constant 4 : i32
        %rem3A_275 = arith.remsi %scan3A_221, %rem3A_274 : i32
        %mul3A_276 = arith.constant 128 : i32
        %mul3A_277 = arith.muli %sub3A_19, %mul3A_276 : i32
        %add3A_278 = arith.constant 0 : i32
        %add3A_279 = arith.addi %add3A_278, %mul3A_277 : i32
        %mul3A_280 = arith.constant 32 : i32
        %mul3A_281 = arith.muli %rem3A_275, %mul3A_280 : i32
        %add3A_282 = arith.addi %add3A_279, %mul3A_281 : i32
        %dma_start3A = arith.constant 0 : i32
        %dma_start3A_283 = tpu.memref_slice %arg5[%rem3A_248, %dma_start3A] : memref<6x128xi32, #tpu.memory_space<vmem>> -> memref<1x32xi32, #tpu.memory_space<vmem>>
        %dma_start3A_284 = tpu.memref_squeeze %dma_start3A_283 : memref<1x32xi32, #tpu.memory_space<vmem>> -> memref<32xi32, #tpu.memory_space<vmem>>
        %dma_start3A_285 = tpu.memref_slice %arg3[%add3A_273, %add3A_282] : memref<200x4096xi32, #tpu.memory_space<hbm>> -> memref<1x32xi32, #tpu.memory_space<hbm>>
        %dma_start3A_286 = tpu.memref_squeeze %dma_start3A_285 : memref<1x32xi32, #tpu.memory_space<hbm>> -> memref<32xi32, #tpu.memory_space<hbm>>
        %dma_start3A_287 = tpu.memref_slice %arg7[%rem3A_248] : memref<6x!tpu.dma_semaphore, #tpu.memory_space<semaphore_mem>> -> memref<1x!tpu.dma_semaphore, #tpu.memory_space<semaphore_mem>>
        %dma_start3A_288 = tpu.memref_squeeze %dma_start3A_287 : memref<1x!tpu.dma_semaphore, #tpu.memory_space<semaphore_mem>> -> memref<!tpu.dma_semaphore, #tpu.memory_space<semaphore_mem>>
        %dma_start3A_289 = arith.constant 0 : i32
        %dma_start3A_290 = tpu.memref_slice %arg5[%rem3A_248, %dma_start3A_289] : memref<6x128xi32, #tpu.memory_space<vmem>> -> memref<1x32xi32, #tpu.memory_space<vmem>>
        %dma_start3A_291 = tpu.memref_squeeze %dma_start3A_290 : memref<1x32xi32, #tpu.memory_space<vmem>> -> memref<32xi32, #tpu.memory_space<vmem>>
        %dma_start3A_292 = tpu.memref_slice %arg3[%add3A_273, %add3A_282] : memref<200x4096xi32, #tpu.memory_space<hbm>> -> memref<1x32xi32, #tpu.memory_space<hbm>>
        %dma_start3A_293 = tpu.memref_squeeze %dma_start3A_292 : memref<1x32xi32, #tpu.memory_space<hbm>> -> memref<32xi32, #tpu.memory_space<hbm>>
        tpu.enqueue_dma source(%dma_start3A_293 : memref<32xi32, #tpu.memory_space<hbm>>) target(%dma_start3A_291 : memref<32xi32, #tpu.memory_space<vmem>>) target_semaphore(%dma_start3A_288 : memref<!tpu.dma_semaphore, #tpu.memory_space<semaphore_mem>>)
        %mul3A_294 = arith.constant 128 : i32
        %mul3A_295 = arith.muli %sub3A_19, %mul3A_294 : i32
        %add3A_296 = arith.constant 1024 : i32
        %add3A_297 = arith.addi %add3A_296, %mul3A_295 : i32
        %mul3A_298 = arith.constant 32 : i32
        %mul3A_299 = arith.muli %rem3A_275, %mul3A_298 : i32
        %add3A_300 = arith.addi %add3A_297, %mul3A_299 : i32
        %dma_start3A_301 = arith.constant 32 : i32
        %dma_start3A_302 = tpu.memref_slice %arg5[%rem3A_248, %dma_start3A_301] : memref<6x128xi32, #tpu.memory_space<vmem>> -> memref<1x32xi32, #tpu.memory_space<vmem>>
        %dma_start3A_303 = tpu.memref_squeeze %dma_start3A_302 : memref<1x32xi32, #tpu.memory_space<vmem>> -> memref<32xi32, #tpu.memory_space<vmem>>
        %dma_start3A_304 = tpu.memref_slice %arg3[%add3A_273, %add3A_300] : memref<200x4096xi32, #tpu.memory_space<hbm>> -> memref<1x32xi32, #tpu.memory_space<hbm>>
        %dma_start3A_305 = tpu.memref_squeeze %dma_start3A_304 : memref<1x32xi32, #tpu.memory_space<hbm>> -> memref<32xi32, #tpu.memory_space<hbm>>
        %dma_start3A_306 = tpu.memref_slice %arg7[%rem3A_248] : memref<6x!tpu.dma_semaphore, #tpu.memory_space<semaphore_mem>> -> memref<1x!tpu.dma_semaphore, #tpu.memory_space<semaphore_mem>>
        %dma_start3A_307 = tpu.memref_squeeze %dma_start3A_306 : memref<1x!tpu.dma_semaphore, #tpu.memory_space<semaphore_mem>> -> memref<!tpu.dma_semaphore, #tpu.memory_space<semaphore_mem>>
        %dma_start3A_308 = arith.constant 32 : i32
        %dma_start3A_309 = tpu.memref_slice %arg5[%rem3A_248, %dma_start3A_308] : memref<6x128xi32, #tpu.memory_space<vmem>> -> memref<1x32xi32, #tpu.memory_space<vmem>>
        %dma_start3A_310 = tpu.memref_squeeze %dma_start3A_309 : memref<1x32xi32, #tpu.memory_space<vmem>> -> memref<32xi32, #tpu.memory_space<vmem>>
        %dma_start3A_311 = tpu.memref_slice %arg3[%add3A_273, %add3A_300] : memref<200x4096xi32, #tpu.memory_space<hbm>> -> memref<1x32xi32, #tpu.memory_space<hbm>>
        %dma_start3A_312 = tpu.memref_squeeze %dma_start3A_311 : memref<1x32xi32, #tpu.memory_space<hbm>> -> memref<32xi32, #tpu.memory_space<hbm>>
        tpu.enqueue_dma source(%dma_start3A_312 : memref<32xi32, #tpu.memory_space<hbm>>) target(%dma_start3A_310 : memref<32xi32, #tpu.memory_space<vmem>>) target_semaphore(%dma_start3A_307 : memref<!tpu.dma_semaphore, #tpu.memory_space<semaphore_mem>>)
        %mul3A_313 = arith.constant 128 : i32
        %mul3A_314 = arith.muli %sub3A_19, %mul3A_313 : i32
        %add3A_315 = arith.constant 2048 : i32
        %add3A_316 = arith.addi %add3A_315, %mul3A_314 : i32
        %mul3A_317 = arith.constant 32 : i32
        %mul3A_318 = arith.muli %rem3A_275, %mul3A_317 : i32
        %add3A_319 = arith.addi %add3A_316, %mul3A_318 : i32
        %dma_start3A_320 = arith.constant 64 : i32
        %dma_start3A_321 = tpu.memref_slice %arg5[%rem3A_248, %dma_start3A_320] : memref<6x128xi32, #tpu.memory_space<vmem>> -> memref<1x32xi32, #tpu.memory_space<vmem>>
        %dma_start3A_322 = tpu.memref_squeeze %dma_start3A_321 : memref<1x32xi32, #tpu.memory_space<vmem>> -> memref<32xi32, #tpu.memory_space<vmem>>
        %dma_start3A_323 = tpu.memref_slice %arg3[%add3A_273, %add3A_319] : memref<200x4096xi32, #tpu.memory_space<hbm>> -> memref<1x32xi32, #tpu.memory_space<hbm>>
        %dma_start3A_324 = tpu.memref_squeeze %dma_start3A_323 : memref<1x32xi32, #tpu.memory_space<hbm>> -> memref<32xi32, #tpu.memory_space<hbm>>
        %dma_start3A_325 = tpu.memref_slice %arg7[%rem3A_248] : memref<6x!tpu.dma_semaphore, #tpu.memory_space<semaphore_mem>> -> memref<1x!tpu.dma_semaphore, #tpu.memory_space<semaphore_mem>>
        %dma_start3A_326 = tpu.memref_squeeze %dma_start3A_325 : memref<1x!tpu.dma_semaphore, #tpu.memory_space<semaphore_mem>> -> memref<!tpu.dma_semaphore, #tpu.memory_space<semaphore_mem>>
        %dma_start3A_327 = arith.constant 64 : i32
        %dma_start3A_328 = tpu.memref_slice %arg5[%rem3A_248, %dma_start3A_327] : memref<6x128xi32, #tpu.memory_space<vmem>> -> memref<1x32xi32, #tpu.memory_space<vmem>>
        %dma_start3A_329 = tpu.memref_squeeze %dma_start3A_328 : memref<1x32xi32, #tpu.memory_space<vmem>> -> memref<32xi32, #tpu.memory_space<vmem>>
        %dma_start3A_330 = tpu.memref_slice %arg3[%add3A_273, %add3A_319] : memref<200x4096xi32, #tpu.memory_space<hbm>> -> memref<1x32xi32, #tpu.memory_space<hbm>>
        %dma_start3A_331 = tpu.memref_squeeze %dma_start3A_330 : memref<1x32xi32, #tpu.memory_space<hbm>> -> memref<32xi32, #tpu.memory_space<hbm>>
        tpu.enqueue_dma source(%dma_start3A_331 : memref<32xi32, #tpu.memory_space<hbm>>) target(%dma_start3A_329 : memref<32xi32, #tpu.memory_space<vmem>>) target_semaphore(%dma_start3A_326 : memref<!tpu.dma_semaphore, #tpu.memory_space<semaphore_mem>>)
        %mul3A_332 = arith.constant 128 : i32
        %mul3A_333 = arith.muli %sub3A_19, %mul3A_332 : i32
        %add3A_334 = arith.constant 3072 : i32
        %add3A_335 = arith.addi %add3A_334, %mul3A_333 : i32
        %mul3A_336 = arith.constant 32 : i32
        %mul3A_337 = arith.muli %rem3A_275, %mul3A_336 : i32
        %add3A_338 = arith.addi %add3A_335, %mul3A_337 : i32
        %dma_start3A_339 = arith.constant 96 : i32
        %dma_start3A_340 = tpu.memref_slice %arg5[%rem3A_248, %dma_start3A_339] : memref<6x128xi32, #tpu.memory_space<vmem>> -> memref<1x32xi32, #tpu.memory_space<vmem>>
        %dma_start3A_341 = tpu.memref_squeeze %dma_start3A_340 : memref<1x32xi32, #tpu.memory_space<vmem>> -> memref<32xi32, #tpu.memory_space<vmem>>
        %dma_start3A_342 = tpu.memref_slice %arg3[%add3A_273, %add3A_338] : memref<200x4096xi32, #tpu.memory_space<hbm>> -> memref<1x32xi32, #tpu.memory_space<hbm>>
        %dma_start3A_343 = tpu.memref_squeeze %dma_start3A_342 : memref<1x32xi32, #tpu.memory_space<hbm>> -> memref<32xi32, #tpu.memory_space<hbm>>
        %dma_start3A_344 = tpu.memref_slice %arg7[%rem3A_248] : memref<6x!tpu.dma_semaphore, #tpu.memory_space<semaphore_mem>> -> memref<1x!tpu.dma_semaphore, #tpu.memory_space<semaphore_mem>>
        %dma_start3A_345 = tpu.memref_squeeze %dma_start3A_344 : memref<1x!tpu.dma_semaphore, #tpu.memory_space<semaphore_mem>> -> memref<!tpu.dma_semaphore, #tpu.memory_space<semaphore_mem>>
        %dma_start3A_346 = arith.constant 96 : i32
        %dma_start3A_347 = tpu.memref_slice %arg5[%rem3A_248, %dma_start3A_346] : memref<6x128xi32, #tpu.memory_space<vmem>> -> memref<1x32xi32, #tpu.memory_space<vmem>>
        %dma_start3A_348 = tpu.memref_squeeze %dma_start3A_347 : memref<1x32xi32, #tpu.memory_space<vmem>> -> memref<32xi32, #tpu.memory_space<vmem>>
        %dma_start3A_349 = tpu.memref_slice %arg3[%add3A_273, %add3A_338] : memref<200x4096xi32, #tpu.memory_space<hbm>> -> memref<1x32xi32, #tpu.memory_space<hbm>>
        %dma_start3A_350 = tpu.memref_squeeze %dma_start3A_349 : memref<1x32xi32, #tpu.memory_space<hbm>> -> memref<32xi32, #tpu.memory_space<hbm>>
        tpu.enqueue_dma source(%dma_start3A_350 : memref<32xi32, #tpu.memory_space<hbm>>) target(%dma_start3A_348 : memref<32xi32, #tpu.memory_space<vmem>>) target_semaphore(%dma_start3A_345 : memref<!tpu.dma_semaphore, #tpu.memory_space<semaphore_mem>>)
      } else {
      }
      %ge3A = arith.constant 0 : i32
      %ge3A_229 = arith.cmpi sge, %sub3A_224, %ge3A : i32
      %lt3A_230 = arith.constant 100 : i32
      %lt3A_231 = arith.cmpi slt, %sub3A_224, %lt3A_230 : i32
      %and3A_232 = arith.andi %ge3A_229, %lt3A_231 : i1
      %convert_element_type3A_233 = arith.extui %and3A_232 : i1 to i32
      %cond3A_234 = arith.constant 0 : i32
      %cond3A_235 = arith.cmpi ne, %convert_element_type3A_233, %cond3A_234 : i32
      scf.if %cond3A_235 {
        %rem3A_242 = arith.constant 6 : i32
        %rem3A_243 = arith.remsi %sub3A_224, %rem3A_242 : i32
        %jit3A_244 = arith.constant 4 : i32
        %div3A_245 = arith.divsi %sub3A_224, %jit3A_244 : i32
        %sign3A_246 = arith.constant 0 : i32
        %sign3A_247 = arith.cmpi sgt, %sub3A_224, %sign3A_246 : i32
        %sign3A_248 = arith.extui %sign3A_247 : i1 to i32
        %sign3A_249 = arith.constant 0 : i32
        %sign3A_250 = arith.cmpi slt, %sub3A_224, %sign3A_249 : i32
        %sign3A_251 = arith.extui %sign3A_250 : i1 to i32
        %sign3A_252 = arith.subi %sign3A_248, %sign3A_251 : i32
        %sign3A_253 = arith.constant 0 : i32
        %sign3A_254 = arith.cmpi sgt, %jit3A_244, %sign3A_253 : i32
        %sign3A_255 = arith.extui %sign3A_254 : i1 to i32
        %sign3A_256 = arith.constant 0 : i32
        %sign3A_257 = arith.cmpi slt, %jit3A_244, %sign3A_256 : i32
        %sign3A_258 = arith.extui %sign3A_257 : i1 to i32
        %sign3A_259 = arith.subi %sign3A_255, %sign3A_258 : i32
        %ne3A_260 = arith.cmpi ne, %sign3A_252, %sign3A_259 : i32
        %rem3A_261 = arith.remsi %sub3A_224, %jit3A_244 : i32
        %ne3A_262 = arith.constant 0 : i32
        %ne3A_263 = arith.cmpi ne, %rem3A_261, %ne3A_262 : i32
        %and3A_264 = arith.andi %ne3A_260, %ne3A_263 : i1
        %sub3A_265 = arith.constant 1 : i32
        %sub3A_266 = arith.subi %div3A_245, %sub3A_265 : i32
        %select_n3A_267 = arith.select %and3A_264, %sub3A_266, %div3A_245 : i32
        %add3A_268 = arith.addi %add3A_23, %select_n3A_267 : i32
        %rem3A_269 = arith.constant 4 : i32
        %rem3A_270 = arith.remsi %sub3A_224, %rem3A_269 : i32
        %mul3A_271 = arith.constant 128 : i32
        %mul3A_272 = arith.muli %sub3A_19, %mul3A_271 : i32
        %add3A_273 = arith.constant 0 : i32
        %add3A_274 = arith.addi %add3A_273, %mul3A_272 : i32
        %mul3A_275 = arith.constant 32 : i32
        %mul3A_276 = arith.muli %rem3A_270, %mul3A_275 : i32
        %add3A_277 = arith.addi %add3A_274, %mul3A_276 : i32
        %dma_wait3A_278 = arith.constant 0 : i32
        %dma_wait3A_279 = tpu.memref_slice %arg5[%rem3A_243, %dma_wait3A_278] : memref<6x128xi32, #tpu.memory_space<vmem>> -> memref<1x32xi32, #tpu.memory_space<vmem>>
        %dma_wait3A_280 = tpu.memref_squeeze %dma_wait3A_279 : memref<1x32xi32, #tpu.memory_space<vmem>> -> memref<32xi32, #tpu.memory_space<vmem>>
        %dma_wait3A_281 = tpu.memref_slice %arg3[%add3A_268, %add3A_277] : memref<200x4096xi32, #tpu.memory_space<hbm>> -> memref<1x32xi32, #tpu.memory_space<hbm>>
        %dma_wait3A_282 = tpu.memref_squeeze %dma_wait3A_281 : memref<1x32xi32, #tpu.memory_space<hbm>> -> memref<32xi32, #tpu.memory_space<hbm>>
        %dma_wait3A_283 = tpu.memref_slice %arg7[%rem3A_243] : memref<6x!tpu.dma_semaphore, #tpu.memory_space<semaphore_mem>> -> memref<1x!tpu.dma_semaphore, #tpu.memory_space<semaphore_mem>>
        %dma_wait3A_284 = tpu.memref_squeeze %dma_wait3A_283 : memref<1x!tpu.dma_semaphore, #tpu.memory_space<semaphore_mem>> -> memref<!tpu.dma_semaphore, #tpu.memory_space<semaphore_mem>>
        %dma_wait3A_285 = arith.constant 0 : i32
        %dma_wait3A_286 = tpu.memref_slice %arg5[%rem3A_243, %dma_wait3A_285] : memref<6x128xi32, #tpu.memory_space<vmem>> -> memref<1x32xi32, #tpu.memory_space<vmem>>
        %dma_wait3A_287 = tpu.memref_squeeze %dma_wait3A_286 : memref<1x32xi32, #tpu.memory_space<vmem>> -> memref<32xi32, #tpu.memory_space<vmem>>
        %dma_wait3A_288 = tpu.memref_slice %arg3[%add3A_268, %add3A_277] : memref<200x4096xi32, #tpu.memory_space<hbm>> -> memref<1x32xi32, #tpu.memory_space<hbm>>
        %dma_wait3A_289 = tpu.memref_squeeze %dma_wait3A_288 : memref<1x32xi32, #tpu.memory_space<hbm>> -> memref<32xi32, #tpu.memory_space<hbm>>
        tpu.wait_dma2 semaphore(%dma_wait3A_284 : memref<!tpu.dma_semaphore, #tpu.memory_space<semaphore_mem>>) src(%dma_wait3A_289 : memref<32xi32, #tpu.memory_space<hbm>>) dst(%dma_wait3A_287 : memref<32xi32, #tpu.memory_space<vmem>>)
        %mul3A_290 = arith.constant 128 : i32
        %mul3A_291 = arith.muli %sub3A_19, %mul3A_290 : i32
        %add3A_292 = arith.constant 1024 : i32
        %add3A_293 = arith.addi %add3A_292, %mul3A_291 : i32
        %mul3A_294 = arith.constant 32 : i32
        %mul3A_295 = arith.muli %rem3A_270, %mul3A_294 : i32
        %add3A_296 = arith.addi %add3A_293, %mul3A_295 : i32
        %dma_wait3A_297 = arith.constant 32 : i32
        %dma_wait3A_298 = tpu.memref_slice %arg5[%rem3A_243, %dma_wait3A_297] : memref<6x128xi32, #tpu.memory_space<vmem>> -> memref<1x32xi32, #tpu.memory_space<vmem>>
        %dma_wait3A_299 = tpu.memref_squeeze %dma_wait3A_298 : memref<1x32xi32, #tpu.memory_space<vmem>> -> memref<32xi32, #tpu.memory_space<vmem>>
        %dma_wait3A_300 = tpu.memref_slice %arg3[%add3A_268, %add3A_296] : memref<200x4096xi32, #tpu.memory_space<hbm>> -> memref<1x32xi32, #tpu.memory_space<hbm>>
        %dma_wait3A_301 = tpu.memref_squeeze %dma_wait3A_300 : memref<1x32xi32, #tpu.memory_space<hbm>> -> memref<32xi32, #tpu.memory_space<hbm>>
        %dma_wait3A_302 = tpu.memref_slice %arg7[%rem3A_243] : memref<6x!tpu.dma_semaphore, #tpu.memory_space<semaphore_mem>> -> memref<1x!tpu.dma_semaphore, #tpu.memory_space<semaphore_mem>>
        %dma_wait3A_303 = tpu.memref_squeeze %dma_wait3A_302 : memref<1x!tpu.dma_semaphore, #tpu.memory_space<semaphore_mem>> -> memref<!tpu.dma_semaphore, #tpu.memory_space<semaphore_mem>>
        %dma_wait3A_304 = arith.constant 32 : i32
        %dma_wait3A_305 = tpu.memref_slice %arg5[%rem3A_243, %dma_wait3A_304] : memref<6x128xi32, #tpu.memory_space<vmem>> -> memref<1x32xi32, #tpu.memory_space<vmem>>
        %dma_wait3A_306 = tpu.memref_squeeze %dma_wait3A_305 : memref<1x32xi32, #tpu.memory_space<vmem>> -> memref<32xi32, #tpu.memory_space<vmem>>
        %dma_wait3A_307 = tpu.memref_slice %arg3[%add3A_268, %add3A_296] : memref<200x4096xi32, #tpu.memory_space<hbm>> -> memref<1x32xi32, #tpu.memory_space<hbm>>
        %dma_wait3A_308 = tpu.memref_squeeze %dma_wait3A_307 : memref<1x32xi32, #tpu.memory_space<hbm>> -> memref<32xi32, #tpu.memory_space<hbm>>
        tpu.wait_dma2 semaphore(%dma_wait3A_303 : memref<!tpu.dma_semaphore, #tpu.memory_space<semaphore_mem>>) src(%dma_wait3A_308 : memref<32xi32, #tpu.memory_space<hbm>>) dst(%dma_wait3A_306 : memref<32xi32, #tpu.memory_space<vmem>>)
        %mul3A_309 = arith.constant 128 : i32
        %mul3A_310 = arith.muli %sub3A_19, %mul3A_309 : i32
        %add3A_311 = arith.constant 2048 : i32
        %add3A_312 = arith.addi %add3A_311, %mul3A_310 : i32
        %mul3A_313 = arith.constant 32 : i32
        %mul3A_314 = arith.muli %rem3A_270, %mul3A_313 : i32
        %add3A_315 = arith.addi %add3A_312, %mul3A_314 : i32
        %dma_wait3A_316 = arith.constant 64 : i32
        %dma_wait3A_317 = tpu.memref_slice %arg5[%rem3A_243, %dma_wait3A_316] : memref<6x128xi32, #tpu.memory_space<vmem>> -> memref<1x32xi32, #tpu.memory_space<vmem>>
        %dma_wait3A_318 = tpu.memref_squeeze %dma_wait3A_317 : memref<1x32xi32, #tpu.memory_space<vmem>> -> memref<32xi32, #tpu.memory_space<vmem>>
        %dma_wait3A_319 = tpu.memref_slice %arg3[%add3A_268, %add3A_315] : memref<200x4096xi32, #tpu.memory_space<hbm>> -> memref<1x32xi32, #tpu.memory_space<hbm>>
        %dma_wait3A_320 = tpu.memref_squeeze %dma_wait3A_319 : memref<1x32xi32, #tpu.memory_space<hbm>> -> memref<32xi32, #tpu.memory_space<hbm>>
        %dma_wait3A_321 = tpu.memref_slice %arg7[%rem3A_243] : memref<6x!tpu.dma_semaphore, #tpu.memory_space<semaphore_mem>> -> memref<1x!tpu.dma_semaphore, #tpu.memory_space<semaphore_mem>>
        %dma_wait3A_322 = tpu.memref_squeeze %dma_wait3A_321 : memref<1x!tpu.dma_semaphore, #tpu.memory_space<semaphore_mem>> -> memref<!tpu.dma_semaphore, #tpu.memory_space<semaphore_mem>>
        %dma_wait3A_323 = arith.constant 64 : i32
        %dma_wait3A_324 = tpu.memref_slice %arg5[%rem3A_243, %dma_wait3A_323] : memref<6x128xi32, #tpu.memory_space<vmem>> -> memref<1x32xi32, #tpu.memory_space<vmem>>
        %dma_wait3A_325 = tpu.memref_squeeze %dma_wait3A_324 : memref<1x32xi32, #tpu.memory_space<vmem>> -> memref<32xi32, #tpu.memory_space<vmem>>
        %dma_wait3A_326 = tpu.memref_slice %arg3[%add3A_268, %add3A_315] : memref<200x4096xi32, #tpu.memory_space<hbm>> -> memref<1x32xi32, #tpu.memory_space<hbm>>
        %dma_wait3A_327 = tpu.memref_squeeze %dma_wait3A_326 : memref<1x32xi32, #tpu.memory_space<hbm>> -> memref<32xi32, #tpu.memory_space<hbm>>
        tpu.wait_dma2 semaphore(%dma_wait3A_322 : memref<!tpu.dma_semaphore, #tpu.memory_space<semaphore_mem>>) src(%dma_wait3A_327 : memref<32xi32, #tpu.memory_space<hbm>>) dst(%dma_wait3A_325 : memref<32xi32, #tpu.memory_space<vmem>>)
        %mul3A_328 = arith.constant 128 : i32
        %mul3A_329 = arith.muli %sub3A_19, %mul3A_328 : i32
        %add3A_330 = arith.constant 3072 : i32
        %add3A_331 = arith.addi %add3A_330, %mul3A_329 : i32
        %mul3A_332 = arith.constant 32 : i32
        %mul3A_333 = arith.muli %rem3A_270, %mul3A_332 : i32
        %add3A_334 = arith.addi %add3A_331, %mul3A_333 : i32
        %dma_wait3A_335 = arith.constant 96 : i32
        %dma_wait3A_336 = tpu.memref_slice %arg5[%rem3A_243, %dma_wait3A_335] : memref<6x128xi32, #tpu.memory_space<vmem>> -> memref<1x32xi32, #tpu.memory_space<vmem>>
        %dma_wait3A_337 = tpu.memref_squeeze %dma_wait3A_336 : memref<1x32xi32, #tpu.memory_space<vmem>> -> memref<32xi32, #tpu.memory_space<vmem>>
        %dma_wait3A_338 = tpu.memref_slice %arg3[%add3A_268, %add3A_334] : memref<200x4096xi32, #tpu.memory_space<hbm>> -> memref<1x32xi32, #tpu.memory_space<hbm>>
        %dma_wait3A_339 = tpu.memref_squeeze %dma_wait3A_338 : memref<1x32xi32, #tpu.memory_space<hbm>> -> memref<32xi32, #tpu.memory_space<hbm>>
        %dma_wait3A_340 = tpu.memref_slice %arg7[%rem3A_243] : memref<6x!tpu.dma_semaphore, #tpu.memory_space<semaphore_mem>> -> memref<1x!tpu.dma_semaphore, #tpu.memory_space<semaphore_mem>>
        %dma_wait3A_341 = tpu.memref_squeeze %dma_wait3A_340 : memref<1x!tpu.dma_semaphore, #tpu.memory_space<semaphore_mem>> -> memref<!tpu.dma_semaphore, #tpu.memory_space<semaphore_mem>>
        %dma_wait3A_342 = arith.constant 96 : i32
        %dma_wait3A_343 = tpu.memref_slice %arg5[%rem3A_243, %dma_wait3A_342] : memref<6x128xi32, #tpu.memory_space<vmem>> -> memref<1x32xi32, #tpu.memory_space<vmem>>
        %dma_wait3A_344 = tpu.memref_squeeze %dma_wait3A_343 : memref<1x32xi32, #tpu.memory_space<vmem>> -> memref<32xi32, #tpu.memory_space<vmem>>
        %dma_wait3A_345 = tpu.memref_slice %arg3[%add3A_268, %add3A_334] : memref<200x4096xi32, #tpu.memory_space<hbm>> -> memref<1x32xi32, #tpu.memory_space<hbm>>
        %dma_wait3A_346 = tpu.memref_squeeze %dma_wait3A_345 : memref<1x32xi32, #tpu.memory_space<hbm>> -> memref<32xi32, #tpu.memory_space<hbm>>
        tpu.wait_dma2 semaphore(%dma_wait3A_341 : memref<!tpu.dma_semaphore, #tpu.memory_space<semaphore_mem>>) src(%dma_wait3A_346 : memref<32xi32, #tpu.memory_space<hbm>>) dst(%dma_wait3A_344 : memref<32xi32, #tpu.memory_space<vmem>>)
        %get3A = arith.index_cast %rem3A_243 : i32 to index
        %get3A_347 = arith.constant 0 : index
        %get3A_348 = tpu.vector_load %arg5[%get3A, %get3A_347] {strides = array<i32>} : memref<6x128xi32, #tpu.memory_space<vmem>>, vector<1x16xi32>,
        %get3A_349 = vector.shape_cast %get3A_348 : vector<1x16xi32> to vector<16xi32>
        %and3A_350 = arith.constant -4096 : i32
        %and3A_351 = vector.broadcast %and3A_350 : i32 to vector<16xi32>
        %and3A_352 = arith.andi %get3A_349, %and3A_351 : vector<16xi32>
        %and3A_353 = arith.constant 1023 : i32
        %and3A_354 = vector.broadcast %and3A_353 : i32 to vector<16xi32>
        %and3A_355 = arith.andi %get3A_349, %and3A_354 : vector<16xi32>
        %shift_left3A = arith.constant 2 : i32
        %shift_left3A_356 = vector.broadcast %shift_left3A : i32 to vector<16xi32>
        %shift_left3A_357 = arith.shli %and3A_355, %shift_left3A_356 : vector<16xi32>
        %or3A = arith.ori %and3A_352, %shift_left3A_357 : vector<16xi32>
        %shift_right_arithmetic3A = arith.constant 10 : i32
        %shift_right_arithmetic3A_358 = vector.broadcast %shift_right_arithmetic3A : i32 to vector<16xi32>
        %shift_right_arithmetic3A_359 = arith.shrsi %get3A_349, %shift_right_arithmetic3A_358 : vector<16xi32>
        %and3A_360 = arith.constant 3 : i32
        %and3A_361 = vector.broadcast %and3A_360 : i32 to vector<16xi32>
        %and3A_362 = arith.andi %shift_right_arithmetic3A_359, %and3A_361 : vector<16xi32>
        %or3A_363 = arith.ori %or3A, %and3A_362 : vector<16xi32>
        %swap3A = arith.index_cast %rem3A_243 : i32 to index
        %swap3A_364 = arith.constant 0 : index
        %swap3A_365 = tpu.vector_load %arg5[%swap3A, %swap3A_364] {strides = array<i32>} : memref<6x128xi32, #tpu.memory_space<vmem>>, vector<1x16xi32>,
        %swap3A_366 = vector.shape_cast %swap3A_365 : vector<1x16xi32> to vector<16xi32>
        %swap3A_367 = vector.shape_cast %or3A_363 : vector<16xi32> to vector<1x16xi32>
        tpu.vector_store %arg5[%swap3A, %swap3A_364], %swap3A_367 {strides = array<i32>} : memref<6x128xi32, #tpu.memory_space<vmem>>, vector<1x16xi32>,
        %get3A_368 = arith.index_cast %rem3A_243 : i32 to index
        %get3A_369 = arith.constant 16 : index
        %get3A_370 = tpu.vector_load %arg5[%get3A_368, %get3A_369] {strides = array<i32>} : memref<6x128xi32, #tpu.memory_space<vmem>>, vector<1x16xi32>,
        %get3A_371 = vector.shape_cast %get3A_370 : vector<1x16xi32> to vector<16xi32>
        %and3A_372 = arith.constant -4096 : i32
        %and3A_373 = vector.broadcast %and3A_372 : i32 to vector<16xi32>
        %and3A_374 = arith.andi %get3A_371, %and3A_373 : vector<16xi32>
        %and3A_375 = arith.constant 1023 : i32
        %and3A_376 = vector.broadcast %and3A_375 : i32 to vector<16xi32>
        %and3A_377 = arith.andi %get3A_371, %and3A_376 : vector<16xi32>
        %shift_left3A_378 = arith.constant 2 : i32
        %shift_left3A_379 = vector.broadcast %shift_left3A_378 : i32 to vector<16xi32>
        %shift_left3A_380 = arith.shli %and3A_377, %shift_left3A_379 : vector<16xi32>
        %or3A_381 = arith.ori %and3A_374, %shift_left3A_380 : vector<16xi32>
        %shift_right_arithmetic3A_382 = arith.constant 10 : i32
        %shift_right_arithmetic3A_383 = vector.broadcast %shift_right_arithmetic3A_382 : i32 to vector<16xi32>
        %shift_right_arithmetic3A_384 = arith.shrsi %get3A_371, %shift_right_arithmetic3A_383 : vector<16xi32>
        %and3A_385 = arith.constant 3 : i32
        %and3A_386 = vector.broadcast %and3A_385 : i32 to vector<16xi32>
        %and3A_387 = arith.andi %shift_right_arithmetic3A_384, %and3A_386 : vector<16xi32>
        %or3A_388 = arith.ori %or3A_381, %and3A_387 : vector<16xi32>
        %swap3A_389 = arith.index_cast %rem3A_243 : i32 to index
        %swap3A_390 = arith.constant 16 : index
        %swap3A_391 = tpu.vector_load %arg5[%swap3A_389, %swap3A_390] {strides = array<i32>} : memref<6x128xi32, #tpu.memory_space<vmem>>, vector<1x16xi32>,
        %swap3A_392 = vector.shape_cast %swap3A_391 : vector<1x16xi32> to vector<16xi32>
        %swap3A_393 = vector.shape_cast %or3A_388 : vector<16xi32> to vector<1x16xi32>
        tpu.vector_store %arg5[%swap3A_389, %swap3A_390], %swap3A_393 {strides = array<i32>} : memref<6x128xi32, #tpu.memory_space<vmem>>, vector<1x16xi32>,
        %get3A_394 = arith.index_cast %rem3A_243 : i32 to index
        %get3A_395 = arith.constant 32 : index
        %get3A_396 = tpu.vector_load %arg5[%get3A_394, %get3A_395] {strides = array<i32>} : memref<6x128xi32, #tpu.memory_space<vmem>>, vector<1x16xi32>,
        %get3A_397 = vector.shape_cast %get3A_396 : vector<1x16xi32> to vector<16xi32>
        %and3A_398 = arith.constant -4096 : i32
        %and3A_399 = vector.broadcast %and3A_398 : i32 to vector<16xi32>
        %and3A_400 = arith.andi %get3A_397, %and3A_399 : vector<16xi32>
        %and3A_401 = arith.constant 1023 : i32
        %and3A_402 = vector.broadcast %and3A_401 : i32 to vector<16xi32>
        %and3A_403 = arith.andi %get3A_397, %and3A_402 : vector<16xi32>
        %shift_left3A_404 = arith.constant 2 : i32
        %shift_left3A_405 = vector.broadcast %shift_left3A_404 : i32 to vector<16xi32>
        %shift_left3A_406 = arith.shli %and3A_403, %shift_left3A_405 : vector<16xi32>
        %or3A_407 = arith.ori %and3A_400, %shift_left3A_406 : vector<16xi32>
        %shift_right_arithmetic3A_408 = arith.constant 10 : i32
        %shift_right_arithmetic3A_409 = vector.broadcast %shift_right_arithmetic3A_408 : i32 to vector<16xi32>
        %shift_right_arithmetic3A_410 = arith.shrsi %get3A_397, %shift_right_arithmetic3A_409 : vector<16xi32>
        %and3A_411 = arith.constant 3 : i32
        %and3A_412 = vector.broadcast %and3A_411 : i32 to vector<16xi32>
        %and3A_413 = arith.andi %shift_right_arithmetic3A_410, %and3A_412 : vector<16xi32>
        %or3A_414 = arith.ori %or3A_407, %and3A_413 : vector<16xi32>
        %swap3A_415 = arith.index_cast %rem3A_243 : i32 to index
        %swap3A_416 = arith.constant 32 : index
        %swap3A_417 = tpu.vector_load %arg5[%swap3A_415, %swap3A_416] {strides = array<i32>} : memref<6x128xi32, #tpu.memory_space<vmem>>, vector<1x16xi32>,
        %swap3A_418 = vector.shape_cast %swap3A_417 : vector<1x16xi32> to vector<16xi32>
        %swap3A_419 = vector.shape_cast %or3A_414 : vector<16xi32> to vector<1x16xi32>
        tpu.vector_store %arg5[%swap3A_415, %swap3A_416], %swap3A_419 {strides = array<i32>} : memref<6x128xi32, #tpu.memory_space<vmem>>, vector<1x16xi32>,
        %get3A_420 = arith.index_cast %rem3A_243 : i32 to index
        %get3A_421 = arith.constant 48 : index
        %get3A_422 = tpu.vector_load %arg5[%get3A_420, %get3A_421] {strides = array<i32>} : memref<6x128xi32, #tpu.memory_space<vmem>>, vector<1x16xi32>,
        %get3A_423 = vector.shape_cast %get3A_422 : vector<1x16xi32> to vector<16xi32>
        %and3A_424 = arith.constant -4096 : i32
        %and3A_425 = vector.broadcast %and3A_424 : i32 to vector<16xi32>
        %and3A_426 = arith.andi %get3A_423, %and3A_425 : vector<16xi32>
        %and3A_427 = arith.constant 1023 : i32
        %and3A_428 = vector.broadcast %and3A_427 : i32 to vector<16xi32>
        %and3A_429 = arith.andi %get3A_423, %and3A_428 : vector<16xi32>
        %shift_left3A_430 = arith.constant 2 : i32
        %shift_left3A_431 = vector.broadcast %shift_left3A_430 : i32 to vector<16xi32>
        %shift_left3A_432 = arith.shli %and3A_429, %shift_left3A_431 : vector<16xi32>
        %or3A_433 = arith.ori %and3A_426, %shift_left3A_432 : vector<16xi32>
        %shift_right_arithmetic3A_434 = arith.constant 10 : i32
        %shift_right_arithmetic3A_435 = vector.broadcast %shift_right_arithmetic3A_434 : i32 to vector<16xi32>
        %shift_right_arithmetic3A_436 = arith.shrsi %get3A_423, %shift_right_arithmetic3A_435 : vector<16xi32>
        %and3A_437 = arith.constant 3 : i32
        %and3A_438 = vector.broadcast %and3A_437 : i32 to vector<16xi32>
        %and3A_439 = arith.andi %shift_right_arithmetic3A_436, %and3A_438 : vector<16xi32>
        %or3A_440 = arith.ori %or3A_433, %and3A_439 : vector<16xi32>
        %swap3A_441 = arith.index_cast %rem3A_243 : i32 to index
        %swap3A_442 = arith.constant 48 : index
        %swap3A_443 = tpu.vector_load %arg5[%swap3A_441, %swap3A_442] {strides = array<i32>} : memref<6x128xi32, #tpu.memory_space<vmem>>, vector<1x16xi32>,
        %swap3A_444 = vector.shape_cast %swap3A_443 : vector<1x16xi32> to vector<16xi32>
        %swap3A_445 = vector.shape_cast %or3A_440 : vector<16xi32> to vector<1x16xi32>
        tpu.vector_store %arg5[%swap3A_441, %swap3A_442], %swap3A_445 {strides = array<i32>} : memref<6x128xi32, #tpu.memory_space<vmem>>, vector<1x16xi32>,
        %get3A_446 = arith.index_cast %rem3A_243 : i32 to index
        %get3A_447 = arith.constant 64 : index
        %get3A_448 = tpu.vector_load %arg5[%get3A_446, %get3A_447] {strides = array<i32>} : memref<6x128xi32, #tpu.memory_space<vmem>>, vector<1x16xi32>,
        %get3A_449 = vector.shape_cast %get3A_448 : vector<1x16xi32> to vector<16xi32>
        %and3A_450 = arith.constant -4096 : i32
        %and3A_451 = vector.broadcast %and3A_450 : i32 to vector<16xi32>
        %and3A_452 = arith.andi %get3A_449, %and3A_451 : vector<16xi32>
        %and3A_453 = arith.constant 1023 : i32
        %and3A_454 = vector.broadcast %and3A_453 : i32 to vector<16xi32>
        %and3A_455 = arith.andi %get3A_449, %and3A_454 : vector<16xi32>
        %shift_left3A_456 = arith.constant 2 : i32
        %shift_left3A_457 = vector.broadcast %shift_left3A_456 : i32 to vector<16xi32>
        %shift_left3A_458 = arith.shli %and3A_455, %shift_left3A_457 : vector<16xi32>
        %or3A_459 = arith.ori %and3A_452, %shift_left3A_458 : vector<16xi32>
        %shift_right_arithmetic3A_460 = arith.constant 10 : i32
        %shift_right_arithmetic3A_461 = vector.broadcast %shift_right_arithmetic3A_460 : i32 to vector<16xi32>
        %shift_right_arithmetic3A_462 = arith.shrsi %get3A_449, %shift_right_arithmetic3A_461 : vector<16xi32>
        %and3A_463 = arith.constant 3 : i32
        %and3A_464 = vector.broadcast %and3A_463 : i32 to vector<16xi32>
        %and3A_465 = arith.andi %shift_right_arithmetic3A_462, %and3A_464 : vector<16xi32>
        %or3A_466 = arith.ori %or3A_459, %and3A_465 : vector<16xi32>
        %swap3A_467 = arith.index_cast %rem3A_243 : i32 to index
        %swap3A_468 = arith.constant 64 : index
        %swap3A_469 = tpu.vector_load %arg5[%swap3A_467, %swap3A_468] {strides = array<i32>} : memref<6x128xi32, #tpu.memory_space<vmem>>, vector<1x16xi32>,
        %swap3A_470 = vector.shape_cast %swap3A_469 : vector<1x16xi32> to vector<16xi32>
        %swap3A_471 = vector.shape_cast %or3A_466 : vector<16xi32> to vector<1x16xi32>
        tpu.vector_store %arg5[%swap3A_467, %swap3A_468], %swap3A_471 {strides = array<i32>} : memref<6x128xi32, #tpu.memory_space<vmem>>, vector<1x16xi32>,
        %get3A_472 = arith.index_cast %rem3A_243 : i32 to index
        %get3A_473 = arith.constant 80 : index
        %get3A_474 = tpu.vector_load %arg5[%get3A_472, %get3A_473] {strides = array<i32>} : memref<6x128xi32, #tpu.memory_space<vmem>>, vector<1x16xi32>,
        %get3A_475 = vector.shape_cast %get3A_474 : vector<1x16xi32> to vector<16xi32>
        %and3A_476 = arith.constant -4096 : i32
        %and3A_477 = vector.broadcast %and3A_476 : i32 to vector<16xi32>
        %and3A_478 = arith.andi %get3A_475, %and3A_477 : vector<16xi32>
        %and3A_479 = arith.constant 1023 : i32
        %and3A_480 = vector.broadcast %and3A_479 : i32 to vector<16xi32>
        %and3A_481 = arith.andi %get3A_475, %and3A_480 : vector<16xi32>
        %shift_left3A_482 = arith.constant 2 : i32
        %shift_left3A_483 = vector.broadcast %shift_left3A_482 : i32 to vector<16xi32>
        %shift_left3A_484 = arith.shli %and3A_481, %shift_left3A_483 : vector<16xi32>
        %or3A_485 = arith.ori %and3A_478, %shift_left3A_484 : vector<16xi32>
        %shift_right_arithmetic3A_486 = arith.constant 10 : i32
        %shift_right_arithmetic3A_487 = vector.broadcast %shift_right_arithmetic3A_486 : i32 to vector<16xi32>
        %shift_right_arithmetic3A_488 = arith.shrsi %get3A_475, %shift_right_arithmetic3A_487 : vector<16xi32>
        %and3A_489 = arith.constant 3 : i32
        %and3A_490 = vector.broadcast %and3A_489 : i32 to vector<16xi32>
        %and3A_491 = arith.andi %shift_right_arithmetic3A_488, %and3A_490 : vector<16xi32>
        %or3A_492 = arith.ori %or3A_485, %and3A_491 : vector<16xi32>
        %swap3A_493 = arith.index_cast %rem3A_243 : i32 to index
        %swap3A_494 = arith.constant 80 : index
        %swap3A_495 = tpu.vector_load %arg5[%swap3A_493, %swap3A_494] {strides = array<i32>} : memref<6x128xi32, #tpu.memory_space<vmem>>, vector<1x16xi32>,
        %swap3A_496 = vector.shape_cast %swap3A_495 : vector<1x16xi32> to vector<16xi32>
        %swap3A_497 = vector.shape_cast %or3A_492 : vector<16xi32> to vector<1x16xi32>
        tpu.vector_store %arg5[%swap3A_493, %swap3A_494], %swap3A_497 {strides = array<i32>} : memref<6x128xi32, #tpu.memory_space<vmem>>, vector<1x16xi32>,
        %get3A_498 = arith.index_cast %rem3A_243 : i32 to index
        %get3A_499 = arith.constant 96 : index
        %get3A_500 = tpu.vector_load %arg5[%get3A_498, %get3A_499] {strides = array<i32>} : memref<6x128xi32, #tpu.memory_space<vmem>>, vector<1x16xi32>,
        %get3A_501 = vector.shape_cast %get3A_500 : vector<1x16xi32> to vector<16xi32>
        %and3A_502 = arith.constant -4096 : i32
        %and3A_503 = vector.broadcast %and3A_502 : i32 to vector<16xi32>
        %and3A_504 = arith.andi %get3A_501, %and3A_503 : vector<16xi32>
        %and3A_505 = arith.constant 1023 : i32
        %and3A_506 = vector.broadcast %and3A_505 : i32 to vector<16xi32>
        %and3A_507 = arith.andi %get3A_501, %and3A_506 : vector<16xi32>
        %shift_left3A_508 = arith.constant 2 : i32
        %shift_left3A_509 = vector.broadcast %shift_left3A_508 : i32 to vector<16xi32>
        %shift_left3A_510 = arith.shli %and3A_507, %shift_left3A_509 : vector<16xi32>
        %or3A_511 = arith.ori %and3A_504, %shift_left3A_510 : vector<16xi32>
        %shift_right_arithmetic3A_512 = arith.constant 10 : i32
        %shift_right_arithmetic3A_513 = vector.broadcast %shift_right_arithmetic3A_512 : i32 to vector<16xi32>
        %shift_right_arithmetic3A_514 = arith.shrsi %get3A_501, %shift_right_arithmetic3A_513 : vector<16xi32>
        %and3A_515 = arith.constant 3 : i32
        %and3A_516 = vector.broadcast %and3A_515 : i32 to vector<16xi32>
        %and3A_517 = arith.andi %shift_right_arithmetic3A_514, %and3A_516 : vector<16xi32>
        %or3A_518 = arith.ori %or3A_511, %and3A_517 : vector<16xi32>
        %swap3A_519 = arith.index_cast %rem3A_243 : i32 to index
        %swap3A_520 = arith.constant 96 : index
        %swap3A_521 = tpu.vector_load %arg5[%swap3A_519, %swap3A_520] {strides = array<i32>} : memref<6x128xi32, #tpu.memory_space<vmem>>, vector<1x16xi32>,
        %swap3A_522 = vector.shape_cast %swap3A_521 : vector<1x16xi32> to vector<16xi32>
        %swap3A_523 = vector.shape_cast %or3A_518 : vector<16xi32> to vector<1x16xi32>
        tpu.vector_store %arg5[%swap3A_519, %swap3A_520], %swap3A_523 {strides = array<i32>} : memref<6x128xi32, #tpu.memory_space<vmem>>, vector<1x16xi32>,
        %get3A_524 = arith.index_cast %rem3A_243 : i32 to index
        %get3A_525 = arith.constant 112 : index
        %get3A_526 = tpu.vector_load %arg5[%get3A_524, %get3A_525] {strides = array<i32>} : memref<6x128xi32, #tpu.memory_space<vmem>>, vector<1x16xi32>,
        %get3A_527 = vector.shape_cast %get3A_526 : vector<1x16xi32> to vector<16xi32>
        %and3A_528 = arith.constant -4096 : i32
        %and3A_529 = vector.broadcast %and3A_528 : i32 to vector<16xi32>
        %and3A_530 = arith.andi %get3A_527, %and3A_529 : vector<16xi32>
        %and3A_531 = arith.constant 1023 : i32
        %and3A_532 = vector.broadcast %and3A_531 : i32 to vector<16xi32>
        %and3A_533 = arith.andi %get3A_527, %and3A_532 : vector<16xi32>
        %shift_left3A_534 = arith.constant 2 : i32
        %shift_left3A_535 = vector.broadcast %shift_left3A_534 : i32 to vector<16xi32>
        %shift_left3A_536 = arith.shli %and3A_533, %shift_left3A_535 : vector<16xi32>
        %or3A_537 = arith.ori %and3A_530, %shift_left3A_536 : vector<16xi32>
        %shift_right_arithmetic3A_538 = arith.constant 10 : i32
        %shift_right_arithmetic3A_539 = vector.broadcast %shift_right_arithmetic3A_538 : i32 to vector<16xi32>
        %shift_right_arithmetic3A_540 = arith.shrsi %get3A_527, %shift_right_arithmetic3A_539 : vector<16xi32>
        %and3A_541 = arith.constant 3 : i32
        %and3A_542 = vector.broadcast %and3A_541 : i32 to vector<16xi32>
        %and3A_543 = arith.andi %shift_right_arithmetic3A_540, %and3A_542 : vector<16xi32>
        %or3A_544 = arith.ori %or3A_537, %and3A_543 : vector<16xi32>
        %swap3A_545 = arith.index_cast %rem3A_243 : i32 to index
        %swap3A_546 = arith.constant 112 : index
        %swap3A_547 = tpu.vector_load %arg5[%swap3A_545, %swap3A_546] {strides = array<i32>} : memref<6x128xi32, #tpu.memory_space<vmem>>, vector<1x16xi32>,
        %swap3A_548 = vector.shape_cast %swap3A_547 : vector<1x16xi32> to vector<16xi32>
        %swap3A_549 = vector.shape_cast %or3A_544 : vector<16xi32> to vector<1x16xi32>
        tpu.vector_store %arg5[%swap3A_545, %swap3A_546], %swap3A_549 {strides = array<i32>} : memref<6x128xi32, #tpu.memory_space<vmem>>, vector<1x16xi32>,
        %dma_start3A = arith.constant 0 : i32
        %dma_start3A_550 = arith.constant 0 : i32
        %dma_start3A_551 = tpu.memref_slice %arg6[%rem3A_243, %dma_start3A, %dma_start3A_550] : memref<6x128x32xf32, #tpu.memory_space<vmem>> -> memref<1x128x32xf32, #tpu.memory_space<vmem>>
        %dma_start3A_552 = tpu.memref_squeeze %dma_start3A_551 : memref<1x128x32xf32, #tpu.memory_space<vmem>> -> memref<128x32xf32, #tpu.memory_space<vmem>>
        %dma_start3A_553 = arith.constant 0 : i32
        %dma_start3A_554 = tpu.memref_slice %arg5[%rem3A_243, %dma_start3A_553] : memref<6x128xi32, #tpu.memory_space<vmem>> -> memref<1x128xi32, #tpu.memory_space<vmem>>
        %dma_start3A_555 = tpu.memref_squeeze %dma_start3A_554 : memref<1x128xi32, #tpu.memory_space<vmem>> -> memref<128xi32, #tpu.memory_space<vmem>>
        %dma_start3A_556 = arith.constant 0 : i32
        %dma_start3A_557 = arith.constant 0 : i32
        %dma_start3A_558 = tpu.memref_slice %arg2[%dma_start3A_556, %dma_start3A_557] : memref<1003520x32xf32, #tpu.memory_space<hbm>> -> memref<1003520x32xf32, #tpu.memory_space<hbm>>
        %dma_start3A_559 = tpu.memref_slice %arg7[%rem3A_243] : memref<6x!tpu.dma_semaphore, #tpu.memory_space<semaphore_mem>> -> memref<1x!tpu.dma_semaphore, #tpu.memory_space<semaphore_mem>>
        %dma_start3A_560 = tpu.memref_squeeze %dma_start3A_559 : memref<1x!tpu.dma_semaphore, #tpu.memory_space<semaphore_mem>> -> memref<!tpu.dma_semaphore, #tpu.memory_space<semaphore_mem>>
        tpu.enqueue_indirect_dma source(%dma_start3A_558 : memref<1003520x32xf32, #tpu.memory_space<hbm>>) target(%dma_start3A_552 : memref<128x32xf32, #tpu.memory_space<vmem>>) offsets(%dma_start3A_555 : memref<128xi32, #tpu.memory_space<vmem>>) semaphore(%dma_start3A_560 : memref<!tpu.dma_semaphore, #tpu.memory_space<semaphore_mem>>)
      } else {
      }
      %ge3A_236 = arith.constant 0 : i32
      %ge3A_237 = arith.cmpi sge, %sub3A_226, %ge3A_236 : i32
      %convert_element_type3A_238 = arith.extui %ge3A_237 : i1 to i32
      %cond3A_239 = arith.constant 0 : i32
      %cond3A_240 = arith.cmpi ne, %convert_element_type3A_238, %cond3A_239 : i32
      scf.if %cond3A_240 {
        %rem3A_242 = arith.constant 6 : i32
        %rem3A_243 = arith.remsi %sub3A_226, %rem3A_242 : i32
        %dma_wait3A_244 = arith.constant 0 : i32
        %dma_wait3A_245 = arith.constant 0 : i32
        %dma_wait3A_246 = tpu.memref_slice %arg6[%rem3A_243, %dma_wait3A_244, %dma_wait3A_245] : memref<6x128x32xf32, #tpu.memory_space<vmem>> -> memref<1x128x32xf32, #tpu.memory_space<vmem>>
        %dma_wait3A_247 = tpu.memref_squeeze %dma_wait3A_246 : memref<1x128x32xf32, #tpu.memory_space<vmem>> -> memref<128x32xf32, #tpu.memory_space<vmem>>
        %dma_wait3A_248 = arith.constant 0 : i32
        %dma_wait3A_249 = tpu.memref_slice %arg5[%rem3A_243, %dma_wait3A_248] : memref<6x128xi32, #tpu.memory_space<vmem>> -> memref<1x128xi32, #tpu.memory_space<vmem>>
        %dma_wait3A_250 = tpu.memref_squeeze %dma_wait3A_249 : memref<1x128xi32, #tpu.memory_space<vmem>> -> memref<128xi32, #tpu.memory_space<vmem>>
        %dma_wait3A_251 = arith.constant 0 : i32
        %dma_wait3A_252 = arith.constant 0 : i32
        %dma_wait3A_253 = tpu.memref_slice %arg2[%dma_wait3A_251, %dma_wait3A_252] : memref<1003520x32xf32, #tpu.memory_space<hbm>> -> memref<1003520x32xf32, #tpu.memory_space<hbm>>
        %dma_wait3A_254 = tpu.memref_slice %arg7[%rem3A_243] : memref<6x!tpu.dma_semaphore, #tpu.memory_space<semaphore_mem>> -> memref<1x!tpu.dma_semaphore, #tpu.memory_space<semaphore_mem>>
        %dma_wait3A_255 = tpu.memref_squeeze %dma_wait3A_254 : memref<1x!tpu.dma_semaphore, #tpu.memory_space<semaphore_mem>> -> memref<!tpu.dma_semaphore, #tpu.memory_space<semaphore_mem>>
        tpu.wait_indirect_dma semaphore(%dma_wait3A_255 : memref<!tpu.dma_semaphore, #tpu.memory_space<semaphore_mem>>) src(%dma_wait3A_253 : memref<1003520x32xf32, #tpu.memory_space<hbm>>) dst(%dma_wait3A_247 : memref<128x32xf32, #tpu.memory_space<vmem>>)
        %jit3A_256 = arith.constant 4 : i32
        %div3A_257 = arith.divsi %sub3A_226, %jit3A_256 : i32
        %sign3A_258 = arith.constant 0 : i32
        %sign3A_259 = arith.cmpi sgt, %sub3A_226, %sign3A_258 : i32
        %sign3A_260 = arith.extui %sign3A_259 : i1 to i32
        %sign3A_261 = arith.constant 0 : i32
        %sign3A_262 = arith.cmpi slt, %sub3A_226, %sign3A_261 : i32
        %sign3A_263 = arith.extui %sign3A_262 : i1 to i32
        %sign3A_264 = arith.subi %sign3A_260, %sign3A_263 : i32
        %sign3A_265 = arith.constant 0 : i32
        %sign3A_266 = arith.cmpi sgt, %jit3A_256, %sign3A_265 : i32
        %sign3A_267 = arith.extui %sign3A_266 : i1 to i32
        %sign3A_268 = arith.constant 0 : i32
        %sign3A_269 = arith.cmpi slt, %jit3A_256, %sign3A_268 : i32
        %sign3A_270 = arith.extui %sign3A_269 : i1 to i32
        %sign3A_271 = arith.subi %sign3A_267, %sign3A_270 : i32
        %ne3A_272 = arith.cmpi ne, %sign3A_264, %sign3A_271 : i32
        %rem3A_273 = arith.remsi %sub3A_226, %jit3A_256 : i32
        %ne3A_274 = arith.constant 0 : i32
        %ne3A_275 = arith.cmpi ne, %rem3A_273, %ne3A_274 : i32
        %and3A_276 = arith.andi %ne3A_272, %ne3A_275 : i1
        %sub3A_277 = arith.constant 1 : i32
        %sub3A_278 = arith.subi %div3A_257, %sub3A_277 : i32
        %select_n3A_279 = arith.select %and3A_276, %sub3A_278, %div3A_257 : i32
        %add3A_280 = arith.addi %add3A_23, %select_n3A_279 : i32
        %rem3A_281 = arith.constant 4 : i32
        %rem3A_282 = arith.remsi %sub3A_226, %rem3A_281 : i32
        %sub3A_283 = arith.constant 100 : i32
        %sub3A_284 = arith.subi %add3A_280, %sub3A_283 : i32
        %mul3A_285 = arith.constant 4096 : i32
        %mul3A_286 = arith.muli %sub3A_284, %mul3A_285 : i32
        %mul3A_287 = arith.constant 512 : i32
        %mul3A_288 = arith.muli %sub3A_19, %mul3A_287 : i32
        %add3A_289 = arith.addi %mul3A_286, %mul3A_288 : i32
        %mul3A_290 = arith.constant 128 : i32
        %mul3A_291 = arith.muli %rem3A_282, %mul3A_290 : i32
        %add3A_292 = arith.addi %add3A_289, %mul3A_291 : i32
        %dma_start3A = arith.constant 0 : i32
        %dma_start3A_293 = arith.constant 0 : i32
        %dma_start3A_294 = tpu.memref_slice %arg6[%rem3A_243, %dma_start3A, %dma_start3A_293] : memref<6x128x32xf32, #tpu.memory_space<vmem>> -> memref<1x128x32xf32, #tpu.memory_space<vmem>>
        %dma_start3A_295 = tpu.memref_squeeze %dma_start3A_294 : memref<1x128x32xf32, #tpu.memory_space<vmem>> -> memref<128x32xf32, #tpu.memory_space<vmem>>
        %dma_start3A_296 = arith.constant 0 : i32
        %dma_start3A_297 = tpu.memref_slice %arg4[%add3A_292, %dma_start3A_296] : memref<409600x32xf32, #tpu.memory_space<hbm>> -> memref<128x32xf32, #tpu.memory_space<hbm>>
        %dma_start3A_298 = tpu.memref_slice %arg7[%rem3A_243] : memref<6x!tpu.dma_semaphore, #tpu.memory_space<semaphore_mem>> -> memref<1x!tpu.dma_semaphore, #tpu.memory_space<semaphore_mem>>
        %dma_start3A_299 = tpu.memref_squeeze %dma_start3A_298 : memref<1x!tpu.dma_semaphore, #tpu.memory_space<semaphore_mem>> -> memref<!tpu.dma_semaphore, #tpu.memory_space<semaphore_mem>>
        %dma_start3A_300 = arith.constant 0 : i32
        %dma_start3A_301 = tpu.memref_slice %arg4[%add3A_292, %dma_start3A_300] : memref<409600x32xf32, #tpu.memory_space<hbm>> -> memref<128x32xf32, #tpu.memory_space<hbm>>
        %dma_start3A_302 = arith.constant 0 : i32
        %dma_start3A_303 = arith.constant 0 : i32
        %dma_start3A_304 = tpu.memref_slice %arg6[%rem3A_243, %dma_start3A_302, %dma_start3A_303] : memref<6x128x32xf32, #tpu.memory_space<vmem>> -> memref<1x128x32xf32, #tpu.memory_space<vmem>>
        %dma_start3A_305 = tpu.memref_squeeze %dma_start3A_304 : memref<1x128x32xf32, #tpu.memory_space<vmem>> -> memref<128x32xf32, #tpu.memory_space<vmem>>
        tpu.enqueue_dma source(%dma_start3A_305 : memref<128x32xf32, #tpu.memory_space<vmem>>) target(%dma_start3A_301 : memref<128x32xf32, #tpu.memory_space<hbm>>) target_semaphore(%dma_start3A_299 : memref<!tpu.dma_semaphore, #tpu.memory_space<semaphore_mem>>)
      } else {
      }
      %scan3A_241 = arith.constant 0 : i32
      scf.yield %scan3A_241 : i32
    }
    %scan3A_29 = arith.constant 104 : i32
    %rem3A_30 = arith.constant 94 : i32
    %rem3A_31 = arith.constant 6 : i32
    %rem3A_32 = arith.remsi %rem3A_30, %rem3A_31 : i32
    %add3A_33 = arith.constant 23 : i32
    %add3A_34 = arith.addi %add3A_23, %add3A_33 : i32
    %rem3A_35 = arith.constant 94 : i32
    %rem3A_36 = arith.constant 4 : i32
    %rem3A_37 = arith.remsi %rem3A_35, %rem3A_36 : i32
    %sub3A_38 = arith.constant 100 : i32
    %sub3A_39 = arith.subi %add3A_34, %sub3A_38 : i32
    %mul3A_40 = arith.constant 4096 : i32
    %mul3A_41 = arith.muli %sub3A_39, %mul3A_40 : i32
    %mul3A_42 = arith.constant 512 : i32
    %mul3A_43 = arith.muli %sub3A_19, %mul3A_42 : i32
    %add3A_44 = arith.addi %mul3A_41, %mul3A_43 : i32
    %mul3A_45 = arith.constant 128 : i32
    %mul3A_46 = arith.muli %rem3A_37, %mul3A_45 : i32
    %add3A_47 = arith.addi %add3A_44, %mul3A_46 : i32
    %dma_wait3A = arith.constant 0 : i32
    %dma_wait3A_48 = arith.constant 0 : i32
    %dma_wait3A_49 = tpu.memref_slice %arg6[%rem3A_32, %dma_wait3A, %dma_wait3A_48] : memref<6x128x32xf32, #tpu.memory_space<vmem>> -> memref<1x128x32xf32, #tpu.memory_space<vmem>>
    %dma_wait3A_50 = tpu.memref_squeeze %dma_wait3A_49 : memref<1x128x32xf32, #tpu.memory_space<vmem>> -> memref<128x32xf32, #tpu.memory_space<vmem>>
    %dma_wait3A_51 = arith.constant 0 : i32
    %dma_wait3A_52 = tpu.memref_slice %arg4[%add3A_47, %dma_wait3A_51] : memref<409600x32xf32, #tpu.memory_space<hbm>> -> memref<128x32xf32, #tpu.memory_space<hbm>>
    %dma_wait3A_53 = tpu.memref_slice %arg7[%rem3A_32] : memref<6x!tpu.dma_semaphore, #tpu.memory_space<semaphore_mem>> -> memref<1x!tpu.dma_semaphore, #tpu.memory_space<semaphore_mem>>
    %dma_wait3A_54 = tpu.memref_squeeze %dma_wait3A_53 : memref<1x!tpu.dma_semaphore, #tpu.memory_space<semaphore_mem>> -> memref<!tpu.dma_semaphore, #tpu.memory_space<semaphore_mem>>
    %dma_wait3A_55 = arith.constant 0 : i32
    %dma_wait3A_56 = tpu.memref_slice %arg4[%add3A_47, %dma_wait3A_55] : memref<409600x32xf32, #tpu.memory_space<hbm>> -> memref<128x32xf32, #tpu.memory_space<hbm>>
    %dma_wait3A_57 = arith.constant 0 : i32
    %dma_wait3A_58 = arith.constant 0 : i32
    %dma_wait3A_59 = tpu.memref_slice %arg6[%rem3A_32, %dma_wait3A_57, %dma_wait3A_58] : memref<6x128x32xf32, #tpu.memory_space<vmem>> -> memref<1x128x32xf32, #tpu.memory_space<vmem>>
    %dma_wait3A_60 = tpu.memref_squeeze %dma_wait3A_59 : memref<1x128x32xf32, #tpu.memory_space<vmem>> -> memref<128x32xf32, #tpu.memory_space<vmem>>
    tpu.wait_dma2 semaphore(%dma_wait3A_54 : memref<!tpu.dma_semaphore, #tpu.memory_space<semaphore_mem>>) src(%dma_wait3A_60 : memref<128x32xf32, #tpu.memory_space<vmem>>) dst(%dma_wait3A_56 : memref<128x32xf32, #tpu.memory_space<hbm>>)
    %rem3A_61 = arith.constant 95 : i32
    %rem3A_62 = arith.constant 6 : i32
    %rem3A_63 = arith.remsi %rem3A_61, %rem3A_62 : i32
    %add3A_64 = arith.constant 23 : i32
    %add3A_65 = arith.addi %add3A_23, %add3A_64 : i32
    %rem3A_66 = arith.constant 95 : i32
    %rem3A_67 = arith.constant 4 : i32
    %rem3A_68 = arith.remsi %rem3A_66, %rem3A_67 : i32
    %sub3A_69 = arith.constant 100 : i32
    %sub3A_70 = arith.subi %add3A_65, %sub3A_69 : i32
    %mul3A_71 = arith.constant 4096 : i32
    %mul3A_72 = arith.muli %sub3A_70, %mul3A_71 : i32
    %mul3A_73 = arith.constant 512 : i32
    %mul3A_74 = arith.muli %sub3A_19, %mul3A_73 : i32
    %add3A_75 = arith.addi %mul3A_72, %mul3A_74 : i32
    %mul3A_76 = arith.constant 128 : i32
    %mul3A_77 = arith.muli %rem3A_68, %mul3A_76 : i32
    %add3A_78 = arith.addi %add3A_75, %mul3A_77 : i32
    %dma_wait3A_79 = arith.constant 0 : i32
    %dma_wait3A_80 = arith.constant 0 : i32
    %dma_wait3A_81 = tpu.memref_slice %arg6[%rem3A_63, %dma_wait3A_79, %dma_wait3A_80] : memref<6x128x32xf32, #tpu.memory_space<vmem>> -> memref<1x128x32xf32, #tpu.memory_space<vmem>>
    %dma_wait3A_82 = tpu.memref_squeeze %dma_wait3A_81 : memref<1x128x32xf32, #tpu.memory_space<vmem>> -> memref<128x32xf32, #tpu.memory_space<vmem>>
    %dma_wait3A_83 = arith.constant 0 : i32
    %dma_wait3A_84 = tpu.memref_slice %arg4[%add3A_78, %dma_wait3A_83] : memref<409600x32xf32, #tpu.memory_space<hbm>> -> memref<128x32xf32, #tpu.memory_space<hbm>>
    %dma_wait3A_85 = tpu.memref_slice %arg7[%rem3A_63] : memref<6x!tpu.dma_semaphore, #tpu.memory_space<semaphore_mem>> -> memref<1x!tpu.dma_semaphore, #tpu.memory_space<semaphore_mem>>
    %dma_wait3A_86 = tpu.memref_squeeze %dma_wait3A_85 : memref<1x!tpu.dma_semaphore, #tpu.memory_space<semaphore_mem>> -> memref<!tpu.dma_semaphore, #tpu.memory_space<semaphore_mem>>
    %dma_wait3A_87 = arith.constant 0 : i32
    %dma_wait3A_88 = tpu.memref_slice %arg4[%add3A_78, %dma_wait3A_87] : memref<409600x32xf32, #tpu.memory_space<hbm>> -> memref<128x32xf32, #tpu.memory_space<hbm>>
    %dma_wait3A_89 = arith.constant 0 : i32
    %dma_wait3A_90 = arith.constant 0 : i32
    %dma_wait3A_91 = tpu.memref_slice %arg6[%rem3A_63, %dma_wait3A_89, %dma_wait3A_90] : memref<6x128x32xf32, #tpu.memory_space<vmem>> -> memref<1x128x32xf32, #tpu.memory_space<vmem>>
    %dma_wait3A_92 = tpu.memref_squeeze %dma_wait3A_91 : memref<1x128x32xf32, #tpu.memory_space<vmem>> -> memref<128x32xf32, #tpu.memory_space<vmem>>
    tpu.wait_dma2 semaphore(%dma_wait3A_86 : memref<!tpu.dma_semaphore, #tpu.memory_space<semaphore_mem>>) src(%dma_wait3A_92 : memref<128x32xf32, #tpu.memory_space<vmem>>) dst(%dma_wait3A_88 : memref<128x32xf32, #tpu.memory_space<hbm>>)
    %rem3A_93 = arith.constant 96 : i32
    %rem3A_94 = arith.constant 6 : i32
    %rem3A_95 = arith.remsi %rem3A_93, %rem3A_94 : i32
    %add3A_96 = arith.constant 24 : i32
    %add3A_97 = arith.addi %add3A_23, %add3A_96 : i32
    %rem3A_98 = arith.constant 96 : i32
    %rem3A_99 = arith.constant 4 : i32
    %rem3A_100 = arith.remsi %rem3A_98, %rem3A_99 : i32
    %sub3A_101 = arith.constant 100 : i32
    %sub3A_102 = arith.subi %add3A_97, %sub3A_101 : i32
    %mul3A_103 = arith.constant 4096 : i32
    %mul3A_104 = arith.muli %sub3A_102, %mul3A_103 : i32
    %mul3A_105 = arith.constant 512 : i32
    %mul3A_106 = arith.muli %sub3A_19, %mul3A_105 : i32
    %add3A_107 = arith.addi %mul3A_104, %mul3A_106 : i32
    %mul3A_108 = arith.constant 128 : i32
    %mul3A_109 = arith.muli %rem3A_100, %mul3A_108 : i32
    %add3A_110 = arith.addi %add3A_107, %mul3A_109 : i32
    %dma_wait3A_111 = arith.constant 0 : i32
    %dma_wait3A_112 = arith.constant 0 : i32
    %dma_wait3A_113 = tpu.memref_slice %arg6[%rem3A_95, %dma_wait3A_111, %dma_wait3A_112] : memref<6x128x32xf32, #tpu.memory_space<vmem>> -> memref<1x128x32xf32, #tpu.memory_space<vmem>>
    %dma_wait3A_114 = tpu.memref_squeeze %dma_wait3A_113 : memref<1x128x32xf32, #tpu.memory_space<vmem>> -> memref<128x32xf32, #tpu.memory_space<vmem>>
    %dma_wait3A_115 = arith.constant 0 : i32
    %dma_wait3A_116 = tpu.memref_slice %arg4[%add3A_110, %dma_wait3A_115] : memref<409600x32xf32, #tpu.memory_space<hbm>> -> memref<128x32xf32, #tpu.memory_space<hbm>>
    %dma_wait3A_117 = tpu.memref_slice %arg7[%rem3A_95] : memref<6x!tpu.dma_semaphore, #tpu.memory_space<semaphore_mem>> -> memref<1x!tpu.dma_semaphore, #tpu.memory_space<semaphore_mem>>
    %dma_wait3A_118 = tpu.memref_squeeze %dma_wait3A_117 : memref<1x!tpu.dma_semaphore, #tpu.memory_space<semaphore_mem>> -> memref<!tpu.dma_semaphore, #tpu.memory_space<semaphore_mem>>
    %dma_wait3A_119 = arith.constant 0 : i32
    %dma_wait3A_120 = tpu.memref_slice %arg4[%add3A_110, %dma_wait3A_119] : memref<409600x32xf32, #tpu.memory_space<hbm>> -> memref<128x32xf32, #tpu.memory_space<hbm>>
    %dma_wait3A_121 = arith.constant 0 : i32
    %dma_wait3A_122 = arith.constant 0 : i32
    %dma_wait3A_123 = tpu.memref_slice %arg6[%rem3A_95, %dma_wait3A_121, %dma_wait3A_122] : memref<6x128x32xf32, #tpu.memory_space<vmem>> -> memref<1x128x32xf32, #tpu.memory_space<vmem>>
    %dma_wait3A_124 = tpu.memref_squeeze %dma_wait3A_123 : memref<1x128x32xf32, #tpu.memory_space<vmem>> -> memref<128x32xf32, #tpu.memory_space<vmem>>
    tpu.wait_dma2 semaphore(%dma_wait3A_118 : memref<!tpu.dma_semaphore, #tpu.memory_space<semaphore_mem>>) src(%dma_wait3A_124 : memref<128x32xf32, #tpu.memory_space<vmem>>) dst(%dma_wait3A_120 : memref<128x32xf32, #tpu.memory_space<hbm>>)
    %rem3A_125 = arith.constant 97 : i32
    %rem3A_126 = arith.constant 6 : i32
    %rem3A_127 = arith.remsi %rem3A_125, %rem3A_126 : i32
    %add3A_128 = arith.constant 24 : i32
    %add3A_129 = arith.addi %add3A_23, %add3A_128 : i32
    %rem3A_130 = arith.constant 97 : i32
    %rem3A_131 = arith.constant 4 : i32
    %rem3A_132 = arith.remsi %rem3A_130, %rem3A_131 : i32
    %sub3A_133 = arith.constant 100 : i32
    %sub3A_134 = arith.subi %add3A_129, %sub3A_133 : i32
    %mul3A_135 = arith.constant 4096 : i32
    %mul3A_136 = arith.muli %sub3A_134, %mul3A_135 : i32
    %mul3A_137 = arith.constant 512 : i32
    %mul3A_138 = arith.muli %sub3A_19, %mul3A_137 : i32
    %add3A_139 = arith.addi %mul3A_136, %mul3A_138 : i32
    %mul3A_140 = arith.constant 128 : i32
    %mul3A_141 = arith.muli %rem3A_132, %mul3A_140 : i32
    %add3A_142 = arith.addi %add3A_139, %mul3A_141 : i32
    %dma_wait3A_143 = arith.constant 0 : i32
    %dma_wait3A_144 = arith.constant 0 : i32
    %dma_wait3A_145 = tpu.memref_slice %arg6[%rem3A_127, %dma_wait3A_143, %dma_wait3A_144] : memref<6x128x32xf32, #tpu.memory_space<vmem>> -> memref<1x128x32xf32, #tpu.memory_space<vmem>>
    %dma_wait3A_146 = tpu.memref_squeeze %dma_wait3A_145 : memref<1x128x32xf32, #tpu.memory_space<vmem>> -> memref<128x32xf32, #tpu.memory_space<vmem>>
    %dma_wait3A_147 = arith.constant 0 : i32
    %dma_wait3A_148 = tpu.memref_slice %arg4[%add3A_142, %dma_wait3A_147] : memref<409600x32xf32, #tpu.memory_space<hbm>> -> memref<128x32xf32, #tpu.memory_space<hbm>>
    %dma_wait3A_149 = tpu.memref_slice %arg7[%rem3A_127] : memref<6x!tpu.dma_semaphore, #tpu.memory_space<semaphore_mem>> -> memref<1x!tpu.dma_semaphore, #tpu.memory_space<semaphore_mem>>
    %dma_wait3A_150 = tpu.memref_squeeze %dma_wait3A_149 : memref<1x!tpu.dma_semaphore, #tpu.memory_space<semaphore_mem>> -> memref<!tpu.dma_semaphore, #tpu.memory_space<semaphore_mem>>
    %dma_wait3A_151 = arith.constant 0 : i32
    %dma_wait3A_152 = tpu.memref_slice %arg4[%add3A_142, %dma_wait3A_151] : memref<409600x32xf32, #tpu.memory_space<hbm>> -> memref<128x32xf32, #tpu.memory_space<hbm>>
    %dma_wait3A_153 = arith.constant 0 : i32
    %dma_wait3A_154 = arith.constant 0 : i32
    %dma_wait3A_155 = tpu.memref_slice %arg6[%rem3A_127, %dma_wait3A_153, %dma_wait3A_154] : memref<6x128x32xf32, #tpu.memory_space<vmem>> -> memref<1x128x32xf32, #tpu.memory_space<vmem>>
    %dma_wait3A_156 = tpu.memref_squeeze %dma_wait3A_155 : memref<1x128x32xf32, #tpu.memory_space<vmem>> -> memref<128x32xf32, #tpu.memory_space<vmem>>
    tpu.wait_dma2 semaphore(%dma_wait3A_150 : memref<!tpu.dma_semaphore, #tpu.memory_space<semaphore_mem>>) src(%dma_wait3A_156 : memref<128x32xf32, #tpu.memory_space<vmem>>) dst(%dma_wait3A_152 : memref<128x32xf32, #tpu.memory_space<hbm>>)
    %rem3A_157 = arith.constant 98 : i32
    %rem3A_158 = arith.constant 6 : i32
    %rem3A_159 = arith.remsi %rem3A_157, %rem3A_158 : i32
    %add3A_160 = arith.constant 24 : i32
    %add3A_161 = arith.addi %add3A_23, %add3A_160 : i32
    %rem3A_162 = arith.constant 98 : i32
    %rem3A_163 = arith.constant 4 : i32
    %rem3A_164 = arith.remsi %rem3A_162, %rem3A_163 : i32
    %sub3A_165 = arith.constant 100 : i32
    %sub3A_166 = arith.subi %add3A_161, %sub3A_165 : i32
    %mul3A_167 = arith.constant 4096 : i32
    %mul3A_168 = arith.muli %sub3A_166, %mul3A_167 : i32
    %mul3A_169 = arith.constant 512 : i32
    %mul3A_170 = arith.muli %sub3A_19, %mul3A_169 : i32
    %add3A_171 = arith.addi %mul3A_168, %mul3A_170 : i32
    %mul3A_172 = arith.constant 128 : i32
    %mul3A_173 = arith.muli %rem3A_164, %mul3A_172 : i32
    %add3A_174 = arith.addi %add3A_171, %mul3A_173 : i32
    %dma_wait3A_175 = arith.constant 0 : i32
    %dma_wait3A_176 = arith.constant 0 : i32
    %dma_wait3A_177 = tpu.memref_slice %arg6[%rem3A_159, %dma_wait3A_175, %dma_wait3A_176] : memref<6x128x32xf32, #tpu.memory_space<vmem>> -> memref<1x128x32xf32, #tpu.memory_space<vmem>>
    %dma_wait3A_178 = tpu.memref_squeeze %dma_wait3A_177 : memref<1x128x32xf32, #tpu.memory_space<vmem>> -> memref<128x32xf32, #tpu.memory_space<vmem>>
    %dma_wait3A_179 = arith.constant 0 : i32
    %dma_wait3A_180 = tpu.memref_slice %arg4[%add3A_174, %dma_wait3A_179] : memref<409600x32xf32, #tpu.memory_space<hbm>> -> memref<128x32xf32, #tpu.memory_space<hbm>>
    %dma_wait3A_181 = tpu.memref_slice %arg7[%rem3A_159] : memref<6x!tpu.dma_semaphore, #tpu.memory_space<semaphore_mem>> -> memref<1x!tpu.dma_semaphore, #tpu.memory_space<semaphore_mem>>
    %dma_wait3A_182 = tpu.memref_squeeze %dma_wait3A_181 : memref<1x!tpu.dma_semaphore, #tpu.memory_space<semaphore_mem>> -> memref<!tpu.dma_semaphore, #tpu.memory_space<semaphore_mem>>
    %dma_wait3A_183 = arith.constant 0 : i32
    %dma_wait3A_184 = tpu.memref_slice %arg4[%add3A_174, %dma_wait3A_183] : memref<409600x32xf32, #tpu.memory_space<hbm>> -> memref<128x32xf32, #tpu.memory_space<hbm>>
    %dma_wait3A_185 = arith.constant 0 : i32
    %dma_wait3A_186 = arith.constant 0 : i32
    %dma_wait3A_187 = tpu.memref_slice %arg6[%rem3A_159, %dma_wait3A_185, %dma_wait3A_186] : memref<6x128x32xf32, #tpu.memory_space<vmem>> -> memref<1x128x32xf32, #tpu.memory_space<vmem>>
    %dma_wait3A_188 = tpu.memref_squeeze %dma_wait3A_187 : memref<1x128x32xf32, #tpu.memory_space<vmem>> -> memref<128x32xf32, #tpu.memory_space<vmem>>
    tpu.wait_dma2 semaphore(%dma_wait3A_182 : memref<!tpu.dma_semaphore, #tpu.memory_space<semaphore_mem>>) src(%dma_wait3A_188 : memref<128x32xf32, #tpu.memory_space<vmem>>) dst(%dma_wait3A_184 : memref<128x32xf32, #tpu.memory_space<hbm>>)
    %rem3A_189 = arith.constant 99 : i32
    %rem3A_190 = arith.constant 6 : i32
    %rem3A_191 = arith.remsi %rem3A_189, %rem3A_190 : i32
    %add3A_192 = arith.constant 24 : i32
    %add3A_193 = arith.addi %add3A_23, %add3A_192 : i32
    %rem3A_194 = arith.constant 99 : i32
    %rem3A_195 = arith.constant 4 : i32
    %rem3A_196 = arith.remsi %rem3A_194, %rem3A_195 : i32
    %sub3A_197 = arith.constant 100 : i32
    %sub3A_198 = arith.subi %add3A_193, %sub3A_197 : i32
    %mul3A_199 = arith.constant 4096 : i32
    %mul3A_200 = arith.muli %sub3A_198, %mul3A_199 : i32
    %mul3A_201 = arith.constant 512 : i32
    %mul3A_202 = arith.muli %sub3A_19, %mul3A_201 : i32
    %add3A_203 = arith.addi %mul3A_200, %mul3A_202 : i32
    %mul3A_204 = arith.constant 128 : i32
    %mul3A_205 = arith.muli %rem3A_196, %mul3A_204 : i32
    %add3A_206 = arith.addi %add3A_203, %mul3A_205 : i32
    %dma_wait3A_207 = arith.constant 0 : i32
    %dma_wait3A_208 = arith.constant 0 : i32
    %dma_wait3A_209 = tpu.memref_slice %arg6[%rem3A_191, %dma_wait3A_207, %dma_wait3A_208] : memref<6x128x32xf32, #tpu.memory_space<vmem>> -> memref<1x128x32xf32, #tpu.memory_space<vmem>>
    %dma_wait3A_210 = tpu.memref_squeeze %dma_wait3A_209 : memref<1x128x32xf32, #tpu.memory_space<vmem>> -> memref<128x32xf32, #tpu.memory_space<vmem>>
    %dma_wait3A_211 = arith.constant 0 : i32
    %dma_wait3A_212 = tpu.memref_slice %arg4[%add3A_206, %dma_wait3A_211] : memref<409600x32xf32, #tpu.memory_space<hbm>> -> memref<128x32xf32, #tpu.memory_space<hbm>>
    %dma_wait3A_213 = tpu.memref_slice %arg7[%rem3A_191] : memref<6x!tpu.dma_semaphore, #tpu.memory_space<semaphore_mem>> -> memref<1x!tpu.dma_semaphore, #tpu.memory_space<semaphore_mem>>
    %dma_wait3A_214 = tpu.memref_squeeze %dma_wait3A_213 : memref<1x!tpu.dma_semaphore, #tpu.memory_space<semaphore_mem>> -> memref<!tpu.dma_semaphore, #tpu.memory_space<semaphore_mem>>
    %dma_wait3A_215 = arith.constant 0 : i32
    %dma_wait3A_216 = tpu.memref_slice %arg4[%add3A_206, %dma_wait3A_215] : memref<409600x32xf32, #tpu.memory_space<hbm>> -> memref<128x32xf32, #tpu.memory_space<hbm>>
    %dma_wait3A_217 = arith.constant 0 : i32
    %dma_wait3A_218 = arith.constant 0 : i32
    %dma_wait3A_219 = tpu.memref_slice %arg6[%rem3A_191, %dma_wait3A_217, %dma_wait3A_218] : memref<6x128x32xf32, #tpu.memory_space<vmem>> -> memref<1x128x32xf32, #tpu.memory_space<vmem>>
    %dma_wait3A_220 = tpu.memref_squeeze %dma_wait3A_219 : memref<1x128x32xf32, #tpu.memory_space<vmem>> -> memref<128x32xf32, #tpu.memory_space<vmem>>
    tpu.wait_dma2 semaphore(%dma_wait3A_214 : memref<!tpu.dma_semaphore, #tpu.memory_space<semaphore_mem>>) src(%dma_wait3A_220 : memref<128x32xf32, #tpu.memory_space<vmem>>) dst(%dma_wait3A_216 : memref<128x32xf32, #tpu.memory_space<hbm>>)
    return
  }
}

module attributes {stable_mosaic.version = 14 : i64} {
  func.func @_project_body(%arg0: i32, %arg1: memref<64x4096xf32, #tpu.memory_space<vmem>>, %arg2: memref<64x64xf32, #tpu.memory_space<vmem>>, %arg3: memref<64x32xf32, #tpu.memory_space<vmem>>, %arg4: memref<64x32xf32, #tpu.memory_space<vmem>>, %arg5: memref<1024x128xf32, #tpu.memory_space<vmem>>) attributes {dimension_semantics = [#tpu.dimension_semantics<arbitrary>], iteration_bounds = array<i64: 245>, scalar_prefetch = 0 : i64, scratch_operands = 0 : i64, tpu.core_type = #tpu.core_type<tc>, window_params = [{transform_indices = @transform_0, window_bounds = array<i64: 64, 4096>}, {pipeline_mode = #tpu.pipeline_mode<synchronous>, transform_indices = @transform_1, window_bounds = array<i64: 64, 64>}, {pipeline_mode = #tpu.pipeline_mode<synchronous>, transform_indices = @transform_2, window_bounds = array<i64: 64, 32>}, {pipeline_mode = #tpu.pipeline_mode<synchronous>, transform_indices = @transform_3, window_bounds = array<i64: 64, 32>}, {transform_indices = @transform_4, window_bounds = array<i64: 1024, 128>}]} {
    %get3A = arith.constant 0 : index
    %get3A_0 = arith.constant 0 : index
    %get3A_1 = vector.load %arg1[%get3A, %get3A_0] : memref<64x4096xf32, #tpu.memory_space<vmem>>, vector<64x4096xf32>
    %get3A_2 = arith.constant 0 : index
    %get3A_3 = arith.constant 0 : index
    %get3A_4 = vector.load %arg2[%get3A_2, %get3A_3] : memref<64x64xf32, #tpu.memory_space<vmem>>, vector<64x64xf32>
    %dot_general3A = arith.constant dense<0.000000e+00> : vector<4096x64xf32>
    %dot_general3A_5 = tpu.matmul %get3A_1, %get3A_4, %dot_general3A {dimension_numbers = #tpu.dot_dimension_numbers<[0], [1], [1], [0], [0, 1, 1, 0], [], []>, transpose_lhs_hint = false} : vector<64x4096xf32>, vector<64x64xf32>, vector<4096x64xf32> -> vector<4096x64xf32>
    %get3A_6 = arith.constant 0 : index
    %get3A_7 = arith.constant 0 : index
    %get3A_8 = vector.load %arg3[%get3A_6, %get3A_7] : memref<64x32xf32, #tpu.memory_space<vmem>>, vector<64x32xf32>
    %dot_general3A_9 = arith.constant dense<0.000000e+00> : vector<4096x32xf32>
    %dot_general3A_10 = tpu.matmul %dot_general3A_5, %get3A_8, %dot_general3A_9 {dimension_numbers = #tpu.dot_dimension_numbers<[1], [0], [0], [1], [0, 0, 1, 1], [], []>, transpose_lhs_hint = false} : vector<4096x64xf32>, vector<64x32xf32>, vector<4096x32xf32> -> vector<4096x32xf32>
    %get3A_11 = arith.constant 0 : index
    %get3A_12 = arith.constant 0 : index
    %get3A_13 = vector.load %arg4[%get3A_11, %get3A_12] : memref<64x32xf32, #tpu.memory_space<vmem>>, vector<64x32xf32>
    %dot_general3A_14 = arith.constant dense<0.000000e+00> : vector<4096x32xf32>
    %dot_general3A_15 = tpu.matmul %dot_general3A_5, %get3A_13, %dot_general3A_14 {dimension_numbers = #tpu.dot_dimension_numbers<[1], [0], [0], [1], [0, 0, 1, 1], [], []>, transpose_lhs_hint = false} : vector<4096x64xf32>, vector<64x32xf32>, vector<4096x32xf32> -> vector<4096x32xf32>
    %bitcast3A = tpu.bitcast %dot_general3A_10 : vector<4096x32xf32> -> vector<4096x32xi32>
    %bitcast3A_16 = tpu.bitcast %dot_general3A_15 : vector<4096x32xf32> -> vector<4096x32xi32>
    %add3A = arith.constant 32768 : i32
    %add3A_17 = vector.broadcast %add3A : i32 to vector<4096x32xi32>
    %add3A_18 = arith.addi %bitcast3A, %add3A_17 : vector<4096x32xi32>
    %and3A = arith.constant -65536 : i32
    %and3A_19 = vector.broadcast %and3A : i32 to vector<4096x32xi32>
    %and3A_20 = arith.andi %add3A_18, %and3A_19 : vector<4096x32xi32>
    %add3A_21 = arith.constant 32768 : i32
    %add3A_22 = vector.broadcast %add3A_21 : i32 to vector<4096x32xi32>
    %add3A_23 = arith.addi %bitcast3A_16, %add3A_22 : vector<4096x32xi32>
    %shift_right_logical3A = arith.constant 16 : i32
    %shift_right_logical3A_24 = vector.broadcast %shift_right_logical3A : i32 to vector<4096x32xi32>
    %shift_right_logical3A_25 = arith.shrui %add3A_23, %shift_right_logical3A_24 : vector<4096x32xi32>
    %or3A = arith.ori %and3A_20, %shift_right_logical3A_25 : vector<4096x32xi32>
    %bitcast3A_26 = tpu.bitcast %or3A : vector<4096x32xi32> -> vector<4096x32xf32>
    %slice3A = vector.extract_strided_slice %bitcast3A_26 {offsets = [0, 0], sizes = [1024, 32], strides = [1, 1]} : vector<4096x32xf32> to vector<1024x32xf32>
    %slice3A_27 = vector.extract_strided_slice %bitcast3A_26 {offsets = [1024, 0], sizes = [1024, 32], strides = [1, 1]} : vector<4096x32xf32> to vector<1024x32xf32>
    %slice3A_28 = vector.extract_strided_slice %bitcast3A_26 {offsets = [2048, 0], sizes = [1024, 32], strides = [1, 1]} : vector<4096x32xf32> to vector<1024x32xf32>
    %slice3A_29 = vector.extract_strided_slice %bitcast3A_26 {offsets = [3072, 0], sizes = [1024, 32], strides = [1, 1]} : vector<4096x32xf32> to vector<1024x32xf32>
    %concatenate3A = tpu.concatenate %slice3A, %slice3A_27, %slice3A_28, %slice3A_29 in 1 : vector<1024x32xf32>, vector<1024x32xf32>, vector<1024x32xf32>, vector<1024x32xf32> -> vector<1024x128xf32>
    %swap3A = arith.constant 0 : index
    %swap3A_30 = arith.constant 0 : index
    %swap3A_31 = vector.load %arg5[%swap3A, %swap3A_30] : memref<1024x128xf32, #tpu.memory_space<vmem>>, vector<1024x128xf32>
    tpu.vector_store %arg5[%swap3A, %swap3A_30], %concatenate3A {strides = array<i32>} : memref<1024x128xf32, #tpu.memory_space<vmem>>, vector<1024x128xf32>,
    return
  }
  func.func @transform_0(%arg0: i32) -> (i32, i32) {
    %c0_i32 = arith.constant 0 : i32
    %c0_i32_0 = arith.constant 0 : i32
    return %c0_i32, %arg0 : i32, i32
  }
  func.func @transform_1(%arg0: i32) -> (i32, i32) {
    %c0_i32 = arith.constant 0 : i32
    %c0_i32_0 = arith.constant 0 : i32
    %c0_i32_1 = arith.constant 0 : i32
    return %c0_i32, %c0_i32_0 : i32, i32
  }
  func.func @transform_2(%arg0: i32) -> (i32, i32) {
    %c0_i32 = arith.constant 0 : i32
    %c0_i32_0 = arith.constant 0 : i32
    %c0_i32_1 = arith.constant 0 : i32
    return %c0_i32, %c0_i32_0 : i32, i32
  }
  func.func @transform_3(%arg0: i32) -> (i32, i32) {
    %c0_i32 = arith.constant 0 : i32
    %c0_i32_0 = arith.constant 0 : i32
    %c0_i32_1 = arith.constant 0 : i32
    return %c0_i32, %c0_i32_0 : i32, i32
  }
  func.func @transform_4(%arg0: i32) -> (i32, i32) {
    %c0_i32 = arith.constant 0 : i32
    %c0_i32_0 = arith.constant 0 : i32
    return %arg0, %c0_i32 : i32, i32
  }
}

module attributes {stable_mosaic.version = 14 : i64} {
  func.func @_finish_body(%arg0: i32, %arg1: memref<1024x128xf32, #tpu.memory_space<vmem>>, %arg2: memref<128x128xf32, #tpu.memory_space<vmem>>, %arg3: memref<64x1xf32, #tpu.memory_space<vmem>>, %arg4: memref<1x64x4096xf32, #tpu.memory_space<vmem>>) attributes {dimension_semantics = [#tpu.dimension_semantics<arbitrary>], iteration_bounds = array<i64: 100>, scalar_prefetch = 0 : i64, scratch_operands = 0 : i64, tpu.core_type = #tpu.core_type<tc>, window_params = [{transform_indices = @transform_0, window_bounds = array<i64: 1024, 128>}, {pipeline_mode = #tpu.pipeline_mode<synchronous>, transform_indices = @transform_1, window_bounds = array<i64: 128, 128>}, {pipeline_mode = #tpu.pipeline_mode<synchronous>, transform_indices = @transform_2, window_bounds = array<i64: 64, 1>}, {transform_indices = @transform_3, window_bounds = array<i64: 1, 64, 4096>}]} {
    %get3A = arith.constant 0 : index
    %get3A_0 = arith.constant 0 : index
    %get3A_1 = vector.load %arg1[%get3A, %get3A_0] : memref<1024x128xf32, #tpu.memory_space<vmem>>, vector<1024x128xf32>
    %bitcast3A = tpu.bitcast %get3A_1 : vector<1024x128xf32> -> vector<1024x128xi32>
    %and3A = arith.constant -65536 : i32
    %and3A_2 = vector.broadcast %and3A : i32 to vector<1024x128xi32>
    %and3A_3 = arith.andi %bitcast3A, %and3A_2 : vector<1024x128xi32>
    %bitcast3A_4 = tpu.bitcast %and3A_3 : vector<1024x128xi32> -> vector<1024x128xf32>
    %shift_left3A = arith.constant 16 : i32
    %shift_left3A_5 = vector.broadcast %shift_left3A : i32 to vector<1024x128xi32>
    %shift_left3A_6 = arith.shli %bitcast3A, %shift_left3A_5 : vector<1024x128xi32>
    %bitcast3A_7 = tpu.bitcast %shift_left3A_6 : vector<1024x128xi32> -> vector<1024x128xf32>
    %get3A_8 = arith.constant 0 : index
    %get3A_9 = arith.constant 0 : index
    %get3A_10 = vector.load %arg2[%get3A_8, %get3A_9] : memref<128x128xf32, #tpu.memory_space<vmem>>, vector<128x128xf32>
    %dot_general3A = arith.constant dense<0.000000e+00> : vector<128x1024xf32>
    %dot_general3A_11 = tpu.matmul %get3A_10, %bitcast3A_4, %dot_general3A {dimension_numbers = #tpu.dot_dimension_numbers<[1], [1], [0], [0], [0, 0, 1, 0], [], []>, transpose_lhs_hint = false} : vector<128x128xf32>, vector<1024x128xf32>, vector<128x1024xf32> -> vector<128x1024xf32>
    %dot_general3A_12 = arith.constant dense<0.000000e+00> : vector<128x1024xf32>
    %dot_general3A_13 = tpu.matmul %get3A_10, %bitcast3A_7, %dot_general3A_12 {dimension_numbers = #tpu.dot_dimension_numbers<[1], [1], [0], [0], [0, 0, 1, 0], [], []>, transpose_lhs_hint = false} : vector<128x128xf32>, vector<1024x128xf32>, vector<128x1024xf32> -> vector<128x1024xf32>
    %get3A_14 = arith.constant 0 : index
    %get3A_15 = arith.constant 0 : index
    %get3A_16 = vector.load %arg3[%get3A_14, %get3A_15] : memref<64x1xf32, #tpu.memory_space<vmem>>, vector<64x1xf32>
    %slice3A = vector.extract_strided_slice %dot_general3A_11 {offsets = [0, 0], sizes = [32, 1024], strides = [1, 1]} : vector<128x1024xf32> to vector<32x1024xf32>
    %slice3A_17 = vector.extract_strided_slice %get3A_16 {offsets = [0, 0], sizes = [32, 1], strides = [1, 1]} : vector<64x1xf32> to vector<32x1xf32>
    %add3A = vector.broadcast %slice3A_17 : vector<32x1xf32> to vector<32x1024xf32>
    %add3A_18 = arith.addf %slice3A, %add3A : vector<32x1024xf32>
    %swap3A = arith.constant 0 : index
    %swap3A_19 = arith.constant 0 : index
    %swap3A_20 = arith.constant 0 : index
    %swap3A_21 = vector.load %arg4[%swap3A, %swap3A_19, %swap3A_20] : memref<1x64x4096xf32, #tpu.memory_space<vmem>>, vector<1x32x1024xf32>
    %swap3A_22 = vector.shape_cast %swap3A_21 : vector<1x32x1024xf32> to vector<32x1024xf32>
    %swap3A_23 = vector.shape_cast %add3A_18 : vector<32x1024xf32> to vector<1x32x1024xf32>
    tpu.vector_store %arg4[%swap3A, %swap3A_19, %swap3A_20], %swap3A_23 {strides = array<i32>} : memref<1x64x4096xf32, #tpu.memory_space<vmem>>, vector<1x32x1024xf32>,
    %slice3A_24 = vector.extract_strided_slice %dot_general3A_13 {offsets = [0, 0], sizes = [32, 1024], strides = [1, 1]} : vector<128x1024xf32> to vector<32x1024xf32>
    %slice3A_25 = vector.extract_strided_slice %get3A_16 {offsets = [32, 0], sizes = [32, 1], strides = [1, 1]} : vector<64x1xf32> to vector<32x1xf32>
    %add3A_26 = vector.broadcast %slice3A_25 : vector<32x1xf32> to vector<32x1024xf32>
    %add3A_27 = arith.addf %slice3A_24, %add3A_26 : vector<32x1024xf32>
    %swap3A_28 = arith.constant 0 : index
    %swap3A_29 = arith.constant 32 : index
    %swap3A_30 = arith.constant 0 : index
    %swap3A_31 = vector.load %arg4[%swap3A_28, %swap3A_29, %swap3A_30] : memref<1x64x4096xf32, #tpu.memory_space<vmem>>, vector<1x32x1024xf32>
    %swap3A_32 = vector.shape_cast %swap3A_31 : vector<1x32x1024xf32> to vector<32x1024xf32>
    %swap3A_33 = vector.shape_cast %add3A_27 : vector<32x1024xf32> to vector<1x32x1024xf32>
    tpu.vector_store %arg4[%swap3A_28, %swap3A_29, %swap3A_30], %swap3A_33 {strides = array<i32>} : memref<1x64x4096xf32, #tpu.memory_space<vmem>>, vector<1x32x1024xf32>,
    %slice3A_34 = vector.extract_strided_slice %dot_general3A_11 {offsets = [32, 0], sizes = [32, 1024], strides = [1, 1]} : vector<128x1024xf32> to vector<32x1024xf32>
    %slice3A_35 = vector.extract_strided_slice %get3A_16 {offsets = [0, 0], sizes = [32, 1], strides = [1, 1]} : vector<64x1xf32> to vector<32x1xf32>
    %add3A_36 = vector.broadcast %slice3A_35 : vector<32x1xf32> to vector<32x1024xf32>
    %add3A_37 = arith.addf %slice3A_34, %add3A_36 : vector<32x1024xf32>
    %swap3A_38 = arith.constant 0 : index
    %swap3A_39 = arith.constant 0 : index
    %swap3A_40 = arith.constant 1024 : index
    %swap3A_41 = vector.load %arg4[%swap3A_38, %swap3A_39, %swap3A_40] : memref<1x64x4096xf32, #tpu.memory_space<vmem>>, vector<1x32x1024xf32>
    %swap3A_42 = vector.shape_cast %swap3A_41 : vector<1x32x1024xf32> to vector<32x1024xf32>
    %swap3A_43 = vector.shape_cast %add3A_37 : vector<32x1024xf32> to vector<1x32x1024xf32>
    tpu.vector_store %arg4[%swap3A_38, %swap3A_39, %swap3A_40], %swap3A_43 {strides = array<i32>} : memref<1x64x4096xf32, #tpu.memory_space<vmem>>, vector<1x32x1024xf32>,
    %slice3A_44 = vector.extract_strided_slice %dot_general3A_13 {offsets = [32, 0], sizes = [32, 1024], strides = [1, 1]} : vector<128x1024xf32> to vector<32x1024xf32>
    %slice3A_45 = vector.extract_strided_slice %get3A_16 {offsets = [32, 0], sizes = [32, 1], strides = [1, 1]} : vector<64x1xf32> to vector<32x1xf32>
    %add3A_46 = vector.broadcast %slice3A_45 : vector<32x1xf32> to vector<32x1024xf32>
    %add3A_47 = arith.addf %slice3A_44, %add3A_46 : vector<32x1024xf32>
    %swap3A_48 = arith.constant 0 : index
    %swap3A_49 = arith.constant 32 : index
    %swap3A_50 = arith.constant 1024 : index
    %swap3A_51 = vector.load %arg4[%swap3A_48, %swap3A_49, %swap3A_50] : memref<1x64x4096xf32, #tpu.memory_space<vmem>>, vector<1x32x1024xf32>
    %swap3A_52 = vector.shape_cast %swap3A_51 : vector<1x32x1024xf32> to vector<32x1024xf32>
    %swap3A_53 = vector.shape_cast %add3A_47 : vector<32x1024xf32> to vector<1x32x1024xf32>
    tpu.vector_store %arg4[%swap3A_48, %swap3A_49, %swap3A_50], %swap3A_53 {strides = array<i32>} : memref<1x64x4096xf32, #tpu.memory_space<vmem>>, vector<1x32x1024xf32>,
    %slice3A_54 = vector.extract_strided_slice %dot_general3A_11 {offsets = [64, 0], sizes = [32, 1024], strides = [1, 1]} : vector<128x1024xf32> to vector<32x1024xf32>
    %slice3A_55 = vector.extract_strided_slice %get3A_16 {offsets = [0, 0], sizes = [32, 1], strides = [1, 1]} : vector<64x1xf32> to vector<32x1xf32>
    %add3A_56 = vector.broadcast %slice3A_55 : vector<32x1xf32> to vector<32x1024xf32>
    %add3A_57 = arith.addf %slice3A_54, %add3A_56 : vector<32x1024xf32>
    %swap3A_58 = arith.constant 0 : index
    %swap3A_59 = arith.constant 0 : index
    %swap3A_60 = arith.constant 2048 : index
    %swap3A_61 = vector.load %arg4[%swap3A_58, %swap3A_59, %swap3A_60] : memref<1x64x4096xf32, #tpu.memory_space<vmem>>, vector<1x32x1024xf32>
    %swap3A_62 = vector.shape_cast %swap3A_61 : vector<1x32x1024xf32> to vector<32x1024xf32>
    %swap3A_63 = vector.shape_cast %add3A_57 : vector<32x1024xf32> to vector<1x32x1024xf32>
    tpu.vector_store %arg4[%swap3A_58, %swap3A_59, %swap3A_60], %swap3A_63 {strides = array<i32>} : memref<1x64x4096xf32, #tpu.memory_space<vmem>>, vector<1x32x1024xf32>,
    %slice3A_64 = vector.extract_strided_slice %dot_general3A_13 {offsets = [64, 0], sizes = [32, 1024], strides = [1, 1]} : vector<128x1024xf32> to vector<32x1024xf32>
    %slice3A_65 = vector.extract_strided_slice %get3A_16 {offsets = [32, 0], sizes = [32, 1], strides = [1, 1]} : vector<64x1xf32> to vector<32x1xf32>
    %add3A_66 = vector.broadcast %slice3A_65 : vector<32x1xf32> to vector<32x1024xf32>
    %add3A_67 = arith.addf %slice3A_64, %add3A_66 : vector<32x1024xf32>
    %swap3A_68 = arith.constant 0 : index
    %swap3A_69 = arith.constant 32 : index
    %swap3A_70 = arith.constant 2048 : index
    %swap3A_71 = vector.load %arg4[%swap3A_68, %swap3A_69, %swap3A_70] : memref<1x64x4096xf32, #tpu.memory_space<vmem>>, vector<1x32x1024xf32>
    %swap3A_72 = vector.shape_cast %swap3A_71 : vector<1x32x1024xf32> to vector<32x1024xf32>
    %swap3A_73 = vector.shape_cast %add3A_67 : vector<32x1024xf32> to vector<1x32x1024xf32>
    tpu.vector_store %arg4[%swap3A_68, %swap3A_69, %swap3A_70], %swap3A_73 {strides = array<i32>} : memref<1x64x4096xf32, #tpu.memory_space<vmem>>, vector<1x32x1024xf32>,
    %slice3A_74 = vector.extract_strided_slice %dot_general3A_11 {offsets = [96, 0], sizes = [32, 1024], strides = [1, 1]} : vector<128x1024xf32> to vector<32x1024xf32>
    %slice3A_75 = vector.extract_strided_slice %get3A_16 {offsets = [0, 0], sizes = [32, 1], strides = [1, 1]} : vector<64x1xf32> to vector<32x1xf32>
    %add3A_76 = vector.broadcast %slice3A_75 : vector<32x1xf32> to vector<32x1024xf32>
    %add3A_77 = arith.addf %slice3A_74, %add3A_76 : vector<32x1024xf32>
    %swap3A_78 = arith.constant 0 : index
    %swap3A_79 = arith.constant 0 : index
    %swap3A_80 = arith.constant 3072 : index
    %swap3A_81 = vector.load %arg4[%swap3A_78, %swap3A_79, %swap3A_80] : memref<1x64x4096xf32, #tpu.memory_space<vmem>>, vector<1x32x1024xf32>
    %swap3A_82 = vector.shape_cast %swap3A_81 : vector<1x32x1024xf32> to vector<32x1024xf32>
    %swap3A_83 = vector.shape_cast %add3A_77 : vector<32x1024xf32> to vector<1x32x1024xf32>
    tpu.vector_store %arg4[%swap3A_78, %swap3A_79, %swap3A_80], %swap3A_83 {strides = array<i32>} : memref<1x64x4096xf32, #tpu.memory_space<vmem>>, vector<1x32x1024xf32>,
    %slice3A_84 = vector.extract_strided_slice %dot_general3A_13 {offsets = [96, 0], sizes = [32, 1024], strides = [1, 1]} : vector<128x1024xf32> to vector<32x1024xf32>
    %slice3A_85 = vector.extract_strided_slice %get3A_16 {offsets = [32, 0], sizes = [32, 1], strides = [1, 1]} : vector<64x1xf32> to vector<32x1xf32>
    %add3A_86 = vector.broadcast %slice3A_85 : vector<32x1xf32> to vector<32x1024xf32>
    %add3A_87 = arith.addf %slice3A_84, %add3A_86 : vector<32x1024xf32>
    %swap3A_88 = arith.constant 0 : index
    %swap3A_89 = arith.constant 32 : index
    %swap3A_90 = arith.constant 3072 : index
    %swap3A_91 = vector.load %arg4[%swap3A_88, %swap3A_89, %swap3A_90] : memref<1x64x4096xf32, #tpu.memory_space<vmem>>, vector<1x32x1024xf32>
    %swap3A_92 = vector.shape_cast %swap3A_91 : vector<1x32x1024xf32> to vector<32x1024xf32>
    %swap3A_93 = vector.shape_cast %add3A_87 : vector<32x1024xf32> to vector<1x32x1024xf32>
    tpu.vector_store %arg4[%swap3A_88, %swap3A_89, %swap3A_90], %swap3A_93 {strides = array<i32>} : memref<1x64x4096xf32, #tpu.memory_space<vmem>>, vector<1x32x1024xf32>,
    return
  }
  func.func @transform_0(%arg0: i32) -> (i32, i32) {
    %c0_i32 = arith.constant 0 : i32
    %c0_i32_0 = arith.constant 0 : i32
    return %arg0, %c0_i32 : i32, i32
  }
  func.func @transform_1(%arg0: i32) -> (i32, i32) {
    %c0_i32 = arith.constant 0 : i32
    %c0_i32_0 = arith.constant 0 : i32
    %c0_i32_1 = arith.constant 0 : i32
    return %c0_i32, %c0_i32_0 : i32, i32
  }
  func.func @transform_2(%arg0: i32) -> (i32, i32) {
    %c0_i32 = arith.constant 0 : i32
    %c0_i32_0 = arith.constant 0 : i32
    %c0_i32_1 = arith.constant 0 : i32
    return %c0_i32, %c0_i32_0 : i32, i32
  }
  func.func @transform_3(%arg0: i32) -> (i32, i32, i32) {
    %c0_i32 = arith.constant 0 : i32
    %c0_i32_0 = arith.constant 0 : i32
    %c0_i32_1 = arith.constant 0 : i32
    return %arg0, %c0_i32, %c0_i32_0 : i32, i32, i32
  }
}

module attributes {stable_mosaic.version = 14 : i64} {
  func.func @_finish_body1(%arg0: i32, %arg1: memref<1x8x128xf32, #tpu.memory_space<vmem>>, %arg2: memref<1024x128xf32, #tpu.memory_space<vmem>>, %arg3: memref<128x128xf32, #tpu.memory_space<vmem>>, %arg4: memref<64x1xf32, #tpu.memory_space<vmem>>, %arg5: memref<1x64x4096xf32, #tpu.memory_space<vmem>>) attributes {dimension_semantics = [#tpu.dimension_semantics<arbitrary>], iteration_bounds = array<i64: 100>, scalar_prefetch = 0 : i64, scratch_operands = 0 : i64, tpu.core_type = #tpu.core_type<tc>, window_params = [{transform_indices = @transform_0, window_bounds = array<i64: 1, 8, 128>}, {transform_indices = @transform_1, window_bounds = array<i64: 1024, 128>}, {pipeline_mode = #tpu.pipeline_mode<synchronous>, transform_indices = @transform_2, window_bounds = array<i64: 128, 128>}, {pipeline_mode = #tpu.pipeline_mode<synchronous>, transform_indices = @transform_3, window_bounds = array<i64: 64, 1>}, {transform_indices = @transform_4, window_bounds = array<i64: 1, 64, 4096>}]} {
    %get3A = arith.constant 0 : index
    %get3A_0 = arith.constant 0 : index
    %get3A_1 = vector.load %arg2[%get3A, %get3A_0] : memref<1024x128xf32, #tpu.memory_space<vmem>>, vector<1024x128xf32>
    %bitcast3A = tpu.bitcast %get3A_1 : vector<1024x128xf32> -> vector<1024x128xi32>
    %and3A = arith.constant -65536 : i32
    %and3A_2 = vector.broadcast %and3A : i32 to vector<1024x128xi32>
    %and3A_3 = arith.andi %bitcast3A, %and3A_2 : vector<1024x128xi32>
    %bitcast3A_4 = tpu.bitcast %and3A_3 : vector<1024x128xi32> -> vector<1024x128xf32>
    %shift_left3A = arith.constant 16 : i32
    %shift_left3A_5 = vector.broadcast %shift_left3A : i32 to vector<1024x128xi32>
    %shift_left3A_6 = arith.shli %bitcast3A, %shift_left3A_5 : vector<1024x128xi32>
    %bitcast3A_7 = tpu.bitcast %shift_left3A_6 : vector<1024x128xi32> -> vector<1024x128xf32>
    %get3A_8 = arith.constant 0 : index
    %get3A_9 = arith.constant 0 : index
    %get3A_10 = vector.load %arg3[%get3A_8, %get3A_9] : memref<128x128xf32, #tpu.memory_space<vmem>>, vector<128x128xf32>
    %dot_general3A = arith.constant dense<0.000000e+00> : vector<128x1024xf32>
    %dot_general3A_11 = tpu.matmul %get3A_10, %bitcast3A_4, %dot_general3A {dimension_numbers = #tpu.dot_dimension_numbers<[1], [1], [0], [0], [0, 0, 1, 0], [], []>, transpose_lhs_hint = false} : vector<128x128xf32>, vector<1024x128xf32>, vector<128x1024xf32> -> vector<128x1024xf32>
    %dot_general3A_12 = arith.constant dense<0.000000e+00> : vector<128x1024xf32>
    %dot_general3A_13 = tpu.matmul %get3A_10, %bitcast3A_7, %dot_general3A_12 {dimension_numbers = #tpu.dot_dimension_numbers<[1], [1], [0], [0], [0, 0, 1, 0], [], []>, transpose_lhs_hint = false} : vector<128x128xf32>, vector<1024x128xf32>, vector<128x1024xf32> -> vector<128x1024xf32>
    %get3A_14 = arith.constant 0 : index
    %get3A_15 = arith.constant 0 : index
    %get3A_16 = vector.load %arg4[%get3A_14, %get3A_15] : memref<64x1xf32, #tpu.memory_space<vmem>>, vector<64x1xf32>
    %slice3A = vector.extract_strided_slice %dot_general3A_11 {offsets = [0, 0], sizes = [32, 1024], strides = [1, 1]} : vector<128x1024xf32> to vector<32x1024xf32>
    %slice3A_17 = vector.extract_strided_slice %get3A_16 {offsets = [0, 0], sizes = [32, 1], strides = [1, 1]} : vector<64x1xf32> to vector<32x1xf32>
    %add3A = vector.broadcast %slice3A_17 : vector<32x1xf32> to vector<32x1024xf32>
    %add3A_18 = arith.addf %slice3A, %add3A : vector<32x1024xf32>
    %swap3A = arith.constant 0 : index
    %swap3A_19 = arith.constant 0 : index
    %swap3A_20 = arith.constant 0 : index
    %swap3A_21 = vector.load %arg5[%swap3A, %swap3A_19, %swap3A_20] : memref<1x64x4096xf32, #tpu.memory_space<vmem>>, vector<1x32x1024xf32>
    %swap3A_22 = vector.shape_cast %swap3A_21 : vector<1x32x1024xf32> to vector<32x1024xf32>
    %swap3A_23 = vector.shape_cast %add3A_18 : vector<32x1024xf32> to vector<1x32x1024xf32>
    tpu.vector_store %arg5[%swap3A, %swap3A_19, %swap3A_20], %swap3A_23 {strides = array<i32>} : memref<1x64x4096xf32, #tpu.memory_space<vmem>>, vector<1x32x1024xf32>,
    %slice3A_24 = vector.extract_strided_slice %dot_general3A_13 {offsets = [0, 0], sizes = [32, 1024], strides = [1, 1]} : vector<128x1024xf32> to vector<32x1024xf32>
    %slice3A_25 = vector.extract_strided_slice %get3A_16 {offsets = [32, 0], sizes = [32, 1], strides = [1, 1]} : vector<64x1xf32> to vector<32x1xf32>
    %add3A_26 = vector.broadcast %slice3A_25 : vector<32x1xf32> to vector<32x1024xf32>
    %add3A_27 = arith.addf %slice3A_24, %add3A_26 : vector<32x1024xf32>
    %swap3A_28 = arith.constant 0 : index
    %swap3A_29 = arith.constant 32 : index
    %swap3A_30 = arith.constant 0 : index
    %swap3A_31 = vector.load %arg5[%swap3A_28, %swap3A_29, %swap3A_30] : memref<1x64x4096xf32, #tpu.memory_space<vmem>>, vector<1x32x1024xf32>
    %swap3A_32 = vector.shape_cast %swap3A_31 : vector<1x32x1024xf32> to vector<32x1024xf32>
    %swap3A_33 = vector.shape_cast %add3A_27 : vector<32x1024xf32> to vector<1x32x1024xf32>
    tpu.vector_store %arg5[%swap3A_28, %swap3A_29, %swap3A_30], %swap3A_33 {strides = array<i32>} : memref<1x64x4096xf32, #tpu.memory_space<vmem>>, vector<1x32x1024xf32>,
    %slice3A_34 = vector.extract_strided_slice %dot_general3A_11 {offsets = [32, 0], sizes = [32, 1024], strides = [1, 1]} : vector<128x1024xf32> to vector<32x1024xf32>
    %slice3A_35 = vector.extract_strided_slice %get3A_16 {offsets = [0, 0], sizes = [32, 1], strides = [1, 1]} : vector<64x1xf32> to vector<32x1xf32>
    %add3A_36 = vector.broadcast %slice3A_35 : vector<32x1xf32> to vector<32x1024xf32>
    %add3A_37 = arith.addf %slice3A_34, %add3A_36 : vector<32x1024xf32>
    %swap3A_38 = arith.constant 0 : index
    %swap3A_39 = arith.constant 0 : index
    %swap3A_40 = arith.constant 1024 : index
    %swap3A_41 = vector.load %arg5[%swap3A_38, %swap3A_39, %swap3A_40] : memref<1x64x4096xf32, #tpu.memory_space<vmem>>, vector<1x32x1024xf32>
    %swap3A_42 = vector.shape_cast %swap3A_41 : vector<1x32x1024xf32> to vector<32x1024xf32>
    %swap3A_43 = vector.shape_cast %add3A_37 : vector<32x1024xf32> to vector<1x32x1024xf32>
    tpu.vector_store %arg5[%swap3A_38, %swap3A_39, %swap3A_40], %swap3A_43 {strides = array<i32>} : memref<1x64x4096xf32, #tpu.memory_space<vmem>>, vector<1x32x1024xf32>,
    %slice3A_44 = vector.extract_strided_slice %dot_general3A_13 {offsets = [32, 0], sizes = [32, 1024], strides = [1, 1]} : vector<128x1024xf32> to vector<32x1024xf32>
    %slice3A_45 = vector.extract_strided_slice %get3A_16 {offsets = [32, 0], sizes = [32, 1], strides = [1, 1]} : vector<64x1xf32> to vector<32x1xf32>
    %add3A_46 = vector.broadcast %slice3A_45 : vector<32x1xf32> to vector<32x1024xf32>
    %add3A_47 = arith.addf %slice3A_44, %add3A_46 : vector<32x1024xf32>
    %swap3A_48 = arith.constant 0 : index
    %swap3A_49 = arith.constant 32 : index
    %swap3A_50 = arith.constant 1024 : index
    %swap3A_51 = vector.load %arg5[%swap3A_48, %swap3A_49, %swap3A_50] : memref<1x64x4096xf32, #tpu.memory_space<vmem>>, vector<1x32x1024xf32>
    %swap3A_52 = vector.shape_cast %swap3A_51 : vector<1x32x1024xf32> to vector<32x1024xf32>
    %swap3A_53 = vector.shape_cast %add3A_47 : vector<32x1024xf32> to vector<1x32x1024xf32>
    tpu.vector_store %arg5[%swap3A_48, %swap3A_49, %swap3A_50], %swap3A_53 {strides = array<i32>} : memref<1x64x4096xf32, #tpu.memory_space<vmem>>, vector<1x32x1024xf32>,
    %slice3A_54 = vector.extract_strided_slice %dot_general3A_11 {offsets = [64, 0], sizes = [32, 1024], strides = [1, 1]} : vector<128x1024xf32> to vector<32x1024xf32>
    %slice3A_55 = vector.extract_strided_slice %get3A_16 {offsets = [0, 0], sizes = [32, 1], strides = [1, 1]} : vector<64x1xf32> to vector<32x1xf32>
    %add3A_56 = vector.broadcast %slice3A_55 : vector<32x1xf32> to vector<32x1024xf32>
    %add3A_57 = arith.addf %slice3A_54, %add3A_56 : vector<32x1024xf32>
    %swap3A_58 = arith.constant 0 : index
    %swap3A_59 = arith.constant 0 : index
    %swap3A_60 = arith.constant 2048 : index
    %swap3A_61 = vector.load %arg5[%swap3A_58, %swap3A_59, %swap3A_60] : memref<1x64x4096xf32, #tpu.memory_space<vmem>>, vector<1x32x1024xf32>
    %swap3A_62 = vector.shape_cast %swap3A_61 : vector<1x32x1024xf32> to vector<32x1024xf32>
    %swap3A_63 = vector.shape_cast %add3A_57 : vector<32x1024xf32> to vector<1x32x1024xf32>
    tpu.vector_store %arg5[%swap3A_58, %swap3A_59, %swap3A_60], %swap3A_63 {strides = array<i32>} : memref<1x64x4096xf32, #tpu.memory_space<vmem>>, vector<1x32x1024xf32>,
    %slice3A_64 = vector.extract_strided_slice %dot_general3A_13 {offsets = [64, 0], sizes = [32, 1024], strides = [1, 1]} : vector<128x1024xf32> to vector<32x1024xf32>
    %slice3A_65 = vector.extract_strided_slice %get3A_16 {offsets = [32, 0], sizes = [32, 1], strides = [1, 1]} : vector<64x1xf32> to vector<32x1xf32>
    %add3A_66 = vector.broadcast %slice3A_65 : vector<32x1xf32> to vector<32x1024xf32>
    %add3A_67 = arith.addf %slice3A_64, %add3A_66 : vector<32x1024xf32>
    %swap3A_68 = arith.constant 0 : index
    %swap3A_69 = arith.constant 32 : index
    %swap3A_70 = arith.constant 2048 : index
    %swap3A_71 = vector.load %arg5[%swap3A_68, %swap3A_69, %swap3A_70] : memref<1x64x4096xf32, #tpu.memory_space<vmem>>, vector<1x32x1024xf32>
    %swap3A_72 = vector.shape_cast %swap3A_71 : vector<1x32x1024xf32> to vector<32x1024xf32>
    %swap3A_73 = vector.shape_cast %add3A_67 : vector<32x1024xf32> to vector<1x32x1024xf32>
    tpu.vector_store %arg5[%swap3A_68, %swap3A_69, %swap3A_70], %swap3A_73 {strides = array<i32>} : memref<1x64x4096xf32, #tpu.memory_space<vmem>>, vector<1x32x1024xf32>,
    %slice3A_74 = vector.extract_strided_slice %dot_general3A_11 {offsets = [96, 0], sizes = [32, 1024], strides = [1, 1]} : vector<128x1024xf32> to vector<32x1024xf32>
    %slice3A_75 = vector.extract_strided_slice %get3A_16 {offsets = [0, 0], sizes = [32, 1], strides = [1, 1]} : vector<64x1xf32> to vector<32x1xf32>
    %add3A_76 = vector.broadcast %slice3A_75 : vector<32x1xf32> to vector<32x1024xf32>
    %add3A_77 = arith.addf %slice3A_74, %add3A_76 : vector<32x1024xf32>
    %swap3A_78 = arith.constant 0 : index
    %swap3A_79 = arith.constant 0 : index
    %swap3A_80 = arith.constant 3072 : index
    %swap3A_81 = vector.load %arg5[%swap3A_78, %swap3A_79, %swap3A_80] : memref<1x64x4096xf32, #tpu.memory_space<vmem>>, vector<1x32x1024xf32>
    %swap3A_82 = vector.shape_cast %swap3A_81 : vector<1x32x1024xf32> to vector<32x1024xf32>
    %swap3A_83 = vector.shape_cast %add3A_77 : vector<32x1024xf32> to vector<1x32x1024xf32>
    tpu.vector_store %arg5[%swap3A_78, %swap3A_79, %swap3A_80], %swap3A_83 {strides = array<i32>} : memref<1x64x4096xf32, #tpu.memory_space<vmem>>, vector<1x32x1024xf32>,
    %slice3A_84 = vector.extract_strided_slice %dot_general3A_13 {offsets = [96, 0], sizes = [32, 1024], strides = [1, 1]} : vector<128x1024xf32> to vector<32x1024xf32>
    %slice3A_85 = vector.extract_strided_slice %get3A_16 {offsets = [32, 0], sizes = [32, 1], strides = [1, 1]} : vector<64x1xf32> to vector<32x1xf32>
    %add3A_86 = vector.broadcast %slice3A_85 : vector<32x1xf32> to vector<32x1024xf32>
    %add3A_87 = arith.addf %slice3A_84, %add3A_86 : vector<32x1024xf32>
    %swap3A_88 = arith.constant 0 : index
    %swap3A_89 = arith.constant 32 : index
    %swap3A_90 = arith.constant 3072 : index
    %swap3A_91 = vector.load %arg5[%swap3A_88, %swap3A_89, %swap3A_90] : memref<1x64x4096xf32, #tpu.memory_space<vmem>>, vector<1x32x1024xf32>
    %swap3A_92 = vector.shape_cast %swap3A_91 : vector<1x32x1024xf32> to vector<32x1024xf32>
    %swap3A_93 = vector.shape_cast %add3A_87 : vector<32x1024xf32> to vector<1x32x1024xf32>
    tpu.vector_store %arg5[%swap3A_88, %swap3A_89, %swap3A_90], %swap3A_93 {strides = array<i32>} : memref<1x64x4096xf32, #tpu.memory_space<vmem>>, vector<1x32x1024xf32>,
    return
  }
  func.func @transform_0(%arg0: i32) -> (i32, i32, i32) {
    %c0_i32 = arith.constant 0 : i32
    %c0_i32_0 = arith.constant 0 : i32
    %c0_i32_1 = arith.constant 0 : i32
    %c0_i32_2 = arith.constant 0 : i32
    return %c0_i32, %c0_i32_0, %c0_i32_1 : i32, i32, i32
  }
  func.func @transform_1(%arg0: i32) -> (i32, i32) {
    %c0_i32 = arith.constant 0 : i32
    %c0_i32_0 = arith.constant 0 : i32
    return %arg0, %c0_i32 : i32, i32
  }
  func.func @transform_2(%arg0: i32) -> (i32, i32) {
    %c0_i32 = arith.constant 0 : i32
    %c0_i32_0 = arith.constant 0 : i32
    %c0_i32_1 = arith.constant 0 : i32
    return %c0_i32, %c0_i32_0 : i32, i32
  }
  func.func @transform_3(%arg0: i32) -> (i32, i32) {
    %c0_i32 = arith.constant 0 : i32
    %c0_i32_0 = arith.constant 0 : i32
    %c0_i32_1 = arith.constant 0 : i32
    return %c0_i32, %c0_i32_0 : i32, i32
  }
  func.func @transform_4(%arg0: i32) -> (i32, i32, i32) {
    %add3A = arith.constant 100 : i32
    %add3A_0 = arith.addi %arg0, %add3A : i32
    %c0_i32 = arith.constant 0 : i32
    %c0_i32_1 = arith.constant 0 : i32
    %c0_i32_2 = arith.constant 0 : i32
    return %add3A_0, %c0_i32, %c0_i32_1 : i32, i32, i32
  }
}

</mosaic_0001>

<sc_bundles>
// kernel: kernel.10.cloned.1.call-start
scs
__scs_entry_jumppad:
0x0: {  	(pc) =	sbr.rel $0x88, $3  }
0x1: {  	(tag) =	ssettag $0x0;
	lr =	simm.s32 $0x1  }
0x2: {  	[smem:$0x3F9D] =	sst lr;
	_ =	strace $0xD0000000  }
0x3: {  	_ = 	snop  }
0x4: {  	_ = 	snop  }
0x5: {  	_ = 	snop  }
0x6: {  	_ = 	snop  }
0x7: {  	_ = 	snop  }
__scs_overlays_trampoline_lowered:
0x8: {  	[smem:$0x3FAC] =	sst s0  }
0x9: {  	[smem:$0x3FAD] =	sst s1  }
0xa: {  	[smem:$0x3FAE] =	sst s2  }
0xb: {  	[smem:$0x3FAF] =	sst s3  }
0xc: {  	[smem:$0x3FB0] =	sst s4  }
0xd: {  	[smem:$0x3FB1] =	sst s5  }
0xe: {  	[smem:$0x3FB2] =	sst s6  }
0xf: {  	[smem:$0x3FB3] =	sst s7  }
0x10: {  	[smem:$0x3FB4] =	sst s8  }
0x11: {  	[smem:$0x3FB5] =	sst s9;
	s0 =	simm.s32 @!p0 $0x0  }
0x12: {  	s1 =	sld [smem:$0x3F9B];
	s0 =	simm.s32 @p0 $0x1  }
0x13: {  	[smem:$0x3FB6] =	sst s0;
	s0 =	simm.s32 @!p1 $0x0  }
0x14: {  	s2 =	sld [smem:$0x3F9A];
	s0 =	simm.s32 @p1 $0x1  }
0x15: {  	[smem:$0x3FB7] =	sst s0;
	s0 =	simm.s32 @!p2 $0x0  }
0x16: {  	s3 =	sld [smem:$0x3FDB];
	s0 =	simm.s32 @p2 $0x1  }
0x17: {  	s4 =	simm.s32 $0x1BF5;
	[smem:$0x3FB9] =	sst s0  }
0x18: {  	s0 =	sld [smem:$0x3F9C];
	_ =	swait.ge [sflag:s4], $0x0  }
0x19: {  	s7 =	sld [smem:$0x3F9D]  }
0x1a: {  	s8 =	sadd.s32 $0xFFFFE003, lr  }
0x1b: {  	s9 =	sadd.s32 $0xFFFFFEF7, lr;
	s5 =	simm.s32 $0xFFFFFFFF;
	p2 =	slt.u32 s8, $0xFFFFF086  }
0x1c: {  	p1 =	slt.u32 s9, $0xF7A;
	s5 =	simm.s32 @!p2 $0x0  }
0x1d: {  	s5 =	simm.s32 @p1 $0x1;
	p0 =	seq.s32 s7, s2  }
0x1e: {  	s7 =	smul.u32 @!p0 $0xF7A, s2;
	p2 =	seq.s32 @!p0 s5, $0x0  }
0x1f: {  	s9 =	smul.u32 $0xF7A, s1;
	s8 =	simm.s32 @!p0 $0x1BF5;
	p2 =	por !p2, p0  }
0x20: {  	[sflag:s8] =	ssyncset.s32 @!p0 $0xFFFFF086;
	s6 =	sadd.s32 @!p0 s3, s7;
	s7 =	simm.s32 @!p0 $0x108  }
0x21: {  	s3 =	sadd.s32 s3, s9;
	s6 =	sadd.s32 @!p0 $0x88, s6;
	s7 =	simm.s32 @p2 $0x1082  }
0x22: {  	[simem:s7], [sflag:s8] =	dma.local @!p0 [hbm:s6], $0xF7A  }
0x23: {  	s9 =	sor.u32 $0xD0000000, s2;
	s6 =	simm.s32 $0x108;
	_ =	swait.ge @!p0 [sflag:s8], $0x0  }
0x24: {  	s3 =	sadd.s32 $0x88, s3;
	s6 =	simm.s32 @!p1 $0x1082;
	[sflag:s4] =	ssyncset.s32 $0xFFFFF086  }
0x25: {  	[simem:s6], [sflag:s4] =	dma.local [hbm:s3], $0xF7A  }
0x26: {  	[smem:$0x3F9D] =	sst s1;
	(tag) =	ssettag s2;
	_ =	strace s9  }
0x27: {  	s1 =	sld [smem:$0x3FAD]  }
0x28: {  	s2 =	sld [smem:$0x3FAE]  }
0x29: {  	s4 =	sld [smem:$0x3FB0]  }
0x2a: {  	p0 =	seq.s32 s5, $0x0;
	s5 =	sld [smem:$0x3FB1]  }
0x2b: {  	s6 =	sld [smem:$0x3FB2]  }
0x2c: {  	s7 =	sld [smem:$0x3FB3]  }
0x2d: {  	s3 =	simm.s32 $0x108;
	s8 =	sld [smem:$0x3FB4]  }
0x2e: {  	s3 =	simm.s32 @!p0 $0x1082;
	s9 =	sld [smem:$0x3FB5]  }
0x2f: {  	lr =	sadd.s32 s0, s3;
	s0 =	sld [smem:$0x3FAC]  }
0x30: {  	s3 =	sld [smem:$0x3FAF]  }
0x31: {  	[smem:$0x3FB8] =	sst s10  }
0x32: {  	s10 =	sld [smem:$0x3FB6];
	_ =	sdelay $0x3  }
0x33: {  	p0 =	seq.s32 s10, $0x1;
	s10 =	sld [smem:$0x3FB8];
	_ =	sdelay $0x3  }
0x34: {  	[smem:$0x3FB8] =	sst s10  }
0x35: {  	s10 =	sld [smem:$0x3FB7];
	_ =	sdelay $0x3  }
0x36: {  	p1 =	seq.s32 s10, $0x1;
	s10 =	sld [smem:$0x3FB8];
	_ =	sdelay $0x3  }
0x37: {  	[smem:$0x3FB8] =	sst s10  }
0x38: {  	s10 =	sld [smem:$0x3FB9]  }
0x39: {  	_ = 	snop;
	(pc) =	sbr.ind lr, $3  }
0x3a: {  	_ = 	snop  }
0x3b: {  	_ = 	snop  }
0x3c: {  	p2 =	seq.s32 s10, $0x1;
	s10 =	sld [smem:$0x3FB8]  }
0x3d: {  	_ =	shalt  }
0x3e: {  	_ =	shalt  }
0x3f: {  	_ =	shalt  }
0x40: {  	_ =	shalt  }
0x41: {  	_ =	shalt  }
0x42: {  	_ =	shalt  }
0x43: {  	_ =	shalt  }
0x44: {  	_ =	shalt  }
0x45: {  	_ =	shalt  }
0x46: {  	_ =	shalt  }
0x47: {  	_ =	shalt  }
0x48: {  	_ =	shalt  }
0x49: {  	_ =	shalt  }
0x4a: {  	_ =	shalt  }
0x4b: {  	_ =	shalt  }
0x4c: {  	_ =	shalt  }
0x4d: {  	_ =	shalt  }
0x4e: {  	_ =	shalt  }
0x4f: {  	_ =	shalt  }
0x50: {  	_ =	shalt  }
0x51: {  	_ =	shalt  }
0x52: {  	_ =	shalt  }
0x53: {  	_ =	shalt  }
0x54: {  	_ =	shalt  }
0x55: {  	_ =	shalt  }
0x56: {  	_ =	shalt  }
0x57: {  	_ =	shalt  }
0x58: {  	_ =	shalt  }
0x59: {  	_ =	shalt  }
0x5a: {  	_ =	shalt  }
0x5b: {  	_ =	shalt  }
0x5c: {  	_ =	shalt  }
0x5d: {  	_ =	shalt  }
0x5e: {  	_ =	shalt  }
0x5f: {  	_ =	shalt  }
0x60: {  	_ =	shalt  }
0x61: {  	_ =	shalt  }
0x62: {  	_ =	shalt  }
0x63: {  	_ =	shalt  }
0x64: {  	_ =	shalt  }
0x65: {  	_ =	shalt  }
0x66: {  	_ =	shalt  }
0x67: {  	_ =	shalt  }
0x68: {  	_ =	shalt  }
0x69: {  	_ =	shalt  }
0x6a: {  	_ =	shalt  }
0x6b: {  	_ =	shalt  }
0x6c: {  	_ =	shalt  }
0x6d: {  	_ =	shalt  }
0x6e: {  	_ =	shalt  }
0x6f: {  	_ =	shalt  }
0x70: {  	_ =	shalt  }
0x71: {  	_ =	shalt  }
0x72: {  	_ =	shalt  }
0x73: {  	_ =	shalt  }
0x74: {  	_ =	shalt  }
0x75: {  	_ =	shalt  }
0x76: {  	_ =	shalt  }
0x77: {  	_ =	shalt  }
0x78: {  	_ =	shalt  }
0x79: {  	_ =	shalt  }
0x7a: {  	_ =	shalt  }
0x7b: {  	_ =	shalt  }
0x7c: {  	_ =	shalt  }
0x7d: {  	_ =	shalt  }
0x7e: {  	_ =	shalt  }
0x7f: {  	_ =	shalt  }
0x80: {  	_ =	shalt  }
0x81: {  	_ =	shalt  }
0x82: {  	_ =	shalt  }
0x83: {  	_ =	shalt  }
0x84: {  	_ =	shalt  }
0x85: {  	_ =	shalt  }
0x86: {  	_ =	shalt  }
0x87: {  	_ =	shalt  }
.Lfunc_end0:
.L_simem_size_0:
called_computation.1_lowered:
.L_overlay_start_0:
0x88: {  	s2 =	sld [smem:$0x3FD9]  }
0x89: {  	s3 =	sld [smem:$0x3FFE];
	_ =	sdelay $0x1  }
0x8a: {  	s1 =	srdreg.scid  }
0x8b: {  	s0 =	sand.u32 $0x1, s1  }
0x8c: {  	s17 =	sshll.u32 s0, $0xA;
	s2 =	sadd.s32 s3, s2  }
0x8d: {  	s2 =	sadd.s32 s2, s17  }
0x8e: {  	[smem:$0x3FC4] =	sst s2  }
0x8f: {  	_ = 	snop  }
0x90: {  	(tm) =	ssettm $0x1  }
0x91: {  	s18 =	sld [smem:$0x3FFB];
	_ =	sdelay $0x3  }
0x92: {  	_ =	strace s18  }
0x93: {  	s2 =	sld [smem:$0x3FFC];
	_ =	sdelay $0x3  }
0x94: {  	_ =	strace s2  }
0x95: {  	s2 =	sld [smem:$0x3FFD];
	_ =	sdelay $0x3  }
0x96: {  	_ =	strace s2  }
0x97: {  	_ =	strace $0x8FFFFFFF  }
0x98: {  	s19 =	sld [smem:$0x3FDB];
	_ =	sdelay $0x1  }
0x99: {  	s20 =	simm.s32 $_scs_section_size  }
0x9a: {  	s4 =	simm.s32 $_size__tile_overlayer_lowered;
	s5 =	simm.s32 $_tile_overlayer_lowered  }
0x9b: {  	s6 =	simm.s32 $0x1BFF;
	s21 =	sshll.u32 s5, $0x1;
	s3 =	sadd.s32 s20, s19  }
0x9c: {  	s22 =	simm.s32 $0x0;
	s4 =	sshll.u32 s4, $0x1;
	s5 =	sadd.s32 s21, s3  }
0x9d: {  	[timem:s22], [sflag:s6] =	dma.local [hbm:s5], s4  }
0x9e: {  	_ =	swait.ge [sflag:s6], s4  }
0x9f: {  	s4 =	ssub.s32 $0x0, s4;
	[sflag:s6] =	ssyncset.done $0x0  }
0xa0: {  	[sflag:s6] =	ssyncadd.s32 s4;
	_ =	sdelay $0x1  }
0xa1: {  	s23 =	simm.s32 $0x1B8B  }
0xa2: {  	_ =	swait.ge [sflag:s23], $0x1  }
0xa3: {  	[sflag:s23] =	ssyncset.done $0x0  }
0xa4: {  	[sflag:s23] =	ssyncadd.s32 $0xFFFFFFFF  }
0xa5: {  	s4 =	sld [smem:$0x0]  }
0xa6: {  	s5 =	sand.u32 $0xFFFFFFFE, s1  }
0xa7: {  	p0 =	sne.s32 s1, s5  }
0xa8: {  	s5 =	sshll.u32 @p0 s5, $0xE  }
0xa9: {  	s5 =	sadd.s32 @p0 $0x11B8D, s5;
	s6 =	sshll.u32 @p0 s4, $0x11  }
0xaa: {  	s5 =	sor.u32 @p0 s6, s5  }
0xab: {  	[sflag:s5] =	ssyncadd.remote.s32 @p0 $0x1;
	_ =	sdelay $0x1  }
0xac: {  	s5 =	simm.s32 @p0 $0x1B8D  }
0xad: {  	_ =	swait.eq @p0 [sflag:s5], $0x1  }
0xae: {  	[sflag:s5] =	ssyncadd.s32 @p0 $0xFFFFFFFF  }
0xaf: {  	s6 =	sshll.u32 @!p0 s1, $0xE  }
0xb0: {  	s6 =	sor.u32 @!p0 $0x4000, s6;
	s5 =	simm.s32 @!p0 $0x1B8D  }
0xb1: {  	s4 =	sshll.u32 @!p0 s4, $0x11;
	s6 =	sadd.s32 @!p0 $0x11B8D, s6;
	_ =	swait.eq @!p0 [sflag:s5], $0x1  }
0xb2: {  	s4 =	sor.u32 @!p0 s4, s6;
	[sflag:s5] =	ssyncadd.s32 @!p0 $0xFFFFFFFF  }
0xb3: {  	s25 =	simm.s32 $0x1B8E;
	s24 =	sld [smem:$0x3FFE];
	[sflag:s4] =	ssyncadd.remote.s32 @!p0 $0x1  }
0xb4: {  	s26 =	simm.s32 $execute0_lowered;
	[smem:$0x3FD2] =	sst s25  }
0xb5: {  	s5 =	sshll.u32 s26, $0x1;
	_ =	strace $0x80000049;
	[dreg:$0x1] =	wrdreg $0xFFFFFFFF  }
0xb6: {  	s28 =	simm.s32 $_size_execute0_lowered;
	s3 =	sadd.s32 s3, s5;
	[dreg:$0x0] =	wrdreg $0x0  }
0xb7: {  	s5 =	sshll.u32 s28, $0x1;
	[dreg:$0x2] =	wrdreg s3  }
0xb8: {  	[dreg:$0x3] =	wrdreg s5  }
0xb9: {  	[dreg:$0x4] =	wrdreg $0xC0  }
0xba: {  	_ =	task [dreg:s22], $0x5FFFF  }
0xbb: {  	[dreg:$0x1] =	wrdreg $0xFFFFFFFF  }
0xbc: {  	[dreg:$0x0] =	wrdreg $0x60  }
0xbd: {  	[dreg:$0x2] =	wrdreg s24  }
0xbe: {  	[dreg:$0x3] =	wrdreg $0xA  }
0xbf: {  	_ =	task.clear_ibuf [dreg:s22], $0x4FFFF;
	_ =	strace $0x90000049  }
0xc0: {  	s29 =	simm.s32 $0xA;
	_ =	strace $0x8000004B  }
0xc1: {  	_ =	swait.ge [sflag:s29], $0x1  }
0xc2: {  	[sflag:s29] =	ssyncadd.s32 $0xFFFFFFFF  }
0xc3: {  	_ =	strace $0x9000004B  }
0xc4: {  	_ =	sfence  }
0xc5: {  	s30 =	sld [smem:$0x0];
	_ =	sdelay $0x2  }
0xc6: {  	s31 =	sshll.u32 s1, $0xD;
	s1 =	sshrl.u32 s1, $0x2  }
0xc7: {  	s4 =	sand.u32 $0x4000, s31;
	s1 =	sadd.s32 s1, s30  }
0xc8: {  	s0 =	sor.u32 s4, s0;
	s1 =	sshll.u32 s1, $0x11  }
0xc9: {  	s0 =	sor.u32 s1, s0  }
0xca: {  	s0 =	sadd.s32 $0x8F2B, s0  }
0xcb: {  	[sflag:s0] =	ssyncadd.remote.s32 $0x1  }
0xcc: {  	_ =	sfence.sel $0xFFFF  }
0xcd: {  	[dreg:$0x0] =	wrdreg $0xFFFFFFFF;
	(pc) =	sbr.abs _section_cstart, $3  }
0xce: {  	[dreg:$0x1] =	wrdreg $0xFFFFFFFF  }
0xcf: {  	_ =	task.clear_ibuf [dreg:s22], $0x2FFFF;
	_ =	strace $0x9FFFFFFF  }
0xd0: {  	(tm) =	ssettm $0x7FFFFFFF  }
0xd1: {  	_ =	shalt  }
tec
execute0_lowered:
.L_overlay_start_1:
0x0: {  	(tag) =	ssettag $0x1  }
0x1: {  	s6 =	rddreg [dreg:$0x0]  }
0x2: {  	s0 =	rddreg [dreg:$0x1]  }
0x3: {  	s1 =	simm.s32 $0x0;
	s5 =	srdreg.scid;
	s2 =	stileid.u32  }
0x4: {  	s14 =	simm.s32 $0x80;
	s15 =	simm.s32 $0x5;
	s16 =	simm.s32 $0x6  }
0x5: {  	s17 =	simm.s32 $0x1;
	s18 =	simm.s32 $0x2;
	s19 =	simm.s32 $0x3  }
0x6: {  	s20 =	simm.s32 $0x4;
	[smem:$0x7FF] =	sst s1;
	s3 =	sadd.s32 $0x19E00, s6  }
0x7: {  	s4 =	sadd.s32 $0xE00, s6;
	s5 =	sand.u32 $0x1, s5;
	s8 =	sshll.u32 s2, $0x1  }
0x8: {  	s9 =	sshrl.u32 s2, $0x2;
	s6 =	sadd.s32 $0x57DE00, s6;
	s7 =	ssub.s32 $0x2, s5  }
.Ltmp0:
0x9: {  	s8 =	sor.u32 s5, s8;
	s10 =	sshll.u32 s9, $0x3;
	(pc) =	sbr.rel .LBB2_1-.Ltmp0, $4  }
0xa: {  	s5 =	smul.u32 $0x19, s9;
	s31 =	sshrl.u32 s7, $0x1;
	s12 =	ssub.s32 s8, s10  }
0xb: {  	_ =	strace $0x8000004A;
	s13 =	ssub.s32 s7, s31;
	s8 =	sshll.u32 s12, $0x7  }
0xc: {  	s7 =	sadd.s32 $0x64, s5;
	s12 =	sshll.u32 s12, $0xE;
	s9 =	sadd.s32 $0x400, s8  }
0xd: {  	s10 =	sadd.s32 $0x800, s8;
	s11 =	sadd.s32 $0xC00, s8;
	s13 =	smax.u32 s13, $0x1  }
.LBB2_5:
0xe: {  	_ =	swait.ge [sflag:s15], $0x1000  }
0xf: {  	[sflag:s15] =	ssyncset.done $0x0  }
0x10: {  	[sflag:s15] =	ssyncadd.s32 $0xFFFFF000  }
0x11: {  	_ =	swait.ge [sflag:s16], $0x1000  }
0x12: {  	[sflag:s16] =	ssyncset.done $0x0  }
0x13: {  	[sflag:s16] =	ssyncadd.s32 $0xFFFFF000  }
0x14: {  	_ =	swait.ge [sflag:s17], $0x1000  }
0x15: {  	[sflag:s17] =	ssyncset.done $0x0  }
0x16: {  	[sflag:s17] =	ssyncadd.s32 $0xFFFFF000  }
0x17: {  	_ =	swait.ge [sflag:s18], $0x1000  }
0x18: {  	[sflag:s18] =	ssyncset.done $0x0  }
0x19: {  	s1 =	sadd.s32 $0x1, s1;
	[sflag:s18] =	ssyncadd.s32 $0xFFFFF000  }
0x1a: {  	p0 =	sne.s32 s1, s13;
	_ =	swait.ge [sflag:s19], $0x1000  }
.Ltmp1:
0x1b: {  	[sflag:s19] =	ssyncset.done $0x0;
	(pc) =	sbr.rel @!p0 .LBB2_6-.Ltmp1, $4  }
0x1c: {  	[sflag:s19] =	ssyncadd.s32 $0xFFFFF000  }
0x1d: {  	_ =	swait.ge [sflag:s20], $0x1000  }
0x1e: {  	[sflag:s20] =	ssyncset.done $0x0  }
0x1f: {  	[sflag:s20] =	ssyncadd.s32 $0xFFFFF000  }
.LBB2_1:
.Ltmp2:
0x20: {  	(pc) =	sbr.rel .LBB2_2-.Ltmp2, $2  }
0x21: {  	_ =	sdelay $0x2  }
0x22: {  	s21 =	simm.s32 $0xFFFFFFFC;
	s22 =	simm.s32 $0x0  }
.LBB2_4:
0x23: {  	p0 =	slt.u32 s23, $0x4  }
0x24: {  	s24 =	sand.u32 @!p0 $0xFF, s21  }
0x25: {  	s24 =	smul.u32 @!p0 $0xAB, s24;
	_ =	sdelay $0x1  }
0x26: {  	s24 =	sshrl.u32 @!p0 s24, $0xA  }
0x27: {  	s25 =	sshrl.u32 @!p0 s21, $0x2;
	s24 =	smul.u32 @!p0 $0x6, s24  }
0x28: {  	s25 =	sadd.s32 @!p0 s5, s25  }
0x29: {  	s23 =	sand.u32 @!p0 $0x3, s23;
	s25 =	sshll.u32 @!p0 s25, $0x11;
	s24 =	ssub.s32 @!p0 s21, s24  }
0x2a: {  	s23 =	sshll.u32 @!p0 s23, $0xC;
	s25 =	sadd.s32 @!p0 s12, s25;
	s24 =	sand.u32 @!p0 $0xFF, s24  }
0x2b: {  	s23 =	sor.u32 @!p0 s23, s25;
	s26 =	sadd.s32 @!p0 $0x1, s24  }
0x2c: {  	s25 =	simm.s32 @!p0 $0x0;
	s23 =	sshrl.u32 @!p0 s23, $0x3;
	_ =	swait.ge @!p0 [sflag:s26], $0x1000  }
0x2d: {  	s23 =	sadd.s32 @!p0 s6, s23;
	s24 =	sshll.u32 @!p0 s24, $0xC;
	[sflag:s26] =	ssyncset.done @!p0 $0x0  }
0x2e: {  	s21 =	sadd.s32 $0x1, s21;
	s24 =	sor.u32 @!p0 $0x300, s24;
	[sflag:s26] =	ssyncadd.s32 @!p0 $0xFFFFF000  }
0x2f: {  	[hbm4b:s23+s25] =	stream.linear.scatter @!p0 [tilespmem:s24], [sflag:s26], $0x1000, $0x38;
	[tilespmem:$0x6300] =	vst v63  }
0x30: {  	p0 =	sne.s32 s21, $0x64  }
.Ltmp3:
0x31: {  	_ = 	snop;
	(pc) =	sbr.rel @!p0 .LBB2_5-.Ltmp3, $2  }
0x32: {  	_ =	sdelay $0x2  }
0x33: {  	s22 =	sadd.s32 $0x20, s22  }
.LBB2_2:
0x34: {  	s23 =	sadd.s32 $0x4, s21  }
0x35: {  	p0 =	sgt.u32 s23, $0x63  }
0x36: {  	p1 =	slt.u32 @!p0 s23, $0x6  }
0x37: {  	p1 =	por p1, p0  }
0x38: {  	s24 =	sadd.s32 @!p1 $0xFFFFFFFA, s23  }
0x39: {  	s25 =	sand.u32 @!p1 $0xFF, s24  }
0x3a: {  	s25 =	smul.u32 @!p1 $0xAB, s25;
	_ =	sdelay $0x1  }
0x3b: {  	s26 =	smul.u32 @!p0 $0xAB, s23;
	s25 =	sshrl.u32 @!p1 s25, $0xA  }
0x3c: {  	s25 =	smul.u32 @!p1 $0x6, s25;
	_ =	sdelay $0x1  }
0x3d: {  	s24 =	ssub.s32 @!p1 s24, s25;
	s25 =	sshrl.u32 @!p0 s26, $0xA  }
0x3e: {  	s28 =	sand.u32 @!p0 $0x60, s22;
	s25 =	sand.u32 @!p0 $0x3F, s25  }
0x3f: {  	s26 =	sshrl.u32 @!p0 s23, $0x2;
	s24 =	sand.u32 @!p1 $0xFF, s24;
	s25 =	smul.u32 @!p0 $0x6, s25  }
0x40: {  	s29 =	sor.u32 @!p0 s8, s28;
	s26 =	sadd.s32 @!p0 s26, s7;
	s24 =	sadd.s32 @!p1 $0x1, s24  }
0x41: {  	s26 =	sshll.u32 @!p0 s26, $0xC;
	_ =	swait.ge @!p1 [sflag:s24], $0x1000;
	s25 =	ssub.s32 @!p0 s23, s25  }
0x42: {  	s29 =	sadd.s32 @!p0 s26, s29;
	[sflag:s24] =	ssyncset.done @!p1 $0x0;
	s25 =	sand.u32 @!p0 $0xFF, s25  }
0x43: {  	[sflag:s24] =	ssyncadd.s32 @!p1 $0xFFFFF000;
	s24 =	sshrl.u32 @!p0 s29, $0x3;
	s29 =	simm.s32 @!p0 $0x0  }
0x44: {  	s30 =	sadd.s32 @!p0 $0x1, s25;
	s25 =	sshll.u32 @!p0 s25, $0x7;
	s24 =	sadd.s32 @!p0 s4, s24  }
0x45: {  	[tilespmem:s25], [sflag:s30] =	stream.linear.gather @!p0 [hbm4b:s24+s29], $0x20, $0x38;
	[tilespmem:$0x6300] =	vst v63  }
0x46: {  	s24 =	sor.u32 @!p0 s28, s9  }
0x47: {  	s24 =	sadd.s32 @!p0 s26, s24  }
0x48: {  	s24 =	sshrl.u32 @!p0 s24, $0x3  }
0x49: {  	s31 =	sor.u32 @!p0 $0x20, s25;
	s24 =	sadd.s32 @!p0 s4, s24  }
0x4a: {  	[tilespmem:s31], [sflag:s30] =	stream.linear.gather @!p0 [hbm4b:s24+s29], $0x20, $0x38;
	[tilespmem:$0x6300] =	vst v63  }
0x4b: {  	s24 =	sor.u32 @!p0 s28, s10  }
0x4c: {  	s24 =	sadd.s32 @!p0 s26, s24  }
0x4d: {  	s24 =	sshrl.u32 @!p0 s24, $0x3  }
0x4e: {  	s31 =	sor.u32 @!p0 $0x40, s25;
	s24 =	sadd.s32 @!p0 s4, s24  }
0x4f: {  	[tilespmem:s31], [sflag:s30] =	stream.linear.gather @!p0 [hbm4b:s24+s29], $0x20, $0x38;
	[tilespmem:$0x6300] =	vst v63  }
0x50: {  	s24 =	sor.u32 @!p0 s28, s11  }
0x51: {  	s24 =	sadd.s32 @!p0 s26, s24  }
0x52: {  	s26 =	sshrl.u32 @!p0 s24, $0x3  }
0x53: {  	s25 =	sor.u32 @!p0 $0x60, s25;
	s24 =	sadd.s32 $0x2, s21;
	s26 =	sadd.s32 @!p0 s4, s26  }
0x54: {  	[tilespmem:s25], [sflag:s30] =	stream.linear.gather @!p0 [hbm4b:s26+s29], $0x20, $0x38;
	[tilespmem:$0x6300] =	vst v63  }
0x55: {  	p0 =	sgt.u32 s24, $0x63  }
.Ltmp4:
0x56: {  	_ = 	snop;
	(pc) =	sbr.rel @p0 .LBB2_4-.Ltmp4, $1  }
0x57: {  	_ =	sdelay $0x3  }
0x58: {  	s25 =	smul.u32 $0xAB, s24;
	_ =	sdelay $0x1  }
0x59: {  	s25 =	sshrl.u32 s25, $0xA  }
0x5a: {  	s25 =	sand.u32 $0x3F, s25  }
0x5b: {  	s25 =	smul.u32 $0x6, s25;
	_ =	sdelay $0x1  }
0x5c: {  	s31 =	ssub.s32 s24, s25  }
0x5d: {  	s25 =	sand.u32 $0xFF, s31  }
0x5e: {  	s24 =	sadd.s32 $0x1, s25  }
0x5f: {  	_ =	swait.ge [sflag:s24], $0x20  }
0x60: {  	[sflag:s24] =	ssyncset.done $0x0  }
0x61: {  	[sflag:s24] =	ssyncadd.s32 $0xFFFFFFE0  }
0x62: {  	_ =	swait.ge [sflag:s24], $0x20  }
0x63: {  	[sflag:s24] =	ssyncset.done $0x0  }
0x64: {  	[sflag:s24] =	ssyncadd.s32 $0xFFFFFFE0  }
0x65: {  	_ =	swait.ge [sflag:s24], $0x20  }
0x66: {  	[sflag:s24] =	ssyncset.done $0x0  }
0x67: {  	[sflag:s24] =	ssyncadd.s32 $0xFFFFFFE0  }
0x68: {  	_ =	swait.ge [sflag:s24], $0x20  }
0x69: {  	[sflag:s24] =	ssyncset.done $0x0  }
0x6a: {  	s26 =	sshll.u32 s25, $0x7;
	[sflag:s24] =	ssyncadd.s32 $0xFFFFFFE0  }
0x6b: {  	v0 =	vld [tilespmem:s26+$0x0]  }
0x6c: {  	v1 =	vld [tilespmem:s26+$0x10]  }
0x6d: {  	v2 =	vld [tilespmem:s26+$0x20]  }
0x6e: {  	v5 =	vld [tilespmem:s26+$0x30]  }
0x6f: {  	v6 =	vld [tilespmem:s26+$0x40]  }
0x70: {  	v43 =	vld [tilespmem:s26+$0x50];
	v3 =	vshll.u32 v0, $0x2  }
0x71: {  	v8 =	vld [tilespmem:s26+$0x60];
	v4 =	vand.u32 $0xFFFFF000, v0;
	v0 =	vshrl.u32 v0, $0xA;
	v40 =	vshll.u32 v1, $0x2  }
0x72: {  	v9 =	vld [tilespmem:s26+$0x70];
	v41 =	vand.u32 $0xFFFFF000, v1;
	v1 =	vshrl.u32 v1, $0xA;
	v42 =	vshll.u32 v2, $0x2  }
0x73: {  	v7 =	vand.u32 $0xFFFFF000, v2;
	v2 =	vshrl.u32 v2, $0xA;
	v44 =	vshll.u32 v5, $0x2  }
0x74: {  	v45 =	vand.u32 $0xFFFFF000, v5;
	v5 =	vshrl.u32 v5, $0xA;
	v47 =	vshll.u32 v6, $0x2  }
0x75: {  	v48 =	vand.u32 $0xFFFFF000, v6;
	v49 =	vshrl.u32 v6, $0xA;
	v50 =	vshll.u32 v43, $0x2  }
0x76: {  	v10 =	vand.u32 $0xFFFFF000, v43;
	v54 =	vshll.u32 v8, $0x2;
	v55 =	vand.u32 $0xFFFFF000, v8  }
0x77: {  	v56 =	vshrl.u32 v8, $0xA;
	v58 =	vshll.u32 v9, $0x2;
	v59 =	vand.u32 $0xFFFFF000, v9  }
0x78: {  	v60 =	vshrl.u32 v9, $0xA;
	v3 =	vand.u32 $0xFFC, v3;
	v0 =	vand.u32 $0x3, v0  }
0x79: {  	v1 =	vand.u32 $0x3, v1;
	v2 =	vand.u32 $0x3, v2;
	v46 =	vand.u32 $0x3, v5  }
0x7a: {  	v5 =	vand.u32 $0xFFC, v47;
	v6 =	vand.u32 $0xFFC, v50;
	v57 =	vand.u32 $0x3, v56  }
0x7b: {  	v3 =	vor.u32 v4, v3;
	v4 =	vand.u32 $0xFFC, v40;
	v51 =	vor.u32 v10, v6  }
0x7c: {  	v0 =	vor.u32 v0, v3;
	v3 =	vor.u32 v41, v4;
	v4 =	vand.u32 $0xFFC, v42  }
0x7d: {  	v4 =	vor.u32 v7, v4;
	v1 =	vor.u32 v1, v3;
	v3 =	vand.u32 $0xFFC, v44;
	[tilespmem:s26+$0x0] =	vst v0  }
0x7e: {  	v7 =	vshrl.u32 v43, $0xA;
	v2 =	vor.u32 v2, v4;
	v3 =	vor.u32 v45, v3;
	[tilespmem:s26+$0x10] =	vst v1  }
0x7f: {  	v4 =	vor.u32 v48, v5;
	v5 =	vand.u32 $0x3, v49;
	v3 =	vor.u32 v46, v3;
	[tilespmem:s26+$0x20] =	vst v2  }
0x80: {  	v52 =	vand.u32 $0x3, v7;
	v53 =	vor.u32 v5, v4;
	v4 =	vand.u32 $0xFFC, v54;
	[tilespmem:s26+$0x30] =	vst v3  }
.Ltmp5:
0x81: {  	v0 =	vor.u32 v52, v51;
	v2 =	vor.u32 v55, v4;
	[tilespmem:s26+$0x40] =	vst v53;
	v4 =	vand.u32 $0xFFC, v58;
	(pc) =	sbr.rel .LBB2_4-.Ltmp5, $4  }
0x82: {  	v62 =	vand.u32 $0x3, v60;
	[tilespmem:s26+$0x50] =	vst v0;
	v61 =	vor.u32 v57, v2;
	v1 =	vor.u32 v59, v4  }
0x83: {  	s25 =	sshll.u32 s25, $0xC;
	[tilespmem:s26+$0x60] =	vst v61;
	v63 =	vor.u32 v62, v1  }
0x84: {  	s25 =	sor.u32 $0x300, s25;
	[tilespmem:s26+$0x70] =	vst v63  }
0x85: {  	[tilespmem:s25], [sflag:s24] =	stream.indirect.gather [hbm4b:s3+s14], $0x20, s26, s14, $0xb8;
	[tilespmem:$0x6300] =	vst v63  }
.LBB2_6:
0x86: {  	_ =	sfence.sel $0x180000  }
0x87: {  	[bflag:$0x0] =	sbarrier.arrive $0xFFFF  }
0x88: {  	p0 =	sne.s32 s2, $0x0;
	_ =	strace $0x9000004A  }
0x89: {  	s0 =	sadd.s32 @!p0 $0x100000, s0;
	[bflag:$0x2] =	sbarrier.arrive $0xFFFF  }
0x8a: {  	[sflag:s0] =	ssyncadd.tile.s32 @!p0 $0x1;
	_ =	shalt  }
.Lfunc_end2:
_tile_overlayer_lowered:
.L_overlay_start_2:
0x8b: {  	(tag) =	ssettag $0x2  }
0x8c: {  	s0 =	rddreg [dreg:$0x0];
	s2 =	stileid.u32  }
0x8d: {  	s1 =	rddreg [dreg:$0x1];
	p0 =	sne.s32 s2, $0x0  }
0x8e: {  	s3 =	rddreg [dreg:$0x2];
	[bflag:$0x3] =	sbarrier.arrive $0xFFFF;
	s2 =	simm.s32 @!p0 $0x1C07  }
0x8f: {  	[timem:s3], [sflag:s2] =	dma.local @!p0 [hbm:s0], s1  }
0x90: {  	s0 =	simm.s32 @!p0 $0x7  }
0x91: {  	_ =	swait.ge @!p0 [sflag:s0], s1  }
0x92: {  	s1 =	ssub.s32 @!p0 $0x0, s1;
	[sflag:s0] =	ssyncset.done @!p0 $0x0  }
0x93: {  	[sflag:s0] =	ssyncadd.s32 @!p0 s1  }
0x94: {  	[bflag:$0x3] =	sbarrier.arrive $0xFFFF  }
0x95: {  	_ =	shalt  }

// kernel: kernel.7.cloned.1.call-start
scs
__scs_entry_jumppad:
0x0: {  	(pc) =	sbr.rel $0x88, $3  }
0x1: {  	(tag) =	ssettag $0x0;
	lr =	simm.s32 $0x1  }
0x2: {  	[smem:$0x3F9D] =	sst lr;
	_ =	strace $0xD0000000  }
0x3: {  	_ = 	snop  }
0x4: {  	_ = 	snop  }
0x5: {  	_ = 	snop  }
0x6: {  	_ = 	snop  }
0x7: {  	_ = 	snop  }
__scs_overlays_trampoline_lowered:
0x8: {  	[smem:$0x3FAC] =	sst s0  }
0x9: {  	[smem:$0x3FAD] =	sst s1  }
0xa: {  	[smem:$0x3FAE] =	sst s2  }
0xb: {  	[smem:$0x3FAF] =	sst s3  }
0xc: {  	[smem:$0x3FB0] =	sst s4  }
0xd: {  	[smem:$0x3FB1] =	sst s5  }
0xe: {  	[smem:$0x3FB2] =	sst s6  }
0xf: {  	[smem:$0x3FB3] =	sst s7  }
0x10: {  	[smem:$0x3FB4] =	sst s8  }
0x11: {  	[smem:$0x3FB5] =	sst s9;
	s0 =	simm.s32 @!p0 $0x0  }
0x12: {  	s1 =	sld [smem:$0x3F9B];
	s0 =	simm.s32 @p0 $0x1  }
0x13: {  	[smem:$0x3FB6] =	sst s0;
	s0 =	simm.s32 @!p1 $0x0  }
0x14: {  	s2 =	sld [smem:$0x3F9A];
	s0 =	simm.s32 @p1 $0x1  }
0x15: {  	[smem:$0x3FB7] =	sst s0;
	s0 =	simm.s32 @!p2 $0x0  }
0x16: {  	s3 =	sld [smem:$0x3FDB];
	s0 =	simm.s32 @p2 $0x1  }
0x17: {  	s4 =	simm.s32 $0x1BF5;
	[smem:$0x3FB9] =	sst s0  }
0x18: {  	s0 =	sld [smem:$0x3F9C];
	_ =	swait.ge [sflag:s4], $0x0  }
0x19: {  	s7 =	sld [smem:$0x3F9D]  }
0x1a: {  	s8 =	sadd.s32 $0xFFFFE003, lr  }
0x1b: {  	s9 =	sadd.s32 $0xFFFFFEF7, lr;
	s5 =	simm.s32 $0xFFFFFFFF;
	p2 =	slt.u32 s8, $0xFFFFF086  }
0x1c: {  	p1 =	slt.u32 s9, $0xF7A;
	s5 =	simm.s32 @!p2 $0x0  }
0x1d: {  	s5 =	simm.s32 @p1 $0x1;
	p0 =	seq.s32 s7, s2  }
0x1e: {  	s7 =	smul.u32 @!p0 $0xF7A, s2;
	p2 =	seq.s32 @!p0 s5, $0x0  }
0x1f: {  	s9 =	smul.u32 $0xF7A, s1;
	s8 =	simm.s32 @!p0 $0x1BF5;
	p2 =	por !p2, p0  }
0x20: {  	[sflag:s8] =	ssyncset.s32 @!p0 $0xFFFFF086;
	s6 =	sadd.s32 @!p0 s3, s7;
	s7 =	simm.s32 @!p0 $0x108  }
0x21: {  	s3 =	sadd.s32 s3, s9;
	s6 =	sadd.s32 @!p0 $0x88, s6;
	s7 =	simm.s32 @p2 $0x1082  }
0x22: {  	[simem:s7], [sflag:s8] =	dma.local @!p0 [hbm:s6], $0xF7A  }
0x23: {  	s9 =	sor.u32 $0xD0000000, s2;
	s6 =	simm.s32 $0x108;
	_ =	swait.ge @!p0 [sflag:s8], $0x0  }
0x24: {  	s3 =	sadd.s32 $0x88, s3;
	s6 =	simm.s32 @!p1 $0x1082;
	[sflag:s4] =	ssyncset.s32 $0xFFFFF086  }
0x25: {  	[simem:s6], [sflag:s4] =	dma.local [hbm:s3], $0xF7A  }
0x26: {  	[smem:$0x3F9D] =	sst s1;
	(tag) =	ssettag s2;
	_ =	strace s9  }
0x27: {  	s1 =	sld [smem:$0x3FAD]  }
0x28: {  	s2 =	sld [smem:$0x3FAE]  }
0x29: {  	s4 =	sld [smem:$0x3FB0]  }
0x2a: {  	p0 =	seq.s32 s5, $0x0;
	s5 =	sld [smem:$0x3FB1]  }
0x2b: {  	s6 =	sld [smem:$0x3FB2]  }
0x2c: {  	s7 =	sld [smem:$0x3FB3]  }
0x2d: {  	s3 =	simm.s32 $0x108;
	s8 =	sld [smem:$0x3FB4]  }
0x2e: {  	s3 =	simm.s32 @!p0 $0x1082;
	s9 =	sld [smem:$0x3FB5]  }
0x2f: {  	lr =	sadd.s32 s0, s3;
	s0 =	sld [smem:$0x3FAC]  }
0x30: {  	s3 =	sld [smem:$0x3FAF]  }
0x31: {  	[smem:$0x3FB8] =	sst s10  }
0x32: {  	s10 =	sld [smem:$0x3FB6];
	_ =	sdelay $0x3  }
0x33: {  	p0 =	seq.s32 s10, $0x1;
	s10 =	sld [smem:$0x3FB8];
	_ =	sdelay $0x3  }
0x34: {  	[smem:$0x3FB8] =	sst s10  }
0x35: {  	s10 =	sld [smem:$0x3FB7];
	_ =	sdelay $0x3  }
0x36: {  	p1 =	seq.s32 s10, $0x1;
	s10 =	sld [smem:$0x3FB8];
	_ =	sdelay $0x3  }
0x37: {  	[smem:$0x3FB8] =	sst s10  }
0x38: {  	s10 =	sld [smem:$0x3FB9]  }
0x39: {  	_ = 	snop;
	(pc) =	sbr.ind lr, $3  }
0x3a: {  	_ = 	snop  }
0x3b: {  	_ = 	snop  }
0x3c: {  	p2 =	seq.s32 s10, $0x1;
	s10 =	sld [smem:$0x3FB8]  }
0x3d: {  	_ =	shalt  }
0x3e: {  	_ =	shalt  }
0x3f: {  	_ =	shalt  }
0x40: {  	_ =	shalt  }
0x41: {  	_ =	shalt  }
0x42: {  	_ =	shalt  }
0x43: {  	_ =	shalt  }
0x44: {  	_ =	shalt  }
0x45: {  	_ =	shalt  }
0x46: {  	_ =	shalt  }
0x47: {  	_ =	shalt  }
0x48: {  	_ =	shalt  }
0x49: {  	_ =	shalt  }
0x4a: {  	_ =	shalt  }
0x4b: {  	_ =	shalt  }
0x4c: {  	_ =	shalt  }
0x4d: {  	_ =	shalt  }
0x4e: {  	_ =	shalt  }
0x4f: {  	_ =	shalt  }
0x50: {  	_ =	shalt  }
0x51: {  	_ =	shalt  }
0x52: {  	_ =	shalt  }
0x53: {  	_ =	shalt  }
0x54: {  	_ =	shalt  }
0x55: {  	_ =	shalt  }
0x56: {  	_ =	shalt  }
0x57: {  	_ =	shalt  }
0x58: {  	_ =	shalt  }
0x59: {  	_ =	shalt  }
0x5a: {  	_ =	shalt  }
0x5b: {  	_ =	shalt  }
0x5c: {  	_ =	shalt  }
0x5d: {  	_ =	shalt  }
0x5e: {  	_ =	shalt  }
0x5f: {  	_ =	shalt  }
0x60: {  	_ =	shalt  }
0x61: {  	_ =	shalt  }
0x62: {  	_ =	shalt  }
0x63: {  	_ =	shalt  }
0x64: {  	_ =	shalt  }
0x65: {  	_ =	shalt  }
0x66: {  	_ =	shalt  }
0x67: {  	_ =	shalt  }
0x68: {  	_ =	shalt  }
0x69: {  	_ =	shalt  }
0x6a: {  	_ =	shalt  }
0x6b: {  	_ =	shalt  }
0x6c: {  	_ =	shalt  }
0x6d: {  	_ =	shalt  }
0x6e: {  	_ =	shalt  }
0x6f: {  	_ =	shalt  }
0x70: {  	_ =	shalt  }
0x71: {  	_ =	shalt  }
0x72: {  	_ =	shalt  }
0x73: {  	_ =	shalt  }
0x74: {  	_ =	shalt  }
0x75: {  	_ =	shalt  }
0x76: {  	_ =	shalt  }
0x77: {  	_ =	shalt  }
0x78: {  	_ =	shalt  }
0x79: {  	_ =	shalt  }
0x7a: {  	_ =	shalt  }
0x7b: {  	_ =	shalt  }
0x7c: {  	_ =	shalt  }
0x7d: {  	_ =	shalt  }
0x7e: {  	_ =	shalt  }
0x7f: {  	_ =	shalt  }
0x80: {  	_ =	shalt  }
0x81: {  	_ =	shalt  }
0x82: {  	_ =	shalt  }
0x83: {  	_ =	shalt  }
0x84: {  	_ =	shalt  }
0x85: {  	_ =	shalt  }
0x86: {  	_ =	shalt  }
0x87: {  	_ =	shalt  }
.Lfunc_end0:
.L_simem_size_0:
called_computation_lowered:
.L_overlay_start_0:
0x88: {  	s2 =	sld [smem:$0x3FD9]  }
0x89: {  	s3 =	sld [smem:$0x3FFE];
	_ =	sdelay $0x1  }
0x8a: {  	s1 =	srdreg.scid  }
0x8b: {  	s0 =	sand.u32 $0x1, s1  }
0x8c: {  	s16 =	sshll.u32 s0, $0xA;
	s2 =	sadd.s32 s3, s2  }
0x8d: {  	s2 =	sadd.s32 s2, s16  }
0x8e: {  	[smem:$0x3FC4] =	sst s2  }
0x8f: {  	_ = 	snop  }
0x90: {  	(tm) =	ssettm $0x1  }
0x91: {  	s17 =	sld [smem:$0x3FFB];
	_ =	sdelay $0x3  }
0x92: {  	_ =	strace s17  }
0x93: {  	s2 =	sld [smem:$0x3FFC];
	_ =	sdelay $0x3  }
0x94: {  	_ =	strace s2  }
0x95: {  	s2 =	sld [smem:$0x3FFD];
	_ =	sdelay $0x3  }
0x96: {  	_ =	strace s2  }
0x97: {  	_ =	strace $0x8FFFFFFF  }
0x98: {  	s18 =	sld [smem:$0x3FDB];
	_ =	sdelay $0x1  }
0x99: {  	s19 =	simm.s32 $_scs_section_size  }
0x9a: {  	s4 =	simm.s32 $_size__tile_overlayer_lowered;
	s5 =	simm.s32 $_tile_overlayer_lowered  }
0x9b: {  	s22 =	simm.s32 $0x1BFF;
	s21 =	sshll.u32 s5, $0x1;
	s2 =	sadd.s32 s19, s18  }
0x9c: {  	s6 =	simm.s32 $0x0;
	s20 =	sshll.u32 s4, $0x1;
	s4 =	sadd.s32 s21, s2  }
0x9d: {  	[timem:s6], [sflag:s22] =	dma.local [hbm:s4], s20  }
0x9e: {  	_ =	swait.ge [sflag:s22], s20  }
0x9f: {  	s3 =	ssub.s32 $0x0, s20;
	[sflag:s22] =	ssyncset.done $0x0  }
0xa0: {  	[sflag:s22] =	ssyncadd.s32 s3;
	_ =	sdelay $0x1  }
0xa1: {  	s23 =	simm.s32 $0x1B8B  }
0xa2: {  	_ =	swait.ge [sflag:s23], $0x1  }
0xa3: {  	[sflag:s23] =	ssyncset.done $0x0  }
0xa4: {  	s25 =	simm.s32 $0x1B8E;
	s24 =	sld [smem:$0x3FFE];
	[sflag:s23] =	ssyncadd.s32 $0xFFFFFFFF  }
0xa5: {  	s26 =	simm.s32 $execute0_lowered;
	[smem:$0x3FD2] =	sst s25  }
0xa6: {  	s4 =	sshll.u32 s26, $0x1;
	_ =	strace $0x80000046;
	[dreg:$0x1] =	wrdreg $0xFFFFFFFF  }
0xa7: {  	s28 =	simm.s32 $_size_execute0_lowered;
	s2 =	sadd.s32 s2, s4;
	[dreg:$0x0] =	wrdreg $0x0  }
0xa8: {  	s4 =	sshll.u32 s28, $0x1;
	[dreg:$0x2] =	wrdreg s2  }
0xa9: {  	[dreg:$0x3] =	wrdreg s4  }
0xaa: {  	[dreg:$0x4] =	wrdreg $0xC0  }
0xab: {  	_ =	task [dreg:s6], $0x5FFFF  }
0xac: {  	[dreg:$0x1] =	wrdreg $0xFFFFFFFF  }
0xad: {  	[dreg:$0x0] =	wrdreg $0x60  }
0xae: {  	[dreg:$0x2] =	wrdreg s24  }
0xaf: {  	[dreg:$0x3] =	wrdreg $0x9  }
0xb0: {  	_ =	task.clear_ibuf [dreg:s6], $0x4FFFF;
	_ =	strace $0x90000046  }
0xb1: {  	s29 =	simm.s32 $0x9;
	_ =	strace $0x80000048  }
0xb2: {  	_ =	swait.ge [sflag:s29], $0x1  }
0xb3: {  	[sflag:s29] =	ssyncadd.s32 $0xFFFFFFFF  }
0xb4: {  	_ =	strace $0x90000048  }
0xb5: {  	_ =	sfence  }
0xb6: {  	s30 =	sld [smem:$0x0];
	_ =	sdelay $0x2  }
0xb7: {  	s31 =	sshll.u32 s1, $0xD;
	s1 =	sshrl.u32 s1, $0x2  }
0xb8: {  	s3 =	sand.u32 $0x4000, s31;
	s1 =	sadd.s32 s1, s30  }
0xb9: {  	s0 =	sor.u32 s3, s0;
	s1 =	sshll.u32 s1, $0x11  }
0xba: {  	s0 =	sor.u32 s1, s0  }
0xbb: {  	s0 =	sadd.s32 $0x8F2B, s0  }
0xbc: {  	[sflag:s0] =	ssyncadd.remote.s32 $0x1  }
0xbd: {  	_ =	sfence.sel $0xFFFF  }
0xbe: {  	[dreg:$0x0] =	wrdreg $0xFFFFFFFF;
	(pc) =	sbr.abs _section_cstart, $3  }
0xbf: {  	[dreg:$0x1] =	wrdreg $0xFFFFFFFF  }
0xc0: {  	_ =	task.clear_ibuf [dreg:s6], $0x2FFFF;
	_ =	strace $0x9FFFFFFF  }
0xc1: {  	(tm) =	ssettm $0x7FFFFFFF  }
tec
execute0_lowered:
.L_overlay_start_1:
0x0: {  	(tag) =	ssettag $0x1  }
0x1: {  	s5 =	rddreg [dreg:$0x0]  }
0x2: {  	s0 =	rddreg [dreg:$0x1];
	s1 =	simm.s32 $0x0;
	s6 =	srdreg.scid  }
0x3: {  	s2 =	stileid.u32;
	s13 =	simm.s32 $0x80;
	s14 =	simm.s32 $0x5  }
0x4: {  	s15 =	simm.s32 $0x6;
	s16 =	simm.s32 $0x1;
	s17 =	simm.s32 $0x2  }
0x5: {  	s18 =	simm.s32 $0x3;
	s19 =	simm.s32 $0x4;
	[smem:$0x7FF] =	sst s1  }
0x6: {  	s3 =	sadd.s32 $0x19E00, s5;
	s4 =	sadd.s32 $0xE00, s5;
	s6 =	sand.u32 $0x1, s6  }
0x7: {  	s7 =	sshll.u32 s2, $0x1;
	s8 =	sshrl.u32 s2, $0x2;
	s9 =	ssub.s32 $0x2, s6  }
.Ltmp0:
0x8: {  	s6 =	sor.u32 s6, s7;
	s31 =	sshll.u32 s8, $0x3;
	(pc) =	sbr.rel .LBB2_1-.Ltmp0, $4  }
0x9: {  	s5 =	sadd.s32 $0x3EDE00, s5;
	_ =	strace $0x80000047;
	s11 =	ssub.s32 s6, s31  }
0xa: {  	s10 =	sshrl.u32 s9, $0x1;
	s6 =	smul.u32 $0x19, s8;
	s7 =	sshll.u32 s11, $0x7  }
0xb: {  	s12 =	ssub.s32 s9, s10;
	s11 =	sshll.u32 s11, $0xE;
	s8 =	sadd.s32 $0x400, s7  }
0xc: {  	s9 =	sadd.s32 $0x800, s7;
	s10 =	sadd.s32 $0xC00, s7;
	s12 =	smax.u32 s12, $0x1  }
.LBB2_5:
0xd: {  	_ =	swait.ge [sflag:s14], $0x1000  }
0xe: {  	[sflag:s14] =	ssyncset.done $0x0  }
0xf: {  	[sflag:s14] =	ssyncadd.s32 $0xFFFFF000  }
0x10: {  	_ =	swait.ge [sflag:s15], $0x1000  }
0x11: {  	[sflag:s15] =	ssyncset.done $0x0  }
0x12: {  	[sflag:s15] =	ssyncadd.s32 $0xFFFFF000  }
0x13: {  	_ =	swait.ge [sflag:s16], $0x1000  }
0x14: {  	[sflag:s16] =	ssyncset.done $0x0  }
0x15: {  	[sflag:s16] =	ssyncadd.s32 $0xFFFFF000  }
0x16: {  	_ =	swait.ge [sflag:s17], $0x1000  }
0x17: {  	[sflag:s17] =	ssyncset.done $0x0  }
0x18: {  	s1 =	sadd.s32 $0x1, s1;
	[sflag:s17] =	ssyncadd.s32 $0xFFFFF000  }
0x19: {  	p0 =	sne.s32 s1, s12;
	_ =	swait.ge [sflag:s18], $0x1000  }
.Ltmp1:
0x1a: {  	[sflag:s18] =	ssyncset.done $0x0;
	(pc) =	sbr.rel @!p0 .LBB2_6-.Ltmp1, $4  }
0x1b: {  	[sflag:s18] =	ssyncadd.s32 $0xFFFFF000  }
0x1c: {  	_ =	swait.ge [sflag:s19], $0x1000  }
0x1d: {  	[sflag:s19] =	ssyncset.done $0x0  }
0x1e: {  	[sflag:s19] =	ssyncadd.s32 $0xFFFFF000  }
.LBB2_1:
.Ltmp2:
0x1f: {  	(pc) =	sbr.rel .LBB2_2-.Ltmp2, $2  }
0x20: {  	_ =	sdelay $0x2  }
0x21: {  	s20 =	simm.s32 $0xFFFFFFFC;
	s21 =	simm.s32 $0x0  }
.LBB2_4:
0x22: {  	p0 =	slt.u32 s22, $0x4  }
0x23: {  	s23 =	sand.u32 @!p0 $0xFF, s20  }
0x24: {  	s23 =	smul.u32 @!p0 $0xAB, s23;
	_ =	sdelay $0x1  }
0x25: {  	s23 =	sshrl.u32 @!p0 s23, $0xA  }
0x26: {  	s24 =	sshrl.u32 @!p0 s20, $0x2;
	s23 =	smul.u32 @!p0 $0x6, s23  }
0x27: {  	s24 =	sadd.s32 @!p0 s6, s24  }
0x28: {  	s22 =	sand.u32 @!p0 $0x3, s22;
	s24 =	sshll.u32 @!p0 s24, $0x11;
	s23 =	ssub.s32 @!p0 s20, s23  }
0x29: {  	s22 =	sshll.u32 @!p0 s22, $0xC;
	s24 =	sadd.s32 @!p0 s11, s24;
	s23 =	sand.u32 @!p0 $0xFF, s23  }
0x2a: {  	s22 =	sor.u32 @!p0 s22, s24;
	s25 =	sadd.s32 @!p0 $0x1, s23  }
0x2b: {  	s24 =	simm.s32 @!p0 $0x0;
	s22 =	sshrl.u32 @!p0 s22, $0x3;
	_ =	swait.ge @!p0 [sflag:s25], $0x1000  }
0x2c: {  	s22 =	sadd.s32 @!p0 s5, s22;
	s23 =	sshll.u32 @!p0 s23, $0xC;
	[sflag:s25] =	ssyncset.done @!p0 $0x0  }
0x2d: {  	s20 =	sadd.s32 $0x1, s20;
	s23 =	sor.u32 @!p0 $0x300, s23;
	[sflag:s25] =	ssyncadd.s32 @!p0 $0xFFFFF000  }
0x2e: {  	[hbm4b:s22+s24] =	stream.linear.scatter @!p0 [tilespmem:s23], [sflag:s25], $0x1000, $0x38;
	[tilespmem:$0x6300] =	vst v63  }
0x2f: {  	p0 =	sne.s32 s20, $0x64  }
.Ltmp3:
0x30: {  	_ = 	snop;
	(pc) =	sbr.rel @!p0 .LBB2_5-.Ltmp3, $2  }
0x31: {  	_ =	sdelay $0x2  }
0x32: {  	s21 =	sadd.s32 $0x20, s21  }
.LBB2_2:
0x33: {  	s22 =	sadd.s32 $0x4, s20  }
0x34: {  	p0 =	sgt.u32 s22, $0x63  }
0x35: {  	p1 =	slt.u32 @!p0 s22, $0x6  }
0x36: {  	p1 =	por p1, p0  }
0x37: {  	s23 =	sadd.s32 @!p1 $0xFFFFFFFA, s22  }
0x38: {  	s24 =	sand.u32 @!p1 $0xFF, s23  }
0x39: {  	s24 =	smul.u32 @!p1 $0xAB, s24;
	_ =	sdelay $0x1  }
0x3a: {  	s25 =	smul.u32 @!p0 $0xAB, s22;
	s24 =	sshrl.u32 @!p1 s24, $0xA  }
0x3b: {  	s24 =	smul.u32 @!p1 $0x6, s24;
	_ =	sdelay $0x1  }
0x3c: {  	s23 =	ssub.s32 @!p1 s23, s24;
	s24 =	sshrl.u32 @!p0 s25, $0xA  }
0x3d: {  	s26 =	sand.u32 @!p0 $0x60, s21;
	s24 =	sand.u32 @!p0 $0x3F, s24  }
0x3e: {  	s25 =	sshrl.u32 @!p0 s22, $0x2;
	s23 =	sand.u32 @!p1 $0xFF, s23;
	s24 =	smul.u32 @!p0 $0x6, s24  }
0x3f: {  	s28 =	sor.u32 @!p0 s7, s26;
	s25 =	sadd.s32 @!p0 s6, s25;
	s23 =	sadd.s32 @!p1 $0x1, s23  }
0x40: {  	s25 =	sshll.u32 @!p0 s25, $0xC;
	_ =	swait.ge @!p1 [sflag:s23], $0x1000;
	s24 =	ssub.s32 @!p0 s22, s24  }
0x41: {  	s28 =	sadd.s32 @!p0 s25, s28;
	[sflag:s23] =	ssyncset.done @!p1 $0x0;
	s24 =	sand.u32 @!p0 $0xFF, s24  }
0x42: {  	[sflag:s23] =	ssyncadd.s32 @!p1 $0xFFFFF000;
	s23 =	sshrl.u32 @!p0 s28, $0x3;
	s28 =	simm.s32 @!p0 $0x0  }
0x43: {  	s29 =	sadd.s32 @!p0 $0x1, s24;
	s24 =	sshll.u32 @!p0 s24, $0x7;
	s23 =	sadd.s32 @!p0 s4, s23  }
0x44: {  	[tilespmem:s24], [sflag:s29] =	stream.linear.gather @!p0 [hbm4b:s23+s28], $0x20, $0x38;
	[tilespmem:$0x6300] =	vst v63  }
0x45: {  	s23 =	sor.u32 @!p0 s26, s8  }
0x46: {  	s23 =	sadd.s32 @!p0 s25, s23  }
0x47: {  	s23 =	sshrl.u32 @!p0 s23, $0x3  }
0x48: {  	s30 =	sor.u32 @!p0 $0x20, s24;
	s23 =	sadd.s32 @!p0 s4, s23  }
0x49: {  	[tilespmem:s30], [sflag:s29] =	stream.linear.gather @!p0 [hbm4b:s23+s28], $0x20, $0x38;
	[tilespmem:$0x6300] =	vst v63  }
0x4a: {  	s23 =	sor.u32 @!p0 s26, s9  }
0x4b: {  	s23 =	sadd.s32 @!p0 s25, s23  }
0x4c: {  	s23 =	sshrl.u32 @!p0 s23, $0x3  }
0x4d: {  	s30 =	sor.u32 @!p0 $0x40, s24;
	s23 =	sadd.s32 @!p0 s4, s23  }
0x4e: {  	[tilespmem:s30], [sflag:s29] =	stream.linear.gather @!p0 [hbm4b:s23+s28], $0x20, $0x38;
	[tilespmem:$0x6300] =	vst v63  }
0x4f: {  	s23 =	sor.u32 @!p0 s26, s10  }
0x50: {  	s23 =	sadd.s32 @!p0 s25, s23  }
0x51: {  	s25 =	sshrl.u32 @!p0 s23, $0x3  }
0x52: {  	s24 =	sor.u32 @!p0 $0x60, s24;
	s23 =	sadd.s32 $0x2, s20;
	s25 =	sadd.s32 @!p0 s4, s25  }
0x53: {  	[tilespmem:s24], [sflag:s29] =	stream.linear.gather @!p0 [hbm4b:s25+s28], $0x20, $0x38;
	[tilespmem:$0x6300] =	vst v63  }
0x54: {  	p0 =	sgt.u32 s23, $0x63  }
.Ltmp4:
0x55: {  	_ = 	snop;
	(pc) =	sbr.rel @p0 .LBB2_4-.Ltmp4, $1  }
0x56: {  	_ =	sdelay $0x3  }
0x57: {  	s24 =	smul.u32 $0xAB, s23;
	_ =	sdelay $0x1  }
0x58: {  	s24 =	sshrl.u32 s24, $0xA  }
0x59: {  	s24 =	sand.u32 $0x3F, s24  }
0x5a: {  	s24 =	smul.u32 $0x6, s24;
	_ =	sdelay $0x1  }
0x5b: {  	s31 =	ssub.s32 s23, s24  }
0x5c: {  	s24 =	sand.u32 $0xFF, s31  }
0x5d: {  	s23 =	sadd.s32 $0x1, s24  }
0x5e: {  	_ =	swait.ge [sflag:s23], $0x20  }
0x5f: {  	[sflag:s23] =	ssyncset.done $0x0  }
0x60: {  	[sflag:s23] =	ssyncadd.s32 $0xFFFFFFE0  }
0x61: {  	_ =	swait.ge [sflag:s23], $0x20  }
0x62: {  	[sflag:s23] =	ssyncset.done $0x0  }
0x63: {  	[sflag:s23] =	ssyncadd.s32 $0xFFFFFFE0  }
0x64: {  	_ =	swait.ge [sflag:s23], $0x20  }
0x65: {  	[sflag:s23] =	ssyncset.done $0x0  }
0x66: {  	[sflag:s23] =	ssyncadd.s32 $0xFFFFFFE0  }
0x67: {  	_ =	swait.ge [sflag:s23], $0x20  }
0x68: {  	[sflag:s23] =	ssyncset.done $0x0  }
0x69: {  	s25 =	sshll.u32 s24, $0x7;
	[sflag:s23] =	ssyncadd.s32 $0xFFFFFFE0  }
0x6a: {  	v0 =	vld [tilespmem:s25+$0x0]  }
0x6b: {  	v1 =	vld [tilespmem:s25+$0x10]  }
0x6c: {  	v2 =	vld [tilespmem:s25+$0x20]  }
0x6d: {  	v5 =	vld [tilespmem:s25+$0x30]  }
0x6e: {  	v6 =	vld [tilespmem:s25+$0x40]  }
0x6f: {  	v43 =	vld [tilespmem:s25+$0x50];
	v3 =	vshll.u32 v0, $0x2  }
0x70: {  	v8 =	vld [tilespmem:s25+$0x60];
	v4 =	vand.u32 $0xFFFFF000, v0;
	v0 =	vshrl.u32 v0, $0xA;
	v40 =	vshll.u32 v1, $0x2  }
0x71: {  	v9 =	vld [tilespmem:s25+$0x70];
	v41 =	vand.u32 $0xFFFFF000, v1;
	v1 =	vshrl.u32 v1, $0xA;
	v42 =	vshll.u32 v2, $0x2  }
0x72: {  	v7 =	vand.u32 $0xFFFFF000, v2;
	v2 =	vshrl.u32 v2, $0xA;
	v44 =	vshll.u32 v5, $0x2  }
0x73: {  	v45 =	vand.u32 $0xFFFFF000, v5;
	v5 =	vshrl.u32 v5, $0xA;
	v47 =	vshll.u32 v6, $0x2  }
0x74: {  	v48 =	vand.u32 $0xFFFFF000, v6;
	v49 =	vshrl.u32 v6, $0xA;
	v50 =	vshll.u32 v43, $0x2  }
0x75: {  	v10 =	vand.u32 $0xFFFFF000, v43;
	v54 =	vshll.u32 v8, $0x2;
	v55 =	vand.u32 $0xFFFFF000, v8  }
0x76: {  	v56 =	vshrl.u32 v8, $0xA;
	v58 =	vshll.u32 v9, $0x2;
	v59 =	vand.u32 $0xFFFFF000, v9  }
0x77: {  	v60 =	vshrl.u32 v9, $0xA;
	v3 =	vand.u32 $0xFFC, v3;
	v0 =	vand.u32 $0x3, v0  }
0x78: {  	v1 =	vand.u32 $0x3, v1;
	v2 =	vand.u32 $0x3, v2;
	v46 =	vand.u32 $0x3, v5  }
0x79: {  	v5 =	vand.u32 $0xFFC, v47;
	v6 =	vand.u32 $0xFFC, v50;
	v57 =	vand.u32 $0x3, v56  }
0x7a: {  	v3 =	vor.u32 v4, v3;
	v4 =	vand.u32 $0xFFC, v40;
	v51 =	vor.u32 v10, v6  }
0x7b: {  	v0 =	vor.u32 v0, v3;
	v3 =	vor.u32 v41, v4;
	v4 =	vand.u32 $0xFFC, v42  }
0x7c: {  	v4 =	vor.u32 v7, v4;
	v1 =	vor.u32 v1, v3;
	v3 =	vand.u32 $0xFFC, v44;
	[tilespmem:s25+$0x0] =	vst v0  }
0x7d: {  	v7 =	vshrl.u32 v43, $0xA;
	v2 =	vor.u32 v2, v4;
	v3 =	vor.u32 v45, v3;
	[tilespmem:s25+$0x10] =	vst v1  }
0x7e: {  	v4 =	vor.u32 v48, v5;
	v5 =	vand.u32 $0x3, v49;
	v3 =	vor.u32 v46, v3;
	[tilespmem:s25+$0x20] =	vst v2  }
0x7f: {  	v52 =	vand.u32 $0x3, v7;
	v53 =	vor.u32 v5, v4;
	v4 =	vand.u32 $0xFFC, v54;
	[tilespmem:s25+$0x30] =	vst v3  }
.Ltmp5:
0x80: {  	v0 =	vor.u32 v52, v51;
	v2 =	vor.u32 v55, v4;
	[tilespmem:s25+$0x40] =	vst v53;
	v4 =	vand.u32 $0xFFC, v58;
	(pc) =	sbr.rel .LBB2_4-.Ltmp5, $4  }
0x81: {  	v62 =	vand.u32 $0x3, v60;
	[tilespmem:s25+$0x50] =	vst v0;
	v61 =	vor.u32 v57, v2;
	v1 =	vor.u32 v59, v4  }
0x82: {  	s24 =	sshll.u32 s24, $0xC;
	[tilespmem:s25+$0x60] =	vst v61;
	v63 =	vor.u32 v62, v1  }
0x83: {  	s24 =	sor.u32 $0x300, s24;
	[tilespmem:s25+$0x70] =	vst v63  }
0x84: {  	[tilespmem:s24], [sflag:s23] =	stream.indirect.gather [hbm4b:s3+s13], $0x20, s25, s13, $0xb8;
	[tilespmem:$0x6300] =	vst v63  }
.LBB2_6:
0x85: {  	_ =	sfence.sel $0x180000  }
0x86: {  	[bflag:$0x0] =	sbarrier.arrive $0xFFFF  }
0x87: {  	p0 =	sne.s32 s2, $0x0;
	_ =	strace $0x90000047  }
0x88: {  	s0 =	sadd.s32 @!p0 $0x100000, s0;
	[bflag:$0x2] =	sbarrier.arrive $0xFFFF  }
0x89: {  	[sflag:s0] =	ssyncadd.tile.s32 @!p0 $0x1;
	_ =	shalt  }
.Lfunc_end2:
_tile_overlayer_lowered:
.L_overlay_start_2:
0x8a: {  	(tag) =	ssettag $0x2  }
0x8b: {  	s0 =	rddreg [dreg:$0x0];
	s2 =	stileid.u32  }
0x8c: {  	s1 =	rddreg [dreg:$0x1];
	p0 =	sne.s32 s2, $0x0  }
0x8d: {  	s3 =	rddreg [dreg:$0x2];
	[bflag:$0x3] =	sbarrier.arrive $0xFFFF;
	s2 =	simm.s32 @!p0 $0x1C07  }
0x8e: {  	[timem:s3], [sflag:s2] =	dma.local @!p0 [hbm:s0], s1  }
0x8f: {  	s0 =	simm.s32 @!p0 $0x7  }
0x90: {  	_ =	swait.ge @!p0 [sflag:s0], s1  }
0x91: {  	s1 =	ssub.s32 @!p0 $0x0, s1;
	[sflag:s0] =	ssyncset.done @!p0 $0x0  }
0x92: {  	[sflag:s0] =	ssyncadd.s32 @!p0 s1  }
0x93: {  	[bflag:$0x3] =	sbarrier.arrive $0xFFFF  }
0x94: {  	_ =	shalt  }

</sc_bundles>
